<compile_context>
chip_gen: v7x
topology: tpu7x:2x2x1
jax: 0.10.2.dev20260603
libtpu: 0.0.44.dev20260713+nightly
codegen_flags: <defaults>
</compile_context>

<pallas_src>
import functools

import jax
import jax.numpy as jnp
from jax import lax
from jax.experimental import pallas as pl
from jax.experimental.pallas import tpu as pltpu
from jax.experimental.pallas import tpu_sc as plsc

A = 10000
NBH = 32
F = 128
G = 32
H = 8
DH = F // H
CUTOFF = 5.0

TA = 200
ROWS = A * NBH
NW = 32
P = 5
AP = A // P
ROWS_P = AP * NBH
BPW = ROWS_P // NW
CH = 400
NCH = BPW // CH
NBUF = 2


def _h_body(x_ref, e_ref, t_ref, o_ref):
    o_ref[:] = x_ref[:] + e_ref[:] + t_ref[:]


def _compute_h(xs, es, ts):
    hb = A // 10
    return pl.pallas_call(
        _h_body,
        grid=(10,),
        in_specs=[pl.BlockSpec((hb, F), lambda i: (i, 0))] * 3,
        out_specs=pl.BlockSpec((hb, F), lambda i: (i, 0)),
        out_shape=jax.ShapeDtypeStruct((A, F), jnp.float32),
    )(xs, es, ts)


def _sc_gather_part(h, idx, p):
    mesh = plsc.VectorSubcoreMesh(core_axis_name="c", subcore_axis_name="s")

    @functools.partial(
        pl.kernel,
        mesh=mesh,
        out_type=jax.ShapeDtypeStruct((ROWS_P, F), jnp.float32),
        scratch_types=[
            pltpu.VMEM((BPW,), jnp.int32),
        ] + [pltpu.VMEM((CH, F), jnp.float32)] * NBUF
          + [pltpu.SemaphoreType.DMA] * (2 * NBUF),
    )
    def gk(h_hbm, idx_hbm, out_hbm, idx_v, *bufs):
        rows = list(bufs[:NBUF])
        gsem = list(bufs[NBUF:2 * NBUF])
        ssem = list(bufs[2 * NBUF:])
        wid = lax.axis_index("s") * 2 + lax.axis_index("c")
        obase = wid * BPW
        pltpu.sync_copy(idx_hbm.at[pl.ds(p * ROWS_P + obase, BPW)], idx_v)
        gcp = [None] * NCH
        scp = [None] * NCH
        for j in range(min(NBUF, NCH)):
            gcp[j] = pltpu.async_copy(
                h_hbm.at[idx_v.at[pl.ds(j * CH, CH)]], rows[j], gsem[j])
        for i in range(NCH):
            b = i % NBUF
            gcp[i].wait()
            scp[i] = pltpu.async_copy(
                rows[b], out_hbm.at[pl.ds(obase + i * CH, CH)], ssem[b])
            nxt = i + NBUF
            if nxt < NCH:
                scp[i].wait()
                gcp[nxt] = pltpu.async_copy(
                    h_hbm.at[idx_v.at[pl.ds(nxt * CH, CH)]], rows[b], gsem[b])
        for i in range(max(0, NCH - NBUF), NCH):
            scp[i].wait()

    return gk(h, idx)


def _fused_body(nbh_ref, f_ref, r_ref, mk_ref, x_ref, h_ref,
                wf_ref, b_ref, wq_ref, wk_ref, wv_ref, wo_ref, o_ref):
    wfilt = jnp.dot(f_ref[:], wf_ref[:], preferred_element_type=jnp.float32)
    wfilt3 = (wfilt + b_ref[:]).reshape(TA, NBH, F)
    r = r_ref[:]
    c = 0.5 * (jnp.cos(r * (jnp.pi / CUTOFF)) + 1.0)
    c = jnp.where(r < CUTOFF, c, 0.0) * mk_ref[:]
    c3 = lax.broadcast_in_dim(c, (TA, NBH, 1), (0, 1))
    m3 = nbh_ref[:] * (wfilt3 * c3)
    m = m3.reshape(TA * NBH, F).astype(jnp.bfloat16)
    k = jnp.dot(m, wk_ref[:], preferred_element_type=jnp.float32)
    v = jnp.dot(m, wv_ref[:], preferred_element_type=jnp.float32)
    q = jnp.dot(h_ref[:].astype(jnp.bfloat16), wq_ref[:],
                preferred_element_type=jnp.float32)
    q3 = lax.broadcast_in_dim(q, (TA, NBH, F), (0, 2))
    qk = (q3 * k.reshape(TA, NBH, F)).reshape(TA * NBH, F)
    di = lax.broadcasted_iota(jnp.int32, (F, H), 0) // DH
    hi = lax.broadcasted_iota(jnp.int32, (F, H), 1)
    s = (di == hi).astype(jnp.bfloat16) * jnp.bfloat16(1.0 / (DH ** 0.5))
    dit = lax.broadcasted_iota(jnp.int32, (H, F), 1) // DH
    hit = lax.broadcasted_iota(jnp.int32, (H, F), 0)
    st = (dit == hit).astype(jnp.bfloat16)
    logits = jnp.dot(qk.astype(jnp.bfloat16), s,
                     preferred_element_type=jnp.float32)
    ex = jnp.exp(logits.reshape(TA, NBH, H))
    den = jnp.sum(ex, axis=1)
    aw = jnp.dot(ex.reshape(TA * NBH, H).astype(jnp.bfloat16), st,
                 preferred_element_type=jnp.float32)
    agg = (aw * v).reshape(TA, NBH, F).sum(axis=1)
    den128 = jnp.dot(den.astype(jnp.bfloat16), st,
                     preferred_element_type=jnp.float32)
    agg = agg / den128
    o_ref[:] = x_ref[:] + jnp.dot(agg.astype(jnp.bfloat16), wo_ref[:],
                                  preferred_element_type=jnp.float32)


def _fused_part(p, nbh_p, f2, r2, mk2, xs, h, wfb, b2, wqb, wkb, wvb, wob):
    nb = AP // TA
    o = p * nb
    return pl.pallas_call(
        _fused_body,
        grid=(nb,),
        in_specs=[
            pl.BlockSpec((TA, NBH, F), lambda i: (i, 0, 0)),
            pl.BlockSpec((TA * NBH, G), lambda i: (i + o, 0)),
            pl.BlockSpec((TA, NBH), lambda i: (i + o, 0)),
            pl.BlockSpec((TA, NBH), lambda i: (i + o, 0)),
            pl.BlockSpec((TA, F), lambda i: (i + o, 0)),
            pl.BlockSpec((TA, F), lambda i: (i + o, 0)),
            pl.BlockSpec((G, F), lambda i: (0, 0)),
            pl.BlockSpec((1, F), lambda i: (0, 0)),
            pl.BlockSpec((F, F), lambda i: (0, 0)),
            pl.BlockSpec((F, F), lambda i: (0, 0)),
            pl.BlockSpec((F, F), lambda i: (0, 0)),
            pl.BlockSpec((F, F), lambda i: (0, 0)),
        ],
        out_specs=pl.BlockSpec((TA, F), lambda i: (i, 0)),
        out_shape=jax.ShapeDtypeStruct((AP, F), jnp.float32),
    )(nbh_p, f2, r2, mk2, xs, h, wfb, b2, wqb, wkb, wvb, wob)


def kernel(e, x, t, r_ij, neighbors, neighbor_mask, f_ij,
           W_filter, b_filter, Wq, Wk, Wv, Wo):
    xs, es, ts = x[0], e[0], t[0]
    h = _compute_h(xs, es, ts)
    idx = neighbors[0].reshape(ROWS).astype(jnp.int32)
    f2 = f_ij[0].reshape(ROWS, G).astype(jnp.bfloat16)
    r2 = r_ij[0]
    mk2 = neighbor_mask[0]
    b2 = b_filter.reshape(1, F)
    wfb = W_filter.astype(jnp.bfloat16)
    wqb, wkb = Wq.astype(jnp.bfloat16), Wk.astype(jnp.bfloat16)
    wvb, wob = Wv.astype(jnp.bfloat16), Wo.astype(jnp.bfloat16)
    outs = []
    for p in range(P):
        nbh_p = _sc_gather_part(h, idx, p).reshape(AP, NBH, F)
        outs.append(_fused_part(p, nbh_p, f2, r2, mk2, xs, h,
                                wfb, b2, wqb, wkb, wvb, wob))
    out = jnp.concatenate(outs, axis=0)
    return out[None]

# --- scband reference (transcript-rebuilt; emitter-appended) ---
"""Pipeline reference for scband-tdt-interaction-5025111736707 (READ-ONLY COPY).

The authoritative reference and input builder live on the scoring server;
editing this copy changes nothing except your own understanding.
"""

import jax, jax.numpy as jnp
import numpy as np

N_B, N_A, N_NBH = 1, 10000, 32
F = 128
G = 32
H = 8
CUTOFF = 5.0


def cosine_cutoff(r, cutoff):
    c = 0.5 * (jnp.cos(jnp.pi * r / cutoff) + 1.0)
    return jnp.where(r < cutoff, c, 0.0)


def setup_inputs(seed: int = 0):
    key = jax.random.key(seed)
    ks = jax.random.split(key, 14)
    e = jax.random.normal(ks[0], (N_B, N_A, F), dtype=jnp.float32)
    x = jax.random.normal(ks[1], (N_B, N_A, F), dtype=jnp.float32)
    t = jax.random.normal(ks[2], (N_B, N_A, F), dtype=jnp.float32)
    r_ij = jax.random.uniform(ks[3], (N_B, N_A, N_NBH), dtype=jnp.float32) * CUTOFF
    neighbors = jax.random.randint(ks[4], (N_B, N_A, N_NBH), 0, N_A)
    neighbor_mask = jnp.ones((N_B, N_A, N_NBH), dtype=jnp.float32)
    f_ij = jax.random.normal(ks[5], (N_B, N_A, N_NBH, G), dtype=jnp.float32)
    # learned parameters
    W_filter = jax.random.normal(ks[6], (G, F), dtype=jnp.float32) * 0.05
    b_filter = jnp.zeros((F,), dtype=jnp.float32)
    Wq = jax.random.normal(ks[7], (F, F), dtype=jnp.float32) * 0.05
    Wk = jax.random.normal(ks[8], (F, F), dtype=jnp.float32) * 0.05
    Wv = jax.random.normal(ks[9], (F, F), dtype=jnp.float32) * 0.05
    Wo = jax.random.normal(ks[10], (F, F), dtype=jnp.float32) * 0.05
    return {"e": e, "x": x, "t": t, "r_ij": r_ij, "neighbors": neighbors,
            "neighbor_mask": neighbor_mask, "f_ij": f_ij,
            "W_filter": W_filter, "b_filter": b_filter,
            "Wq": Wq, "Wk": Wk, "Wv": Wv, "Wo": Wo}


def reference(e, x, t, r_ij, neighbors, neighbor_mask, f_ij,
              W_filter, b_filter, Wq, Wk, Wv, Wo):
    B, A, NBH = neighbors.shape
    Fdim = x.shape[-1]
    dh = Fdim // H
    # filter network: expand radial basis to feature-sized filters
    Wfilt = f_ij @ W_filter + b_filter  # (B, A, NBH, F)
    # cosine cutoff + padding mask modulate the filters
    C = cosine_cutoff(r_ij, CUTOFF) * neighbor_mask  # (B, A, NBH)
    Wfilt = Wfilt * C[..., None]
    # center-atom representation (node emb + positional/type emb + temporal emb)
    h = x + e + t
    # gather neighbor embeddings (SparseCore-friendly gather)
    idx = neighbors.reshape(B, A * NBH)
    nbh_h = jnp.take_along_axis(h, idx[..., None], axis=1).reshape(B, A, NBH, Fdim)
    # continuous-filter modulated messages
    m = nbh_h * Wfilt  # (B, A, NBH, F)
    # ego attention: center atom queries attend over its neighbor messages
    q = (h @ Wq).reshape(B, A, H, dh)
    k = (m @ Wk).reshape(B, A, NBH, H, dh)
    vv = (m @ Wv).reshape(B, A, NBH, H, dh)
    logits = jnp.einsum('bahd,banhd->bahn', q, k) / jnp.sqrt(jnp.float32(dh))
    logits = jnp.where(neighbor_mask[:, :, None, :] > 0, logits, -1e9)
    attn = jax.nn.softmax(logits, axis=-1)
    agg = jnp.einsum('bahn,banhd->bahd', attn, vv).reshape(B, A, Fdim)
    v = agg @ Wo
    # residual update (apply_transition_function=False branch)
    return x + v

if __name__ == "__main__":
    import jax
    _d = setup_inputs()
    print(jax.jit(kernel)(*tuple(_d.values())))

</pallas_src>

<mosaic_0001>
#map = affine_map<(d0, d1) -> (0, 0)>
#map1 = affine_map<(d0, d1) -> (0)>
module attributes {stable_mosaic.version = 14 : i64} {
  func.func @gk(%arg0: i32, %arg1: i32, %arg2: memref<10000x128xf32, #tpu.memory_space<hbm>>, %arg3: memref<320000xi32, #tpu.memory_space<hbm>>, %arg4: memref<64000x128xf32, #tpu.memory_space<hbm>>, %arg5: memref<2000xi32, #tpu.memory_space<vmem>>, %arg6: memref<400x128xf32, #tpu.memory_space<vmem>>, %arg7: memref<400x128xf32, #tpu.memory_space<vmem>>, %arg8: memref<!tpu.dma_semaphore, #tpu.memory_space<semaphore_mem>>, %arg9: memref<!tpu.dma_semaphore, #tpu.memory_space<semaphore_mem>>, %arg10: memref<!tpu.dma_semaphore, #tpu.memory_space<semaphore_mem>>, %arg11: memref<!tpu.dma_semaphore, #tpu.memory_space<semaphore_mem>>) attributes {dimension_semantics = [#tpu.dimension_semantics<core_parallel>, #tpu.dimension_semantics<subcore_parallel>], iteration_bounds = array<i64: 2, 16>, scalar_prefetch = 0 : i64, scratch_operands = 7 : i64, tpu.core_type = #tpu.core_type<sc_vector_subcore>, window_params = [{transform_indices = #map}, {transform_indices = #map1}, {transform_indices = #map}]} {
    %mul3A = arith.constant 2 : i32
    %mul3A_0 = arith.muli %arg1, %mul3A : i32
    %add3A = arith.addi %mul3A_0, %arg0 : i32
    %mul3A_1 = arith.constant 2000 : i32
    %mul3A_2 = arith.muli %add3A, %mul3A_1 : i32
    %add3A_3 = arith.constant 192000 : i32
    %add3A_4 = arith.addi %add3A_3, %mul3A_2 : i32
    "tpu.region"() ({
      %run_scoped3A = tpu.sem_alloc : memref<!tpu.dma_semaphore, #tpu.memory_space<semaphore_mem>>
      %dma_start3A_103 = tpu.memref_slice %arg3[%add3A_4] : memref<320000xi32, #tpu.memory_space<hbm>> -> memref<2000xi32, #tpu.memory_space<hbm>>
      %dma_start3A_104 = tpu.memref_slice %arg3[%add3A_4] : memref<320000xi32, #tpu.memory_space<hbm>> -> memref<2000xi32, #tpu.memory_space<hbm>>
      tpu.enqueue_dma source(%dma_start3A_104 : memref<2000xi32, #tpu.memory_space<hbm>>) target(%arg5 : memref<2000xi32, #tpu.memory_space<vmem>>) target_semaphore(%run_scoped3A : memref<!tpu.dma_semaphore, #tpu.memory_space<semaphore_mem>>)
      %dma_wait3A_105 = tpu.memref_slice %arg3[%add3A_4] : memref<320000xi32, #tpu.memory_space<hbm>> -> memref<2000xi32, #tpu.memory_space<hbm>>
      %dma_wait3A_106 = tpu.memref_slice %arg3[%add3A_4] : memref<320000xi32, #tpu.memory_space<hbm>> -> memref<2000xi32, #tpu.memory_space<hbm>>
      tpu.wait_dma2 semaphore(%run_scoped3A : memref<!tpu.dma_semaphore, #tpu.memory_space<semaphore_mem>>) src(%dma_wait3A_106 : memref<2000xi32, #tpu.memory_space<hbm>>) dst(%arg5 : memref<2000xi32, #tpu.memory_space<vmem>>)
      tpu.yield
    }) : () -> ()
    %dma_start3A = arith.constant 0 : i32
    %dma_start3A_5 = tpu.memref_slice %arg5[%dma_start3A] : memref<2000xi32, #tpu.memory_space<vmem>> -> memref<400xi32, #tpu.memory_space<vmem>>
    %dma_start3A_6 = arith.constant 0 : i32
    %dma_start3A_7 = arith.constant 0 : i32
    %dma_start3A_8 = tpu.memref_slice %arg2[%dma_start3A_6, %dma_start3A_7] : memref<10000x128xf32, #tpu.memory_space<hbm>> -> memref<10000x128xf32, #tpu.memory_space<hbm>>
    tpu.enqueue_indirect_dma source(%dma_start3A_8 : memref<10000x128xf32, #tpu.memory_space<hbm>>) target(%arg6 : memref<400x128xf32, #tpu.memory_space<vmem>>) offsets(%dma_start3A_5 : memref<400xi32, #tpu.memory_space<vmem>>) semaphore(%arg8 : memref<!tpu.dma_semaphore, #tpu.memory_space<semaphore_mem>>)
    %dma_start3A_9 = arith.constant 400 : i32
    %dma_start3A_10 = tpu.memref_slice %arg5[%dma_start3A_9] : memref<2000xi32, #tpu.memory_space<vmem>> -> memref<400xi32, #tpu.memory_space<vmem>>
    %dma_start3A_11 = arith.constant 0 : i32
    %dma_start3A_12 = arith.constant 0 : i32
    %dma_start3A_13 = tpu.memref_slice %arg2[%dma_start3A_11, %dma_start3A_12] : memref<10000x128xf32, #tpu.memory_space<hbm>> -> memref<10000x128xf32, #tpu.memory_space<hbm>>
    tpu.enqueue_indirect_dma source(%dma_start3A_13 : memref<10000x128xf32, #tpu.memory_space<hbm>>) target(%arg7 : memref<400x128xf32, #tpu.memory_space<vmem>>) offsets(%dma_start3A_10 : memref<400xi32, #tpu.memory_space<vmem>>) semaphore(%arg9 : memref<!tpu.dma_semaphore, #tpu.memory_space<semaphore_mem>>)
    %dma_wait3A = arith.constant 0 : i32
    %dma_wait3A_14 = tpu.memref_slice %arg5[%dma_wait3A] : memref<2000xi32, #tpu.memory_space<vmem>> -> memref<400xi32, #tpu.memory_space<vmem>>
    %dma_wait3A_15 = arith.constant 0 : i32
    %dma_wait3A_16 = arith.constant 0 : i32
    %dma_wait3A_17 = tpu.memref_slice %arg2[%dma_wait3A_15, %dma_wait3A_16] : memref<10000x128xf32, #tpu.memory_space<hbm>> -> memref<10000x128xf32, #tpu.memory_space<hbm>>
    tpu.wait_indirect_dma semaphore(%arg8 : memref<!tpu.dma_semaphore, #tpu.memory_space<semaphore_mem>>) src(%dma_wait3A_17 : memref<10000x128xf32, #tpu.memory_space<hbm>>) dst(%arg6 : memref<400x128xf32, #tpu.memory_space<vmem>>)
    %add3A_18 = arith.constant 0 : i32
    %add3A_19 = arith.addi %mul3A_2, %add3A_18 : i32
    %dma_start3A_20 = arith.constant 0 : i32
    %dma_start3A_21 = tpu.memref_slice %arg4[%add3A_19, %dma_start3A_20] : memref<64000x128xf32, #tpu.memory_space<hbm>> -> memref<400x128xf32, #tpu.memory_space<hbm>>
    %dma_start3A_22 = arith.constant 0 : i32
    %dma_start3A_23 = tpu.memref_slice %arg4[%add3A_19, %dma_start3A_22] : memref<64000x128xf32, #tpu.memory_space<hbm>> -> memref<400x128xf32, #tpu.memory_space<hbm>>
    tpu.enqueue_dma source(%arg6 : memref<400x128xf32, #tpu.memory_space<vmem>>) target(%dma_start3A_23 : memref<400x128xf32, #tpu.memory_space<hbm>>) target_semaphore(%arg10 : memref<!tpu.dma_semaphore, #tpu.memory_space<semaphore_mem>>)
    %dma_wait3A_24 = arith.constant 0 : i32
    %dma_wait3A_25 = tpu.memref_slice %arg4[%add3A_19, %dma_wait3A_24] : memref<64000x128xf32, #tpu.memory_space<hbm>> -> memref<400x128xf32, #tpu.memory_space<hbm>>
    %dma_wait3A_26 = arith.constant 0 : i32
    %dma_wait3A_27 = tpu.memref_slice %arg4[%add3A_19, %dma_wait3A_26] : memref<64000x128xf32, #tpu.memory_space<hbm>> -> memref<400x128xf32, #tpu.memory_space<hbm>>
    tpu.wait_dma2 semaphore(%arg10 : memref<!tpu.dma_semaphore, #tpu.memory_space<semaphore_mem>>) src(%arg6 : memref<400x128xf32, #tpu.memory_space<vmem>>) dst(%dma_wait3A_27 : memref<400x128xf32, #tpu.memory_space<hbm>>)
    %dma_start3A_28 = arith.constant 800 : i32
    %dma_start3A_29 = tpu.memref_slice %arg5[%dma_start3A_28] : memref<2000xi32, #tpu.memory_space<vmem>> -> memref<400xi32, #tpu.memory_space<vmem>>
    %dma_start3A_30 = arith.constant 0 : i32
    %dma_start3A_31 = arith.constant 0 : i32
    %dma_start3A_32 = tpu.memref_slice %arg2[%dma_start3A_30, %dma_start3A_31] : memref<10000x128xf32, #tpu.memory_space<hbm>> -> memref<10000x128xf32, #tpu.memory_space<hbm>>
    tpu.enqueue_indirect_dma source(%dma_start3A_32 : memref<10000x128xf32, #tpu.memory_space<hbm>>) target(%arg6 : memref<400x128xf32, #tpu.memory_space<vmem>>) offsets(%dma_start3A_29 : memref<400xi32, #tpu.memory_space<vmem>>) semaphore(%arg8 : memref<!tpu.dma_semaphore, #tpu.memory_space<semaphore_mem>>)
    %dma_wait3A_33 = arith.constant 400 : i32
    %dma_wait3A_34 = tpu.memref_slice %arg5[%dma_wait3A_33] : memref<2000xi32, #tpu.memory_space<vmem>> -> memref<400xi32, #tpu.memory_space<vmem>>
    %dma_wait3A_35 = arith.constant 0 : i32
    %dma_wait3A_36 = arith.constant 0 : i32
    %dma_wait3A_37 = tpu.memref_slice %arg2[%dma_wait3A_35, %dma_wait3A_36] : memref<10000x128xf32, #tpu.memory_space<hbm>> -> memref<10000x128xf32, #tpu.memory_space<hbm>>
    tpu.wait_indirect_dma semaphore(%arg9 : memref<!tpu.dma_semaphore, #tpu.memory_space<semaphore_mem>>) src(%dma_wait3A_37 : memref<10000x128xf32, #tpu.memory_space<hbm>>) dst(%arg7 : memref<400x128xf32, #tpu.memory_space<vmem>>)
    %add3A_38 = arith.constant 400 : i32
    %add3A_39 = arith.addi %mul3A_2, %add3A_38 : i32
    %dma_start3A_40 = arith.constant 0 : i32
    %dma_start3A_41 = tpu.memref_slice %arg4[%add3A_39, %dma_start3A_40] : memref<64000x128xf32, #tpu.memory_space<hbm>> -> memref<400x128xf32, #tpu.memory_space<hbm>>
    %dma_start3A_42 = arith.constant 0 : i32
    %dma_start3A_43 = tpu.memref_slice %arg4[%add3A_39, %dma_start3A_42] : memref<64000x128xf32, #tpu.memory_space<hbm>> -> memref<400x128xf32, #tpu.memory_space<hbm>>
    tpu.enqueue_dma source(%arg7 : memref<400x128xf32, #tpu.memory_space<vmem>>) target(%dma_start3A_43 : memref<400x128xf32, #tpu.memory_space<hbm>>) target_semaphore(%arg11 : memref<!tpu.dma_semaphore, #tpu.memory_space<semaphore_mem>>)
    %dma_wait3A_44 = arith.constant 0 : i32
    %dma_wait3A_45 = tpu.memref_slice %arg4[%add3A_39, %dma_wait3A_44] : memref<64000x128xf32, #tpu.memory_space<hbm>> -> memref<400x128xf32, #tpu.memory_space<hbm>>
    %dma_wait3A_46 = arith.constant 0 : i32
    %dma_wait3A_47 = tpu.memref_slice %arg4[%add3A_39, %dma_wait3A_46] : memref<64000x128xf32, #tpu.memory_space<hbm>> -> memref<400x128xf32, #tpu.memory_space<hbm>>
    tpu.wait_dma2 semaphore(%arg11 : memref<!tpu.dma_semaphore, #tpu.memory_space<semaphore_mem>>) src(%arg7 : memref<400x128xf32, #tpu.memory_space<vmem>>) dst(%dma_wait3A_47 : memref<400x128xf32, #tpu.memory_space<hbm>>)
    %dma_start3A_48 = arith.constant 1200 : i32
    %dma_start3A_49 = tpu.memref_slice %arg5[%dma_start3A_48] : memref<2000xi32, #tpu.memory_space<vmem>> -> memref<400xi32, #tpu.memory_space<vmem>>
    %dma_start3A_50 = arith.constant 0 : i32
    %dma_start3A_51 = arith.constant 0 : i32
    %dma_start3A_52 = tpu.memref_slice %arg2[%dma_start3A_50, %dma_start3A_51] : memref<10000x128xf32, #tpu.memory_space<hbm>> -> memref<10000x128xf32, #tpu.memory_space<hbm>>
    tpu.enqueue_indirect_dma source(%dma_start3A_52 : memref<10000x128xf32, #tpu.memory_space<hbm>>) target(%arg7 : memref<400x128xf32, #tpu.memory_space<vmem>>) offsets(%dma_start3A_49 : memref<400xi32, #tpu.memory_space<vmem>>) semaphore(%arg9 : memref<!tpu.dma_semaphore, #tpu.memory_space<semaphore_mem>>)
    %dma_wait3A_53 = arith.constant 800 : i32
    %dma_wait3A_54 = tpu.memref_slice %arg5[%dma_wait3A_53] : memref<2000xi32, #tpu.memory_space<vmem>> -> memref<400xi32, #tpu.memory_space<vmem>>
    %dma_wait3A_55 = arith.constant 0 : i32
    %dma_wait3A_56 = arith.constant 0 : i32
    %dma_wait3A_57 = tpu.memref_slice %arg2[%dma_wait3A_55, %dma_wait3A_56] : memref<10000x128xf32, #tpu.memory_space<hbm>> -> memref<10000x128xf32, #tpu.memory_space<hbm>>
    tpu.wait_indirect_dma semaphore(%arg8 : memref<!tpu.dma_semaphore, #tpu.memory_space<semaphore_mem>>) src(%dma_wait3A_57 : memref<10000x128xf32, #tpu.memory_space<hbm>>) dst(%arg6 : memref<400x128xf32, #tpu.memory_space<vmem>>)
    %add3A_58 = arith.constant 800 : i32
    %add3A_59 = arith.addi %mul3A_2, %add3A_58 : i32
    %dma_start3A_60 = arith.constant 0 : i32
    %dma_start3A_61 = tpu.memref_slice %arg4[%add3A_59, %dma_start3A_60] : memref<64000x128xf32, #tpu.memory_space<hbm>> -> memref<400x128xf32, #tpu.memory_space<hbm>>
    %dma_start3A_62 = arith.constant 0 : i32
    %dma_start3A_63 = tpu.memref_slice %arg4[%add3A_59, %dma_start3A_62] : memref<64000x128xf32, #tpu.memory_space<hbm>> -> memref<400x128xf32, #tpu.memory_space<hbm>>
    tpu.enqueue_dma source(%arg6 : memref<400x128xf32, #tpu.memory_space<vmem>>) target(%dma_start3A_63 : memref<400x128xf32, #tpu.memory_space<hbm>>) target_semaphore(%arg10 : memref<!tpu.dma_semaphore, #tpu.memory_space<semaphore_mem>>)
    %dma_wait3A_64 = arith.constant 0 : i32
    %dma_wait3A_65 = tpu.memref_slice %arg4[%add3A_59, %dma_wait3A_64] : memref<64000x128xf32, #tpu.memory_space<hbm>> -> memref<400x128xf32, #tpu.memory_space<hbm>>
    %dma_wait3A_66 = arith.constant 0 : i32
    %dma_wait3A_67 = tpu.memref_slice %arg4[%add3A_59, %dma_wait3A_66] : memref<64000x128xf32, #tpu.memory_space<hbm>> -> memref<400x128xf32, #tpu.memory_space<hbm>>
    tpu.wait_dma2 semaphore(%arg10 : memref<!tpu.dma_semaphore, #tpu.memory_space<semaphore_mem>>) src(%arg6 : memref<400x128xf32, #tpu.memory_space<vmem>>) dst(%dma_wait3A_67 : memref<400x128xf32, #tpu.memory_space<hbm>>)
    %dma_start3A_68 = arith.constant 1600 : i32
    %dma_start3A_69 = tpu.memref_slice %arg5[%dma_start3A_68] : memref<2000xi32, #tpu.memory_space<vmem>> -> memref<400xi32, #tpu.memory_space<vmem>>
    %dma_start3A_70 = arith.constant 0 : i32
    %dma_start3A_71 = arith.constant 0 : i32
    %dma_start3A_72 = tpu.memref_slice %arg2[%dma_start3A_70, %dma_start3A_71] : memref<10000x128xf32, #tpu.memory_space<hbm>> -> memref<10000x128xf32, #tpu.memory_space<hbm>>
    tpu.enqueue_indirect_dma source(%dma_start3A_72 : memref<10000x128xf32, #tpu.memory_space<hbm>>) target(%arg6 : memref<400x128xf32, #tpu.memory_space<vmem>>) offsets(%dma_start3A_69 : memref<400xi32, #tpu.memory_space<vmem>>) semaphore(%arg8 : memref<!tpu.dma_semaphore, #tpu.memory_space<semaphore_mem>>)
    %dma_wait3A_73 = arith.constant 1200 : i32
    %dma_wait3A_74 = tpu.memref_slice %arg5[%dma_wait3A_73] : memref<2000xi32, #tpu.memory_space<vmem>> -> memref<400xi32, #tpu.memory_space<vmem>>
    %dma_wait3A_75 = arith.constant 0 : i32
    %dma_wait3A_76 = arith.constant 0 : i32
    %dma_wait3A_77 = tpu.memref_slice %arg2[%dma_wait3A_75, %dma_wait3A_76] : memref<10000x128xf32, #tpu.memory_space<hbm>> -> memref<10000x128xf32, #tpu.memory_space<hbm>>
    tpu.wait_indirect_dma semaphore(%arg9 : memref<!tpu.dma_semaphore, #tpu.memory_space<semaphore_mem>>) src(%dma_wait3A_77 : memref<10000x128xf32, #tpu.memory_space<hbm>>) dst(%arg7 : memref<400x128xf32, #tpu.memory_space<vmem>>)
    %add3A_78 = arith.constant 1200 : i32
    %add3A_79 = arith.addi %mul3A_2, %add3A_78 : i32
    %dma_start3A_80 = arith.constant 0 : i32
    %dma_start3A_81 = tpu.memref_slice %arg4[%add3A_79, %dma_start3A_80] : memref<64000x128xf32, #tpu.memory_space<hbm>> -> memref<400x128xf32, #tpu.memory_space<hbm>>
    %dma_start3A_82 = arith.constant 0 : i32
    %dma_start3A_83 = tpu.memref_slice %arg4[%add3A_79, %dma_start3A_82] : memref<64000x128xf32, #tpu.memory_space<hbm>> -> memref<400x128xf32, #tpu.memory_space<hbm>>
    tpu.enqueue_dma source(%arg7 : memref<400x128xf32, #tpu.memory_space<vmem>>) target(%dma_start3A_83 : memref<400x128xf32, #tpu.memory_space<hbm>>) target_semaphore(%arg11 : memref<!tpu.dma_semaphore, #tpu.memory_space<semaphore_mem>>)
    %dma_wait3A_84 = arith.constant 1600 : i32
    %dma_wait3A_85 = tpu.memref_slice %arg5[%dma_wait3A_84] : memref<2000xi32, #tpu.memory_space<vmem>> -> memref<400xi32, #tpu.memory_space<vmem>>
    %dma_wait3A_86 = arith.constant 0 : i32
    %dma_wait3A_87 = arith.constant 0 : i32
    %dma_wait3A_88 = tpu.memref_slice %arg2[%dma_wait3A_86, %dma_wait3A_87] : memref<10000x128xf32, #tpu.memory_space<hbm>> -> memref<10000x128xf32, #tpu.memory_space<hbm>>
    tpu.wait_indirect_dma semaphore(%arg8 : memref<!tpu.dma_semaphore, #tpu.memory_space<semaphore_mem>>) src(%dma_wait3A_88 : memref<10000x128xf32, #tpu.memory_space<hbm>>) dst(%arg6 : memref<400x128xf32, #tpu.memory_space<vmem>>)
    %add3A_89 = arith.constant 1600 : i32
    %add3A_90 = arith.addi %mul3A_2, %add3A_89 : i32
    %dma_start3A_91 = arith.constant 0 : i32
    %dma_start3A_92 = tpu.memref_slice %arg4[%add3A_90, %dma_start3A_91] : memref<64000x128xf32, #tpu.memory_space<hbm>> -> memref<400x128xf32, #tpu.memory_space<hbm>>
    %dma_start3A_93 = arith.constant 0 : i32
    %dma_start3A_94 = tpu.memref_slice %arg4[%add3A_90, %dma_start3A_93] : memref<64000x128xf32, #tpu.memory_space<hbm>> -> memref<400x128xf32, #tpu.memory_space<hbm>>
    tpu.enqueue_dma source(%arg6 : memref<400x128xf32, #tpu.memory_space<vmem>>) target(%dma_start3A_94 : memref<400x128xf32, #tpu.memory_space<hbm>>) target_semaphore(%arg10 : memref<!tpu.dma_semaphore, #tpu.memory_space<semaphore_mem>>)
    %dma_wait3A_95 = arith.constant 0 : i32
    %dma_wait3A_96 = tpu.memref_slice %arg4[%add3A_79, %dma_wait3A_95] : memref<64000x128xf32, #tpu.memory_space<hbm>> -> memref<400x128xf32, #tpu.memory_space<hbm>>
    %dma_wait3A_97 = arith.constant 0 : i32
    %dma_wait3A_98 = tpu.memref_slice %arg4[%add3A_79, %dma_wait3A_97] : memref<64000x128xf32, #tpu.memory_space<hbm>> -> memref<400x128xf32, #tpu.memory_space<hbm>>
    tpu.wait_dma2 semaphore(%arg11 : memref<!tpu.dma_semaphore, #tpu.memory_space<semaphore_mem>>) src(%arg7 : memref<400x128xf32, #tpu.memory_space<vmem>>) dst(%dma_wait3A_98 : memref<400x128xf32, #tpu.memory_space<hbm>>)
    %dma_wait3A_99 = arith.constant 0 : i32
    %dma_wait3A_100 = tpu.memref_slice %arg4[%add3A_90, %dma_wait3A_99] : memref<64000x128xf32, #tpu.memory_space<hbm>> -> memref<400x128xf32, #tpu.memory_space<hbm>>
    %dma_wait3A_101 = arith.constant 0 : i32
    %dma_wait3A_102 = tpu.memref_slice %arg4[%add3A_90, %dma_wait3A_101] : memref<64000x128xf32, #tpu.memory_space<hbm>> -> memref<400x128xf32, #tpu.memory_space<hbm>>
    tpu.wait_dma2 semaphore(%arg10 : memref<!tpu.dma_semaphore, #tpu.memory_space<semaphore_mem>>) src(%arg6 : memref<400x128xf32, #tpu.memory_space<vmem>>) dst(%dma_wait3A_102 : memref<400x128xf32, #tpu.memory_space<hbm>>)
    return
  }
}

#map = affine_map<(d0, d1) -> (0, 0)>
#map1 = affine_map<(d0, d1) -> (0)>
module attributes {stable_mosaic.version = 14 : i64} {
  func.func @gk(%arg0: i32, %arg1: i32, %arg2: memref<10000x128xf32, #tpu.memory_space<hbm>>, %arg3: memref<320000xi32, #tpu.memory_space<hbm>>, %arg4: memref<64000x128xf32, #tpu.memory_space<hbm>>, %arg5: memref<2000xi32, #tpu.memory_space<vmem>>, %arg6: memref<400x128xf32, #tpu.memory_space<vmem>>, %arg7: memref<400x128xf32, #tpu.memory_space<vmem>>, %arg8: memref<!tpu.dma_semaphore, #tpu.memory_space<semaphore_mem>>, %arg9: memref<!tpu.dma_semaphore, #tpu.memory_space<semaphore_mem>>, %arg10: memref<!tpu.dma_semaphore, #tpu.memory_space<semaphore_mem>>, %arg11: memref<!tpu.dma_semaphore, #tpu.memory_space<semaphore_mem>>) attributes {dimension_semantics = [#tpu.dimension_semantics<core_parallel>, #tpu.dimension_semantics<subcore_parallel>], iteration_bounds = array<i64: 2, 16>, scalar_prefetch = 0 : i64, scratch_operands = 7 : i64, tpu.core_type = #tpu.core_type<sc_vector_subcore>, window_params = [{transform_indices = #map}, {transform_indices = #map1}, {transform_indices = #map}]} {
    %mul3A = arith.constant 2 : i32
    %mul3A_0 = arith.muli %arg1, %mul3A : i32
    %add3A = arith.addi %mul3A_0, %arg0 : i32
    %mul3A_1 = arith.constant 2000 : i32
    %mul3A_2 = arith.muli %add3A, %mul3A_1 : i32
    %add3A_3 = arith.constant 128000 : i32
    %add3A_4 = arith.addi %add3A_3, %mul3A_2 : i32
    "tpu.region"() ({
      %run_scoped3A = tpu.sem_alloc : memref<!tpu.dma_semaphore, #tpu.memory_space<semaphore_mem>>
      %dma_start3A_103 = tpu.memref_slice %arg3[%add3A_4] : memref<320000xi32, #tpu.memory_space<hbm>> -> memref<2000xi32, #tpu.memory_space<hbm>>
      %dma_start3A_104 = tpu.memref_slice %arg3[%add3A_4] : memref<320000xi32, #tpu.memory_space<hbm>> -> memref<2000xi32, #tpu.memory_space<hbm>>
      tpu.enqueue_dma source(%dma_start3A_104 : memref<2000xi32, #tpu.memory_space<hbm>>) target(%arg5 : memref<2000xi32, #tpu.memory_space<vmem>>) target_semaphore(%run_scoped3A : memref<!tpu.dma_semaphore, #tpu.memory_space<semaphore_mem>>)
      %dma_wait3A_105 = tpu.memref_slice %arg3[%add3A_4] : memref<320000xi32, #tpu.memory_space<hbm>> -> memref<2000xi32, #tpu.memory_space<hbm>>
      %dma_wait3A_106 = tpu.memref_slice %arg3[%add3A_4] : memref<320000xi32, #tpu.memory_space<hbm>> -> memref<2000xi32, #tpu.memory_space<hbm>>
      tpu.wait_dma2 semaphore(%run_scoped3A : memref<!tpu.dma_semaphore, #tpu.memory_space<semaphore_mem>>) src(%dma_wait3A_106 : memref<2000xi32, #tpu.memory_space<hbm>>) dst(%arg5 : memref<2000xi32, #tpu.memory_space<vmem>>)
      tpu.yield
    }) : () -> ()
    %dma_start3A = arith.constant 0 : i32
    %dma_start3A_5 = tpu.memref_slice %arg5[%dma_start3A] : memref<2000xi32, #tpu.memory_space<vmem>> -> memref<400xi32, #tpu.memory_space<vmem>>
    %dma_start3A_6 = arith.constant 0 : i32
    %dma_start3A_7 = arith.constant 0 : i32
    %dma_start3A_8 = tpu.memref_slice %arg2[%dma_start3A_6, %dma_start3A_7] : memref<10000x128xf32, #tpu.memory_space<hbm>> -> memref<10000x128xf32, #tpu.memory_space<hbm>>
    tpu.enqueue_indirect_dma source(%dma_start3A_8 : memref<10000x128xf32, #tpu.memory_space<hbm>>) target(%arg6 : memref<400x128xf32, #tpu.memory_space<vmem>>) offsets(%dma_start3A_5 : memref<400xi32, #tpu.memory_space<vmem>>) semaphore(%arg8 : memref<!tpu.dma_semaphore, #tpu.memory_space<semaphore_mem>>)
    %dma_start3A_9 = arith.constant 400 : i32
    %dma_start3A_10 = tpu.memref_slice %arg5[%dma_start3A_9] : memref<2000xi32, #tpu.memory_space<vmem>> -> memref<400xi32, #tpu.memory_space<vmem>>
    %dma_start3A_11 = arith.constant 0 : i32
    %dma_start3A_12 = arith.constant 0 : i32
    %dma_start3A_13 = tpu.memref_slice %arg2[%dma_start3A_11, %dma_start3A_12] : memref<10000x128xf32, #tpu.memory_space<hbm>> -> memref<10000x128xf32, #tpu.memory_space<hbm>>
    tpu.enqueue_indirect_dma source(%dma_start3A_13 : memref<10000x128xf32, #tpu.memory_space<hbm>>) target(%arg7 : memref<400x128xf32, #tpu.memory_space<vmem>>) offsets(%dma_start3A_10 : memref<400xi32, #tpu.memory_space<vmem>>) semaphore(%arg9 : memref<!tpu.dma_semaphore, #tpu.memory_space<semaphore_mem>>)
    %dma_wait3A = arith.constant 0 : i32
    %dma_wait3A_14 = tpu.memref_slice %arg5[%dma_wait3A] : memref<2000xi32, #tpu.memory_space<vmem>> -> memref<400xi32, #tpu.memory_space<vmem>>
    %dma_wait3A_15 = arith.constant 0 : i32
    %dma_wait3A_16 = arith.constant 0 : i32
    %dma_wait3A_17 = tpu.memref_slice %arg2[%dma_wait3A_15, %dma_wait3A_16] : memref<10000x128xf32, #tpu.memory_space<hbm>> -> memref<10000x128xf32, #tpu.memory_space<hbm>>
    tpu.wait_indirect_dma semaphore(%arg8 : memref<!tpu.dma_semaphore, #tpu.memory_space<semaphore_mem>>) src(%dma_wait3A_17 : memref<10000x128xf32, #tpu.memory_space<hbm>>) dst(%arg6 : memref<400x128xf32, #tpu.memory_space<vmem>>)
    %add3A_18 = arith.constant 0 : i32
    %add3A_19 = arith.addi %mul3A_2, %add3A_18 : i32
    %dma_start3A_20 = arith.constant 0 : i32
    %dma_start3A_21 = tpu.memref_slice %arg4[%add3A_19, %dma_start3A_20] : memref<64000x128xf32, #tpu.memory_space<hbm>> -> memref<400x128xf32, #tpu.memory_space<hbm>>
    %dma_start3A_22 = arith.constant 0 : i32
    %dma_start3A_23 = tpu.memref_slice %arg4[%add3A_19, %dma_start3A_22] : memref<64000x128xf32, #tpu.memory_space<hbm>> -> memref<400x128xf32, #tpu.memory_space<hbm>>
    tpu.enqueue_dma source(%arg6 : memref<400x128xf32, #tpu.memory_space<vmem>>) target(%dma_start3A_23 : memref<400x128xf32, #tpu.memory_space<hbm>>) target_semaphore(%arg10 : memref<!tpu.dma_semaphore, #tpu.memory_space<semaphore_mem>>)
    %dma_wait3A_24 = arith.constant 0 : i32
    %dma_wait3A_25 = tpu.memref_slice %arg4[%add3A_19, %dma_wait3A_24] : memref<64000x128xf32, #tpu.memory_space<hbm>> -> memref<400x128xf32, #tpu.memory_space<hbm>>
    %dma_wait3A_26 = arith.constant 0 : i32
    %dma_wait3A_27 = tpu.memref_slice %arg4[%add3A_19, %dma_wait3A_26] : memref<64000x128xf32, #tpu.memory_space<hbm>> -> memref<400x128xf32, #tpu.memory_space<hbm>>
    tpu.wait_dma2 semaphore(%arg10 : memref<!tpu.dma_semaphore, #tpu.memory_space<semaphore_mem>>) src(%arg6 : memref<400x128xf32, #tpu.memory_space<vmem>>) dst(%dma_wait3A_27 : memref<400x128xf32, #tpu.memory_space<hbm>>)
    %dma_start3A_28 = arith.constant 800 : i32
    %dma_start3A_29 = tpu.memref_slice %arg5[%dma_start3A_28] : memref<2000xi32, #tpu.memory_space<vmem>> -> memref<400xi32, #tpu.memory_space<vmem>>
    %dma_start3A_30 = arith.constant 0 : i32
    %dma_start3A_31 = arith.constant 0 : i32
    %dma_start3A_32 = tpu.memref_slice %arg2[%dma_start3A_30, %dma_start3A_31] : memref<10000x128xf32, #tpu.memory_space<hbm>> -> memref<10000x128xf32, #tpu.memory_space<hbm>>
    tpu.enqueue_indirect_dma source(%dma_start3A_32 : memref<10000x128xf32, #tpu.memory_space<hbm>>) target(%arg6 : memref<400x128xf32, #tpu.memory_space<vmem>>) offsets(%dma_start3A_29 : memref<400xi32, #tpu.memory_space<vmem>>) semaphore(%arg8 : memref<!tpu.dma_semaphore, #tpu.memory_space<semaphore_mem>>)
    %dma_wait3A_33 = arith.constant 400 : i32
    %dma_wait3A_34 = tpu.memref_slice %arg5[%dma_wait3A_33] : memref<2000xi32, #tpu.memory_space<vmem>> -> memref<400xi32, #tpu.memory_space<vmem>>
    %dma_wait3A_35 = arith.constant 0 : i32
    %dma_wait3A_36 = arith.constant 0 : i32
    %dma_wait3A_37 = tpu.memref_slice %arg2[%dma_wait3A_35, %dma_wait3A_36] : memref<10000x128xf32, #tpu.memory_space<hbm>> -> memref<10000x128xf32, #tpu.memory_space<hbm>>
    tpu.wait_indirect_dma semaphore(%arg9 : memref<!tpu.dma_semaphore, #tpu.memory_space<semaphore_mem>>) src(%dma_wait3A_37 : memref<10000x128xf32, #tpu.memory_space<hbm>>) dst(%arg7 : memref<400x128xf32, #tpu.memory_space<vmem>>)
    %add3A_38 = arith.constant 400 : i32
    %add3A_39 = arith.addi %mul3A_2, %add3A_38 : i32
    %dma_start3A_40 = arith.constant 0 : i32
    %dma_start3A_41 = tpu.memref_slice %arg4[%add3A_39, %dma_start3A_40] : memref<64000x128xf32, #tpu.memory_space<hbm>> -> memref<400x128xf32, #tpu.memory_space<hbm>>
    %dma_start3A_42 = arith.constant 0 : i32
    %dma_start3A_43 = tpu.memref_slice %arg4[%add3A_39, %dma_start3A_42] : memref<64000x128xf32, #tpu.memory_space<hbm>> -> memref<400x128xf32, #tpu.memory_space<hbm>>
    tpu.enqueue_dma source(%arg7 : memref<400x128xf32, #tpu.memory_space<vmem>>) target(%dma_start3A_43 : memref<400x128xf32, #tpu.memory_space<hbm>>) target_semaphore(%arg11 : memref<!tpu.dma_semaphore, #tpu.memory_space<semaphore_mem>>)
    %dma_wait3A_44 = arith.constant 0 : i32
    %dma_wait3A_45 = tpu.memref_slice %arg4[%add3A_39, %dma_wait3A_44] : memref<64000x128xf32, #tpu.memory_space<hbm>> -> memref<400x128xf32, #tpu.memory_space<hbm>>
    %dma_wait3A_46 = arith.constant 0 : i32
    %dma_wait3A_47 = tpu.memref_slice %arg4[%add3A_39, %dma_wait3A_46] : memref<64000x128xf32, #tpu.memory_space<hbm>> -> memref<400x128xf32, #tpu.memory_space<hbm>>
    tpu.wait_dma2 semaphore(%arg11 : memref<!tpu.dma_semaphore, #tpu.memory_space<semaphore_mem>>) src(%arg7 : memref<400x128xf32, #tpu.memory_space<vmem>>) dst(%dma_wait3A_47 : memref<400x128xf32, #tpu.memory_space<hbm>>)
    %dma_start3A_48 = arith.constant 1200 : i32
    %dma_start3A_49 = tpu.memref_slice %arg5[%dma_start3A_48] : memref<2000xi32, #tpu.memory_space<vmem>> -> memref<400xi32, #tpu.memory_space<vmem>>
    %dma_start3A_50 = arith.constant 0 : i32
    %dma_start3A_51 = arith.constant 0 : i32
    %dma_start3A_52 = tpu.memref_slice %arg2[%dma_start3A_50, %dma_start3A_51] : memref<10000x128xf32, #tpu.memory_space<hbm>> -> memref<10000x128xf32, #tpu.memory_space<hbm>>
    tpu.enqueue_indirect_dma source(%dma_start3A_52 : memref<10000x128xf32, #tpu.memory_space<hbm>>) target(%arg7 : memref<400x128xf32, #tpu.memory_space<vmem>>) offsets(%dma_start3A_49 : memref<400xi32, #tpu.memory_space<vmem>>) semaphore(%arg9 : memref<!tpu.dma_semaphore, #tpu.memory_space<semaphore_mem>>)
    %dma_wait3A_53 = arith.constant 800 : i32
    %dma_wait3A_54 = tpu.memref_slice %arg5[%dma_wait3A_53] : memref<2000xi32, #tpu.memory_space<vmem>> -> memref<400xi32, #tpu.memory_space<vmem>>
    %dma_wait3A_55 = arith.constant 0 : i32
    %dma_wait3A_56 = arith.constant 0 : i32
    %dma_wait3A_57 = tpu.memref_slice %arg2[%dma_wait3A_55, %dma_wait3A_56] : memref<10000x128xf32, #tpu.memory_space<hbm>> -> memref<10000x128xf32, #tpu.memory_space<hbm>>
    tpu.wait_indirect_dma semaphore(%arg8 : memref<!tpu.dma_semaphore, #tpu.memory_space<semaphore_mem>>) src(%dma_wait3A_57 : memref<10000x128xf32, #tpu.memory_space<hbm>>) dst(%arg6 : memref<400x128xf32, #tpu.memory_space<vmem>>)
    %add3A_58 = arith.constant 800 : i32
    %add3A_59 = arith.addi %mul3A_2, %add3A_58 : i32
    %dma_start3A_60 = arith.constant 0 : i32
    %dma_start3A_61 = tpu.memref_slice %arg4[%add3A_59, %dma_start3A_60] : memref<64000x128xf32, #tpu.memory_space<hbm>> -> memref<400x128xf32, #tpu.memory_space<hbm>>
    %dma_start3A_62 = arith.constant 0 : i32
    %dma_start3A_63 = tpu.memref_slice %arg4[%add3A_59, %dma_start3A_62] : memref<64000x128xf32, #tpu.memory_space<hbm>> -> memref<400x128xf32, #tpu.memory_space<hbm>>
    tpu.enqueue_dma source(%arg6 : memref<400x128xf32, #tpu.memory_space<vmem>>) target(%dma_start3A_63 : memref<400x128xf32, #tpu.memory_space<hbm>>) target_semaphore(%arg10 : memref<!tpu.dma_semaphore, #tpu.memory_space<semaphore_mem>>)
    %dma_wait3A_64 = arith.constant 0 : i32
    %dma_wait3A_65 = tpu.memref_slice %arg4[%add3A_59, %dma_wait3A_64] : memref<64000x128xf32, #tpu.memory_space<hbm>> -> memref<400x128xf32, #tpu.memory_space<hbm>>
    %dma_wait3A_66 = arith.constant 0 : i32
    %dma_wait3A_67 = tpu.memref_slice %arg4[%add3A_59, %dma_wait3A_66] : memref<64000x128xf32, #tpu.memory_space<hbm>> -> memref<400x128xf32, #tpu.memory_space<hbm>>
    tpu.wait_dma2 semaphore(%arg10 : memref<!tpu.dma_semaphore, #tpu.memory_space<semaphore_mem>>) src(%arg6 : memref<400x128xf32, #tpu.memory_space<vmem>>) dst(%dma_wait3A_67 : memref<400x128xf32, #tpu.memory_space<hbm>>)
    %dma_start3A_68 = arith.constant 1600 : i32
    %dma_start3A_69 = tpu.memref_slice %arg5[%dma_start3A_68] : memref<2000xi32, #tpu.memory_space<vmem>> -> memref<400xi32, #tpu.memory_space<vmem>>
    %dma_start3A_70 = arith.constant 0 : i32
    %dma_start3A_71 = arith.constant 0 : i32
    %dma_start3A_72 = tpu.memref_slice %arg2[%dma_start3A_70, %dma_start3A_71] : memref<10000x128xf32, #tpu.memory_space<hbm>> -> memref<10000x128xf32, #tpu.memory_space<hbm>>
    tpu.enqueue_indirect_dma source(%dma_start3A_72 : memref<10000x128xf32, #tpu.memory_space<hbm>>) target(%arg6 : memref<400x128xf32, #tpu.memory_space<vmem>>) offsets(%dma_start3A_69 : memref<400xi32, #tpu.memory_space<vmem>>) semaphore(%arg8 : memref<!tpu.dma_semaphore, #tpu.memory_space<semaphore_mem>>)
    %dma_wait3A_73 = arith.constant 1200 : i32
    %dma_wait3A_74 = tpu.memref_slice %arg5[%dma_wait3A_73] : memref<2000xi32, #tpu.memory_space<vmem>> -> memref<400xi32, #tpu.memory_space<vmem>>
    %dma_wait3A_75 = arith.constant 0 : i32
    %dma_wait3A_76 = arith.constant 0 : i32
    %dma_wait3A_77 = tpu.memref_slice %arg2[%dma_wait3A_75, %dma_wait3A_76] : memref<10000x128xf32, #tpu.memory_space<hbm>> -> memref<10000x128xf32, #tpu.memory_space<hbm>>
    tpu.wait_indirect_dma semaphore(%arg9 : memref<!tpu.dma_semaphore, #tpu.memory_space<semaphore_mem>>) src(%dma_wait3A_77 : memref<10000x128xf32, #tpu.memory_space<hbm>>) dst(%arg7 : memref<400x128xf32, #tpu.memory_space<vmem>>)
    %add3A_78 = arith.constant 1200 : i32
    %add3A_79 = arith.addi %mul3A_2, %add3A_78 : i32
    %dma_start3A_80 = arith.constant 0 : i32
    %dma_start3A_81 = tpu.memref_slice %arg4[%add3A_79, %dma_start3A_80] : memref<64000x128xf32, #tpu.memory_space<hbm>> -> memref<400x128xf32, #tpu.memory_space<hbm>>
    %dma_start3A_82 = arith.constant 0 : i32
    %dma_start3A_83 = tpu.memref_slice %arg4[%add3A_79, %dma_start3A_82] : memref<64000x128xf32, #tpu.memory_space<hbm>> -> memref<400x128xf32, #tpu.memory_space<hbm>>
    tpu.enqueue_dma source(%arg7 : memref<400x128xf32, #tpu.memory_space<vmem>>) target(%dma_start3A_83 : memref<400x128xf32, #tpu.memory_space<hbm>>) target_semaphore(%arg11 : memref<!tpu.dma_semaphore, #tpu.memory_space<semaphore_mem>>)
    %dma_wait3A_84 = arith.constant 1600 : i32
    %dma_wait3A_85 = tpu.memref_slice %arg5[%dma_wait3A_84] : memref<2000xi32, #tpu.memory_space<vmem>> -> memref<400xi32, #tpu.memory_space<vmem>>
    %dma_wait3A_86 = arith.constant 0 : i32
    %dma_wait3A_87 = arith.constant 0 : i32
    %dma_wait3A_88 = tpu.memref_slice %arg2[%dma_wait3A_86, %dma_wait3A_87] : memref<10000x128xf32, #tpu.memory_space<hbm>> -> memref<10000x128xf32, #tpu.memory_space<hbm>>
    tpu.wait_indirect_dma semaphore(%arg8 : memref<!tpu.dma_semaphore, #tpu.memory_space<semaphore_mem>>) src(%dma_wait3A_88 : memref<10000x128xf32, #tpu.memory_space<hbm>>) dst(%arg6 : memref<400x128xf32, #tpu.memory_space<vmem>>)
    %add3A_89 = arith.constant 1600 : i32
    %add3A_90 = arith.addi %mul3A_2, %add3A_89 : i32
    %dma_start3A_91 = arith.constant 0 : i32
    %dma_start3A_92 = tpu.memref_slice %arg4[%add3A_90, %dma_start3A_91] : memref<64000x128xf32, #tpu.memory_space<hbm>> -> memref<400x128xf32, #tpu.memory_space<hbm>>
    %dma_start3A_93 = arith.constant 0 : i32
    %dma_start3A_94 = tpu.memref_slice %arg4[%add3A_90, %dma_start3A_93] : memref<64000x128xf32, #tpu.memory_space<hbm>> -> memref<400x128xf32, #tpu.memory_space<hbm>>
    tpu.enqueue_dma source(%arg6 : memref<400x128xf32, #tpu.memory_space<vmem>>) target(%dma_start3A_94 : memref<400x128xf32, #tpu.memory_space<hbm>>) target_semaphore(%arg10 : memref<!tpu.dma_semaphore, #tpu.memory_space<semaphore_mem>>)
    %dma_wait3A_95 = arith.constant 0 : i32
    %dma_wait3A_96 = tpu.memref_slice %arg4[%add3A_79, %dma_wait3A_95] : memref<64000x128xf32, #tpu.memory_space<hbm>> -> memref<400x128xf32, #tpu.memory_space<hbm>>
    %dma_wait3A_97 = arith.constant 0 : i32
    %dma_wait3A_98 = tpu.memref_slice %arg4[%add3A_79, %dma_wait3A_97] : memref<64000x128xf32, #tpu.memory_space<hbm>> -> memref<400x128xf32, #tpu.memory_space<hbm>>
    tpu.wait_dma2 semaphore(%arg11 : memref<!tpu.dma_semaphore, #tpu.memory_space<semaphore_mem>>) src(%arg7 : memref<400x128xf32, #tpu.memory_space<vmem>>) dst(%dma_wait3A_98 : memref<400x128xf32, #tpu.memory_space<hbm>>)
    %dma_wait3A_99 = arith.constant 0 : i32
    %dma_wait3A_100 = tpu.memref_slice %arg4[%add3A_90, %dma_wait3A_99] : memref<64000x128xf32, #tpu.memory_space<hbm>> -> memref<400x128xf32, #tpu.memory_space<hbm>>
    %dma_wait3A_101 = arith.constant 0 : i32
    %dma_wait3A_102 = tpu.memref_slice %arg4[%add3A_90, %dma_wait3A_101] : memref<64000x128xf32, #tpu.memory_space<hbm>> -> memref<400x128xf32, #tpu.memory_space<hbm>>
    tpu.wait_dma2 semaphore(%arg10 : memref<!tpu.dma_semaphore, #tpu.memory_space<semaphore_mem>>) src(%arg6 : memref<400x128xf32, #tpu.memory_space<vmem>>) dst(%dma_wait3A_102 : memref<400x128xf32, #tpu.memory_space<hbm>>)
    return
  }
}

#map = affine_map<(d0, d1) -> (0, 0)>
#map1 = affine_map<(d0, d1) -> (0)>
module attributes {stable_mosaic.version = 14 : i64} {
  func.func @gk(%arg0: i32, %arg1: i32, %arg2: memref<10000x128xf32, #tpu.memory_space<hbm>>, %arg3: memref<320000xi32, #tpu.memory_space<hbm>>, %arg4: memref<64000x128xf32, #tpu.memory_space<hbm>>, %arg5: memref<2000xi32, #tpu.memory_space<vmem>>, %arg6: memref<400x128xf32, #tpu.memory_space<vmem>>, %arg7: memref<400x128xf32, #tpu.memory_space<vmem>>, %arg8: memref<!tpu.dma_semaphore, #tpu.memory_space<semaphore_mem>>, %arg9: memref<!tpu.dma_semaphore, #tpu.memory_space<semaphore_mem>>, %arg10: memref<!tpu.dma_semaphore, #tpu.memory_space<semaphore_mem>>, %arg11: memref<!tpu.dma_semaphore, #tpu.memory_space<semaphore_mem>>) attributes {dimension_semantics = [#tpu.dimension_semantics<core_parallel>, #tpu.dimension_semantics<subcore_parallel>], iteration_bounds = array<i64: 2, 16>, scalar_prefetch = 0 : i64, scratch_operands = 7 : i64, tpu.core_type = #tpu.core_type<sc_vector_subcore>, window_params = [{transform_indices = #map}, {transform_indices = #map1}, {transform_indices = #map}]} {
    %mul3A = arith.constant 2 : i32
    %mul3A_0 = arith.muli %arg1, %mul3A : i32
    %add3A = arith.addi %mul3A_0, %arg0 : i32
    %mul3A_1 = arith.constant 2000 : i32
    %mul3A_2 = arith.muli %add3A, %mul3A_1 : i32
    %add3A_3 = arith.constant 0 : i32
    %add3A_4 = arith.addi %add3A_3, %mul3A_2 : i32
    "tpu.region"() ({
      %run_scoped3A = tpu.sem_alloc : memref<!tpu.dma_semaphore, #tpu.memory_space<semaphore_mem>>
      %dma_start3A_103 = tpu.memref_slice %arg3[%add3A_4] : memref<320000xi32, #tpu.memory_space<hbm>> -> memref<2000xi32, #tpu.memory_space<hbm>>
      %dma_start3A_104 = tpu.memref_slice %arg3[%add3A_4] : memref<320000xi32, #tpu.memory_space<hbm>> -> memref<2000xi32, #tpu.memory_space<hbm>>
      tpu.enqueue_dma source(%dma_start3A_104 : memref<2000xi32, #tpu.memory_space<hbm>>) target(%arg5 : memref<2000xi32, #tpu.memory_space<vmem>>) target_semaphore(%run_scoped3A : memref<!tpu.dma_semaphore, #tpu.memory_space<semaphore_mem>>)
      %dma_wait3A_105 = tpu.memref_slice %arg3[%add3A_4] : memref<320000xi32, #tpu.memory_space<hbm>> -> memref<2000xi32, #tpu.memory_space<hbm>>
      %dma_wait3A_106 = tpu.memref_slice %arg3[%add3A_4] : memref<320000xi32, #tpu.memory_space<hbm>> -> memref<2000xi32, #tpu.memory_space<hbm>>
      tpu.wait_dma2 semaphore(%run_scoped3A : memref<!tpu.dma_semaphore, #tpu.memory_space<semaphore_mem>>) src(%dma_wait3A_106 : memref<2000xi32, #tpu.memory_space<hbm>>) dst(%arg5 : memref<2000xi32, #tpu.memory_space<vmem>>)
      tpu.yield
    }) : () -> ()
    %dma_start3A = arith.constant 0 : i32
    %dma_start3A_5 = tpu.memref_slice %arg5[%dma_start3A] : memref<2000xi32, #tpu.memory_space<vmem>> -> memref<400xi32, #tpu.memory_space<vmem>>
    %dma_start3A_6 = arith.constant 0 : i32
    %dma_start3A_7 = arith.constant 0 : i32
    %dma_start3A_8 = tpu.memref_slice %arg2[%dma_start3A_6, %dma_start3A_7] : memref<10000x128xf32, #tpu.memory_space<hbm>> -> memref<10000x128xf32, #tpu.memory_space<hbm>>
    tpu.enqueue_indirect_dma source(%dma_start3A_8 : memref<10000x128xf32, #tpu.memory_space<hbm>>) target(%arg6 : memref<400x128xf32, #tpu.memory_space<vmem>>) offsets(%dma_start3A_5 : memref<400xi32, #tpu.memory_space<vmem>>) semaphore(%arg8 : memref<!tpu.dma_semaphore, #tpu.memory_space<semaphore_mem>>)
    %dma_start3A_9 = arith.constant 400 : i32
    %dma_start3A_10 = tpu.memref_slice %arg5[%dma_start3A_9] : memref<2000xi32, #tpu.memory_space<vmem>> -> memref<400xi32, #tpu.memory_space<vmem>>
    %dma_start3A_11 = arith.constant 0 : i32
    %dma_start3A_12 = arith.constant 0 : i32
    %dma_start3A_13 = tpu.memref_slice %arg2[%dma_start3A_11, %dma_start3A_12] : memref<10000x128xf32, #tpu.memory_space<hbm>> -> memref<10000x128xf32, #tpu.memory_space<hbm>>
    tpu.enqueue_indirect_dma source(%dma_start3A_13 : memref<10000x128xf32, #tpu.memory_space<hbm>>) target(%arg7 : memref<400x128xf32, #tpu.memory_space<vmem>>) offsets(%dma_start3A_10 : memref<400xi32, #tpu.memory_space<vmem>>) semaphore(%arg9 : memref<!tpu.dma_semaphore, #tpu.memory_space<semaphore_mem>>)
    %dma_wait3A = arith.constant 0 : i32
    %dma_wait3A_14 = tpu.memref_slice %arg5[%dma_wait3A] : memref<2000xi32, #tpu.memory_space<vmem>> -> memref<400xi32, #tpu.memory_space<vmem>>
    %dma_wait3A_15 = arith.constant 0 : i32
    %dma_wait3A_16 = arith.constant 0 : i32
    %dma_wait3A_17 = tpu.memref_slice %arg2[%dma_wait3A_15, %dma_wait3A_16] : memref<10000x128xf32, #tpu.memory_space<hbm>> -> memref<10000x128xf32, #tpu.memory_space<hbm>>
    tpu.wait_indirect_dma semaphore(%arg8 : memref<!tpu.dma_semaphore, #tpu.memory_space<semaphore_mem>>) src(%dma_wait3A_17 : memref<10000x128xf32, #tpu.memory_space<hbm>>) dst(%arg6 : memref<400x128xf32, #tpu.memory_space<vmem>>)
    %add3A_18 = arith.constant 0 : i32
    %add3A_19 = arith.addi %mul3A_2, %add3A_18 : i32
    %dma_start3A_20 = arith.constant 0 : i32
    %dma_start3A_21 = tpu.memref_slice %arg4[%add3A_19, %dma_start3A_20] : memref<64000x128xf32, #tpu.memory_space<hbm>> -> memref<400x128xf32, #tpu.memory_space<hbm>>
    %dma_start3A_22 = arith.constant 0 : i32
    %dma_start3A_23 = tpu.memref_slice %arg4[%add3A_19, %dma_start3A_22] : memref<64000x128xf32, #tpu.memory_space<hbm>> -> memref<400x128xf32, #tpu.memory_space<hbm>>
    tpu.enqueue_dma source(%arg6 : memref<400x128xf32, #tpu.memory_space<vmem>>) target(%dma_start3A_23 : memref<400x128xf32, #tpu.memory_space<hbm>>) target_semaphore(%arg10 : memref<!tpu.dma_semaphore, #tpu.memory_space<semaphore_mem>>)
    %dma_wait3A_24 = arith.constant 0 : i32
    %dma_wait3A_25 = tpu.memref_slice %arg4[%add3A_19, %dma_wait3A_24] : memref<64000x128xf32, #tpu.memory_space<hbm>> -> memref<400x128xf32, #tpu.memory_space<hbm>>
    %dma_wait3A_26 = arith.constant 0 : i32
    %dma_wait3A_27 = tpu.memref_slice %arg4[%add3A_19, %dma_wait3A_26] : memref<64000x128xf32, #tpu.memory_space<hbm>> -> memref<400x128xf32, #tpu.memory_space<hbm>>
    tpu.wait_dma2 semaphore(%arg10 : memref<!tpu.dma_semaphore, #tpu.memory_space<semaphore_mem>>) src(%arg6 : memref<400x128xf32, #tpu.memory_space<vmem>>) dst(%dma_wait3A_27 : memref<400x128xf32, #tpu.memory_space<hbm>>)
    %dma_start3A_28 = arith.constant 800 : i32
    %dma_start3A_29 = tpu.memref_slice %arg5[%dma_start3A_28] : memref<2000xi32, #tpu.memory_space<vmem>> -> memref<400xi32, #tpu.memory_space<vmem>>
    %dma_start3A_30 = arith.constant 0 : i32
    %dma_start3A_31 = arith.constant 0 : i32
    %dma_start3A_32 = tpu.memref_slice %arg2[%dma_start3A_30, %dma_start3A_31] : memref<10000x128xf32, #tpu.memory_space<hbm>> -> memref<10000x128xf32, #tpu.memory_space<hbm>>
    tpu.enqueue_indirect_dma source(%dma_start3A_32 : memref<10000x128xf32, #tpu.memory_space<hbm>>) target(%arg6 : memref<400x128xf32, #tpu.memory_space<vmem>>) offsets(%dma_start3A_29 : memref<400xi32, #tpu.memory_space<vmem>>) semaphore(%arg8 : memref<!tpu.dma_semaphore, #tpu.memory_space<semaphore_mem>>)
    %dma_wait3A_33 = arith.constant 400 : i32
    %dma_wait3A_34 = tpu.memref_slice %arg5[%dma_wait3A_33] : memref<2000xi32, #tpu.memory_space<vmem>> -> memref<400xi32, #tpu.memory_space<vmem>>
    %dma_wait3A_35 = arith.constant 0 : i32
    %dma_wait3A_36 = arith.constant 0 : i32
    %dma_wait3A_37 = tpu.memref_slice %arg2[%dma_wait3A_35, %dma_wait3A_36] : memref<10000x128xf32, #tpu.memory_space<hbm>> -> memref<10000x128xf32, #tpu.memory_space<hbm>>
    tpu.wait_indirect_dma semaphore(%arg9 : memref<!tpu.dma_semaphore, #tpu.memory_space<semaphore_mem>>) src(%dma_wait3A_37 : memref<10000x128xf32, #tpu.memory_space<hbm>>) dst(%arg7 : memref<400x128xf32, #tpu.memory_space<vmem>>)
    %add3A_38 = arith.constant 400 : i32
    %add3A_39 = arith.addi %mul3A_2, %add3A_38 : i32
    %dma_start3A_40 = arith.constant 0 : i32
    %dma_start3A_41 = tpu.memref_slice %arg4[%add3A_39, %dma_start3A_40] : memref<64000x128xf32, #tpu.memory_space<hbm>> -> memref<400x128xf32, #tpu.memory_space<hbm>>
    %dma_start3A_42 = arith.constant 0 : i32
    %dma_start3A_43 = tpu.memref_slice %arg4[%add3A_39, %dma_start3A_42] : memref<64000x128xf32, #tpu.memory_space<hbm>> -> memref<400x128xf32, #tpu.memory_space<hbm>>
    tpu.enqueue_dma source(%arg7 : memref<400x128xf32, #tpu.memory_space<vmem>>) target(%dma_start3A_43 : memref<400x128xf32, #tpu.memory_space<hbm>>) target_semaphore(%arg11 : memref<!tpu.dma_semaphore, #tpu.memory_space<semaphore_mem>>)
    %dma_wait3A_44 = arith.constant 0 : i32
    %dma_wait3A_45 = tpu.memref_slice %arg4[%add3A_39, %dma_wait3A_44] : memref<64000x128xf32, #tpu.memory_space<hbm>> -> memref<400x128xf32, #tpu.memory_space<hbm>>
    %dma_wait3A_46 = arith.constant 0 : i32
    %dma_wait3A_47 = tpu.memref_slice %arg4[%add3A_39, %dma_wait3A_46] : memref<64000x128xf32, #tpu.memory_space<hbm>> -> memref<400x128xf32, #tpu.memory_space<hbm>>
    tpu.wait_dma2 semaphore(%arg11 : memref<!tpu.dma_semaphore, #tpu.memory_space<semaphore_mem>>) src(%arg7 : memref<400x128xf32, #tpu.memory_space<vmem>>) dst(%dma_wait3A_47 : memref<400x128xf32, #tpu.memory_space<hbm>>)
    %dma_start3A_48 = arith.constant 1200 : i32
    %dma_start3A_49 = tpu.memref_slice %arg5[%dma_start3A_48] : memref<2000xi32, #tpu.memory_space<vmem>> -> memref<400xi32, #tpu.memory_space<vmem>>
    %dma_start3A_50 = arith.constant 0 : i32
    %dma_start3A_51 = arith.constant 0 : i32
    %dma_start3A_52 = tpu.memref_slice %arg2[%dma_start3A_50, %dma_start3A_51] : memref<10000x128xf32, #tpu.memory_space<hbm>> -> memref<10000x128xf32, #tpu.memory_space<hbm>>
    tpu.enqueue_indirect_dma source(%dma_start3A_52 : memref<10000x128xf32, #tpu.memory_space<hbm>>) target(%arg7 : memref<400x128xf32, #tpu.memory_space<vmem>>) offsets(%dma_start3A_49 : memref<400xi32, #tpu.memory_space<vmem>>) semaphore(%arg9 : memref<!tpu.dma_semaphore, #tpu.memory_space<semaphore_mem>>)
    %dma_wait3A_53 = arith.constant 800 : i32
    %dma_wait3A_54 = tpu.memref_slice %arg5[%dma_wait3A_53] : memref<2000xi32, #tpu.memory_space<vmem>> -> memref<400xi32, #tpu.memory_space<vmem>>
    %dma_wait3A_55 = arith.constant 0 : i32
    %dma_wait3A_56 = arith.constant 0 : i32
    %dma_wait3A_57 = tpu.memref_slice %arg2[%dma_wait3A_55, %dma_wait3A_56] : memref<10000x128xf32, #tpu.memory_space<hbm>> -> memref<10000x128xf32, #tpu.memory_space<hbm>>
    tpu.wait_indirect_dma semaphore(%arg8 : memref<!tpu.dma_semaphore, #tpu.memory_space<semaphore_mem>>) src(%dma_wait3A_57 : memref<10000x128xf32, #tpu.memory_space<hbm>>) dst(%arg6 : memref<400x128xf32, #tpu.memory_space<vmem>>)
    %add3A_58 = arith.constant 800 : i32
    %add3A_59 = arith.addi %mul3A_2, %add3A_58 : i32
    %dma_start3A_60 = arith.constant 0 : i32
    %dma_start3A_61 = tpu.memref_slice %arg4[%add3A_59, %dma_start3A_60] : memref<64000x128xf32, #tpu.memory_space<hbm>> -> memref<400x128xf32, #tpu.memory_space<hbm>>
    %dma_start3A_62 = arith.constant 0 : i32
    %dma_start3A_63 = tpu.memref_slice %arg4[%add3A_59, %dma_start3A_62] : memref<64000x128xf32, #tpu.memory_space<hbm>> -> memref<400x128xf32, #tpu.memory_space<hbm>>
    tpu.enqueue_dma source(%arg6 : memref<400x128xf32, #tpu.memory_space<vmem>>) target(%dma_start3A_63 : memref<400x128xf32, #tpu.memory_space<hbm>>) target_semaphore(%arg10 : memref<!tpu.dma_semaphore, #tpu.memory_space<semaphore_mem>>)
    %dma_wait3A_64 = arith.constant 0 : i32
    %dma_wait3A_65 = tpu.memref_slice %arg4[%add3A_59, %dma_wait3A_64] : memref<64000x128xf32, #tpu.memory_space<hbm>> -> memref<400x128xf32, #tpu.memory_space<hbm>>
    %dma_wait3A_66 = arith.constant 0 : i32
    %dma_wait3A_67 = tpu.memref_slice %arg4[%add3A_59, %dma_wait3A_66] : memref<64000x128xf32, #tpu.memory_space<hbm>> -> memref<400x128xf32, #tpu.memory_space<hbm>>
    tpu.wait_dma2 semaphore(%arg10 : memref<!tpu.dma_semaphore, #tpu.memory_space<semaphore_mem>>) src(%arg6 : memref<400x128xf32, #tpu.memory_space<vmem>>) dst(%dma_wait3A_67 : memref<400x128xf32, #tpu.memory_space<hbm>>)
    %dma_start3A_68 = arith.constant 1600 : i32
    %dma_start3A_69 = tpu.memref_slice %arg5[%dma_start3A_68] : memref<2000xi32, #tpu.memory_space<vmem>> -> memref<400xi32, #tpu.memory_space<vmem>>
    %dma_start3A_70 = arith.constant 0 : i32
    %dma_start3A_71 = arith.constant 0 : i32
    %dma_start3A_72 = tpu.memref_slice %arg2[%dma_start3A_70, %dma_start3A_71] : memref<10000x128xf32, #tpu.memory_space<hbm>> -> memref<10000x128xf32, #tpu.memory_space<hbm>>
    tpu.enqueue_indirect_dma source(%dma_start3A_72 : memref<10000x128xf32, #tpu.memory_space<hbm>>) target(%arg6 : memref<400x128xf32, #tpu.memory_space<vmem>>) offsets(%dma_start3A_69 : memref<400xi32, #tpu.memory_space<vmem>>) semaphore(%arg8 : memref<!tpu.dma_semaphore, #tpu.memory_space<semaphore_mem>>)
    %dma_wait3A_73 = arith.constant 1200 : i32
    %dma_wait3A_74 = tpu.memref_slice %arg5[%dma_wait3A_73] : memref<2000xi32, #tpu.memory_space<vmem>> -> memref<400xi32, #tpu.memory_space<vmem>>
    %dma_wait3A_75 = arith.constant 0 : i32
    %dma_wait3A_76 = arith.constant 0 : i32
    %dma_wait3A_77 = tpu.memref_slice %arg2[%dma_wait3A_75, %dma_wait3A_76] : memref<10000x128xf32, #tpu.memory_space<hbm>> -> memref<10000x128xf32, #tpu.memory_space<hbm>>
    tpu.wait_indirect_dma semaphore(%arg9 : memref<!tpu.dma_semaphore, #tpu.memory_space<semaphore_mem>>) src(%dma_wait3A_77 : memref<10000x128xf32, #tpu.memory_space<hbm>>) dst(%arg7 : memref<400x128xf32, #tpu.memory_space<vmem>>)
    %add3A_78 = arith.constant 1200 : i32
    %add3A_79 = arith.addi %mul3A_2, %add3A_78 : i32
    %dma_start3A_80 = arith.constant 0 : i32
    %dma_start3A_81 = tpu.memref_slice %arg4[%add3A_79, %dma_start3A_80] : memref<64000x128xf32, #tpu.memory_space<hbm>> -> memref<400x128xf32, #tpu.memory_space<hbm>>
    %dma_start3A_82 = arith.constant 0 : i32
    %dma_start3A_83 = tpu.memref_slice %arg4[%add3A_79, %dma_start3A_82] : memref<64000x128xf32, #tpu.memory_space<hbm>> -> memref<400x128xf32, #tpu.memory_space<hbm>>
    tpu.enqueue_dma source(%arg7 : memref<400x128xf32, #tpu.memory_space<vmem>>) target(%dma_start3A_83 : memref<400x128xf32, #tpu.memory_space<hbm>>) target_semaphore(%arg11 : memref<!tpu.dma_semaphore, #tpu.memory_space<semaphore_mem>>)
    %dma_wait3A_84 = arith.constant 1600 : i32
    %dma_wait3A_85 = tpu.memref_slice %arg5[%dma_wait3A_84] : memref<2000xi32, #tpu.memory_space<vmem>> -> memref<400xi32, #tpu.memory_space<vmem>>
    %dma_wait3A_86 = arith.constant 0 : i32
    %dma_wait3A_87 = arith.constant 0 : i32
    %dma_wait3A_88 = tpu.memref_slice %arg2[%dma_wait3A_86, %dma_wait3A_87] : memref<10000x128xf32, #tpu.memory_space<hbm>> -> memref<10000x128xf32, #tpu.memory_space<hbm>>
    tpu.wait_indirect_dma semaphore(%arg8 : memref<!tpu.dma_semaphore, #tpu.memory_space<semaphore_mem>>) src(%dma_wait3A_88 : memref<10000x128xf32, #tpu.memory_space<hbm>>) dst(%arg6 : memref<400x128xf32, #tpu.memory_space<vmem>>)
    %add3A_89 = arith.constant 1600 : i32
    %add3A_90 = arith.addi %mul3A_2, %add3A_89 : i32
    %dma_start3A_91 = arith.constant 0 : i32
    %dma_start3A_92 = tpu.memref_slice %arg4[%add3A_90, %dma_start3A_91] : memref<64000x128xf32, #tpu.memory_space<hbm>> -> memref<400x128xf32, #tpu.memory_space<hbm>>
    %dma_start3A_93 = arith.constant 0 : i32
    %dma_start3A_94 = tpu.memref_slice %arg4[%add3A_90, %dma_start3A_93] : memref<64000x128xf32, #tpu.memory_space<hbm>> -> memref<400x128xf32, #tpu.memory_space<hbm>>
    tpu.enqueue_dma source(%arg6 : memref<400x128xf32, #tpu.memory_space<vmem>>) target(%dma_start3A_94 : memref<400x128xf32, #tpu.memory_space<hbm>>) target_semaphore(%arg10 : memref<!tpu.dma_semaphore, #tpu.memory_space<semaphore_mem>>)
    %dma_wait3A_95 = arith.constant 0 : i32
    %dma_wait3A_96 = tpu.memref_slice %arg4[%add3A_79, %dma_wait3A_95] : memref<64000x128xf32, #tpu.memory_space<hbm>> -> memref<400x128xf32, #tpu.memory_space<hbm>>
    %dma_wait3A_97 = arith.constant 0 : i32
    %dma_wait3A_98 = tpu.memref_slice %arg4[%add3A_79, %dma_wait3A_97] : memref<64000x128xf32, #tpu.memory_space<hbm>> -> memref<400x128xf32, #tpu.memory_space<hbm>>
    tpu.wait_dma2 semaphore(%arg11 : memref<!tpu.dma_semaphore, #tpu.memory_space<semaphore_mem>>) src(%arg7 : memref<400x128xf32, #tpu.memory_space<vmem>>) dst(%dma_wait3A_98 : memref<400x128xf32, #tpu.memory_space<hbm>>)
    %dma_wait3A_99 = arith.constant 0 : i32
    %dma_wait3A_100 = tpu.memref_slice %arg4[%add3A_90, %dma_wait3A_99] : memref<64000x128xf32, #tpu.memory_space<hbm>> -> memref<400x128xf32, #tpu.memory_space<hbm>>
    %dma_wait3A_101 = arith.constant 0 : i32
    %dma_wait3A_102 = tpu.memref_slice %arg4[%add3A_90, %dma_wait3A_101] : memref<64000x128xf32, #tpu.memory_space<hbm>> -> memref<400x128xf32, #tpu.memory_space<hbm>>
    tpu.wait_dma2 semaphore(%arg10 : memref<!tpu.dma_semaphore, #tpu.memory_space<semaphore_mem>>) src(%arg6 : memref<400x128xf32, #tpu.memory_space<vmem>>) dst(%dma_wait3A_102 : memref<400x128xf32, #tpu.memory_space<hbm>>)
    return
  }
}

#map = affine_map<(d0, d1) -> (0, 0)>
#map1 = affine_map<(d0, d1) -> (0)>
module attributes {stable_mosaic.version = 14 : i64} {
  func.func @gk(%arg0: i32, %arg1: i32, %arg2: memref<10000x128xf32, #tpu.memory_space<hbm>>, %arg3: memref<320000xi32, #tpu.memory_space<hbm>>, %arg4: memref<64000x128xf32, #tpu.memory_space<hbm>>, %arg5: memref<2000xi32, #tpu.memory_space<vmem>>, %arg6: memref<400x128xf32, #tpu.memory_space<vmem>>, %arg7: memref<400x128xf32, #tpu.memory_space<vmem>>, %arg8: memref<!tpu.dma_semaphore, #tpu.memory_space<semaphore_mem>>, %arg9: memref<!tpu.dma_semaphore, #tpu.memory_space<semaphore_mem>>, %arg10: memref<!tpu.dma_semaphore, #tpu.memory_space<semaphore_mem>>, %arg11: memref<!tpu.dma_semaphore, #tpu.memory_space<semaphore_mem>>) attributes {dimension_semantics = [#tpu.dimension_semantics<core_parallel>, #tpu.dimension_semantics<subcore_parallel>], iteration_bounds = array<i64: 2, 16>, scalar_prefetch = 0 : i64, scratch_operands = 7 : i64, tpu.core_type = #tpu.core_type<sc_vector_subcore>, window_params = [{transform_indices = #map}, {transform_indices = #map1}, {transform_indices = #map}]} {
    %mul3A = arith.constant 2 : i32
    %mul3A_0 = arith.muli %arg1, %mul3A : i32
    %add3A = arith.addi %mul3A_0, %arg0 : i32
    %mul3A_1 = arith.constant 2000 : i32
    %mul3A_2 = arith.muli %add3A, %mul3A_1 : i32
    %add3A_3 = arith.constant 64000 : i32
    %add3A_4 = arith.addi %add3A_3, %mul3A_2 : i32
    "tpu.region"() ({
      %run_scoped3A = tpu.sem_alloc : memref<!tpu.dma_semaphore, #tpu.memory_space<semaphore_mem>>
      %dma_start3A_103 = tpu.memref_slice %arg3[%add3A_4] : memref<320000xi32, #tpu.memory_space<hbm>> -> memref<2000xi32, #tpu.memory_space<hbm>>
      %dma_start3A_104 = tpu.memref_slice %arg3[%add3A_4] : memref<320000xi32, #tpu.memory_space<hbm>> -> memref<2000xi32, #tpu.memory_space<hbm>>
      tpu.enqueue_dma source(%dma_start3A_104 : memref<2000xi32, #tpu.memory_space<hbm>>) target(%arg5 : memref<2000xi32, #tpu.memory_space<vmem>>) target_semaphore(%run_scoped3A : memref<!tpu.dma_semaphore, #tpu.memory_space<semaphore_mem>>)
      %dma_wait3A_105 = tpu.memref_slice %arg3[%add3A_4] : memref<320000xi32, #tpu.memory_space<hbm>> -> memref<2000xi32, #tpu.memory_space<hbm>>
      %dma_wait3A_106 = tpu.memref_slice %arg3[%add3A_4] : memref<320000xi32, #tpu.memory_space<hbm>> -> memref<2000xi32, #tpu.memory_space<hbm>>
      tpu.wait_dma2 semaphore(%run_scoped3A : memref<!tpu.dma_semaphore, #tpu.memory_space<semaphore_mem>>) src(%dma_wait3A_106 : memref<2000xi32, #tpu.memory_space<hbm>>) dst(%arg5 : memref<2000xi32, #tpu.memory_space<vmem>>)
      tpu.yield
    }) : () -> ()
    %dma_start3A = arith.constant 0 : i32
    %dma_start3A_5 = tpu.memref_slice %arg5[%dma_start3A] : memref<2000xi32, #tpu.memory_space<vmem>> -> memref<400xi32, #tpu.memory_space<vmem>>
    %dma_start3A_6 = arith.constant 0 : i32
    %dma_start3A_7 = arith.constant 0 : i32
    %dma_start3A_8 = tpu.memref_slice %arg2[%dma_start3A_6, %dma_start3A_7] : memref<10000x128xf32, #tpu.memory_space<hbm>> -> memref<10000x128xf32, #tpu.memory_space<hbm>>
    tpu.enqueue_indirect_dma source(%dma_start3A_8 : memref<10000x128xf32, #tpu.memory_space<hbm>>) target(%arg6 : memref<400x128xf32, #tpu.memory_space<vmem>>) offsets(%dma_start3A_5 : memref<400xi32, #tpu.memory_space<vmem>>) semaphore(%arg8 : memref<!tpu.dma_semaphore, #tpu.memory_space<semaphore_mem>>)
    %dma_start3A_9 = arith.constant 400 : i32
    %dma_start3A_10 = tpu.memref_slice %arg5[%dma_start3A_9] : memref<2000xi32, #tpu.memory_space<vmem>> -> memref<400xi32, #tpu.memory_space<vmem>>
    %dma_start3A_11 = arith.constant 0 : i32
    %dma_start3A_12 = arith.constant 0 : i32
    %dma_start3A_13 = tpu.memref_slice %arg2[%dma_start3A_11, %dma_start3A_12] : memref<10000x128xf32, #tpu.memory_space<hbm>> -> memref<10000x128xf32, #tpu.memory_space<hbm>>
    tpu.enqueue_indirect_dma source(%dma_start3A_13 : memref<10000x128xf32, #tpu.memory_space<hbm>>) target(%arg7 : memref<400x128xf32, #tpu.memory_space<vmem>>) offsets(%dma_start3A_10 : memref<400xi32, #tpu.memory_space<vmem>>) semaphore(%arg9 : memref<!tpu.dma_semaphore, #tpu.memory_space<semaphore_mem>>)
    %dma_wait3A = arith.constant 0 : i32
    %dma_wait3A_14 = tpu.memref_slice %arg5[%dma_wait3A] : memref<2000xi32, #tpu.memory_space<vmem>> -> memref<400xi32, #tpu.memory_space<vmem>>
    %dma_wait3A_15 = arith.constant 0 : i32
    %dma_wait3A_16 = arith.constant 0 : i32
    %dma_wait3A_17 = tpu.memref_slice %arg2[%dma_wait3A_15, %dma_wait3A_16] : memref<10000x128xf32, #tpu.memory_space<hbm>> -> memref<10000x128xf32, #tpu.memory_space<hbm>>
    tpu.wait_indirect_dma semaphore(%arg8 : memref<!tpu.dma_semaphore, #tpu.memory_space<semaphore_mem>>) src(%dma_wait3A_17 : memref<10000x128xf32, #tpu.memory_space<hbm>>) dst(%arg6 : memref<400x128xf32, #tpu.memory_space<vmem>>)
    %add3A_18 = arith.constant 0 : i32
    %add3A_19 = arith.addi %mul3A_2, %add3A_18 : i32
    %dma_start3A_20 = arith.constant 0 : i32
    %dma_start3A_21 = tpu.memref_slice %arg4[%add3A_19, %dma_start3A_20] : memref<64000x128xf32, #tpu.memory_space<hbm>> -> memref<400x128xf32, #tpu.memory_space<hbm>>
    %dma_start3A_22 = arith.constant 0 : i32
    %dma_start3A_23 = tpu.memref_slice %arg4[%add3A_19, %dma_start3A_22] : memref<64000x128xf32, #tpu.memory_space<hbm>> -> memref<400x128xf32, #tpu.memory_space<hbm>>
    tpu.enqueue_dma source(%arg6 : memref<400x128xf32, #tpu.memory_space<vmem>>) target(%dma_start3A_23 : memref<400x128xf32, #tpu.memory_space<hbm>>) target_semaphore(%arg10 : memref<!tpu.dma_semaphore, #tpu.memory_space<semaphore_mem>>)
    %dma_wait3A_24 = arith.constant 0 : i32
    %dma_wait3A_25 = tpu.memref_slice %arg4[%add3A_19, %dma_wait3A_24] : memref<64000x128xf32, #tpu.memory_space<hbm>> -> memref<400x128xf32, #tpu.memory_space<hbm>>
    %dma_wait3A_26 = arith.constant 0 : i32
    %dma_wait3A_27 = tpu.memref_slice %arg4[%add3A_19, %dma_wait3A_26] : memref<64000x128xf32, #tpu.memory_space<hbm>> -> memref<400x128xf32, #tpu.memory_space<hbm>>
    tpu.wait_dma2 semaphore(%arg10 : memref<!tpu.dma_semaphore, #tpu.memory_space<semaphore_mem>>) src(%arg6 : memref<400x128xf32, #tpu.memory_space<vmem>>) dst(%dma_wait3A_27 : memref<400x128xf32, #tpu.memory_space<hbm>>)
    %dma_start3A_28 = arith.constant 800 : i32
    %dma_start3A_29 = tpu.memref_slice %arg5[%dma_start3A_28] : memref<2000xi32, #tpu.memory_space<vmem>> -> memref<400xi32, #tpu.memory_space<vmem>>
    %dma_start3A_30 = arith.constant 0 : i32
    %dma_start3A_31 = arith.constant 0 : i32
    %dma_start3A_32 = tpu.memref_slice %arg2[%dma_start3A_30, %dma_start3A_31] : memref<10000x128xf32, #tpu.memory_space<hbm>> -> memref<10000x128xf32, #tpu.memory_space<hbm>>
    tpu.enqueue_indirect_dma source(%dma_start3A_32 : memref<10000x128xf32, #tpu.memory_space<hbm>>) target(%arg6 : memref<400x128xf32, #tpu.memory_space<vmem>>) offsets(%dma_start3A_29 : memref<400xi32, #tpu.memory_space<vmem>>) semaphore(%arg8 : memref<!tpu.dma_semaphore, #tpu.memory_space<semaphore_mem>>)
    %dma_wait3A_33 = arith.constant 400 : i32
    %dma_wait3A_34 = tpu.memref_slice %arg5[%dma_wait3A_33] : memref<2000xi32, #tpu.memory_space<vmem>> -> memref<400xi32, #tpu.memory_space<vmem>>
    %dma_wait3A_35 = arith.constant 0 : i32
    %dma_wait3A_36 = arith.constant 0 : i32
    %dma_wait3A_37 = tpu.memref_slice %arg2[%dma_wait3A_35, %dma_wait3A_36] : memref<10000x128xf32, #tpu.memory_space<hbm>> -> memref<10000x128xf32, #tpu.memory_space<hbm>>
    tpu.wait_indirect_dma semaphore(%arg9 : memref<!tpu.dma_semaphore, #tpu.memory_space<semaphore_mem>>) src(%dma_wait3A_37 : memref<10000x128xf32, #tpu.memory_space<hbm>>) dst(%arg7 : memref<400x128xf32, #tpu.memory_space<vmem>>)
    %add3A_38 = arith.constant 400 : i32
    %add3A_39 = arith.addi %mul3A_2, %add3A_38 : i32
    %dma_start3A_40 = arith.constant 0 : i32
    %dma_start3A_41 = tpu.memref_slice %arg4[%add3A_39, %dma_start3A_40] : memref<64000x128xf32, #tpu.memory_space<hbm>> -> memref<400x128xf32, #tpu.memory_space<hbm>>
    %dma_start3A_42 = arith.constant 0 : i32
    %dma_start3A_43 = tpu.memref_slice %arg4[%add3A_39, %dma_start3A_42] : memref<64000x128xf32, #tpu.memory_space<hbm>> -> memref<400x128xf32, #tpu.memory_space<hbm>>
    tpu.enqueue_dma source(%arg7 : memref<400x128xf32, #tpu.memory_space<vmem>>) target(%dma_start3A_43 : memref<400x128xf32, #tpu.memory_space<hbm>>) target_semaphore(%arg11 : memref<!tpu.dma_semaphore, #tpu.memory_space<semaphore_mem>>)
    %dma_wait3A_44 = arith.constant 0 : i32
    %dma_wait3A_45 = tpu.memref_slice %arg4[%add3A_39, %dma_wait3A_44] : memref<64000x128xf32, #tpu.memory_space<hbm>> -> memref<400x128xf32, #tpu.memory_space<hbm>>
    %dma_wait3A_46 = arith.constant 0 : i32
    %dma_wait3A_47 = tpu.memref_slice %arg4[%add3A_39, %dma_wait3A_46] : memref<64000x128xf32, #tpu.memory_space<hbm>> -> memref<400x128xf32, #tpu.memory_space<hbm>>
    tpu.wait_dma2 semaphore(%arg11 : memref<!tpu.dma_semaphore, #tpu.memory_space<semaphore_mem>>) src(%arg7 : memref<400x128xf32, #tpu.memory_space<vmem>>) dst(%dma_wait3A_47 : memref<400x128xf32, #tpu.memory_space<hbm>>)
    %dma_start3A_48 = arith.constant 1200 : i32
    %dma_start3A_49 = tpu.memref_slice %arg5[%dma_start3A_48] : memref<2000xi32, #tpu.memory_space<vmem>> -> memref<400xi32, #tpu.memory_space<vmem>>
    %dma_start3A_50 = arith.constant 0 : i32
    %dma_start3A_51 = arith.constant 0 : i32
    %dma_start3A_52 = tpu.memref_slice %arg2[%dma_start3A_50, %dma_start3A_51] : memref<10000x128xf32, #tpu.memory_space<hbm>> -> memref<10000x128xf32, #tpu.memory_space<hbm>>
    tpu.enqueue_indirect_dma source(%dma_start3A_52 : memref<10000x128xf32, #tpu.memory_space<hbm>>) target(%arg7 : memref<400x128xf32, #tpu.memory_space<vmem>>) offsets(%dma_start3A_49 : memref<400xi32, #tpu.memory_space<vmem>>) semaphore(%arg9 : memref<!tpu.dma_semaphore, #tpu.memory_space<semaphore_mem>>)
    %dma_wait3A_53 = arith.constant 800 : i32
    %dma_wait3A_54 = tpu.memref_slice %arg5[%dma_wait3A_53] : memref<2000xi32, #tpu.memory_space<vmem>> -> memref<400xi32, #tpu.memory_space<vmem>>
    %dma_wait3A_55 = arith.constant 0 : i32
    %dma_wait3A_56 = arith.constant 0 : i32
    %dma_wait3A_57 = tpu.memref_slice %arg2[%dma_wait3A_55, %dma_wait3A_56] : memref<10000x128xf32, #tpu.memory_space<hbm>> -> memref<10000x128xf32, #tpu.memory_space<hbm>>
    tpu.wait_indirect_dma semaphore(%arg8 : memref<!tpu.dma_semaphore, #tpu.memory_space<semaphore_mem>>) src(%dma_wait3A_57 : memref<10000x128xf32, #tpu.memory_space<hbm>>) dst(%arg6 : memref<400x128xf32, #tpu.memory_space<vmem>>)
    %add3A_58 = arith.constant 800 : i32
    %add3A_59 = arith.addi %mul3A_2, %add3A_58 : i32
    %dma_start3A_60 = arith.constant 0 : i32
    %dma_start3A_61 = tpu.memref_slice %arg4[%add3A_59, %dma_start3A_60] : memref<64000x128xf32, #tpu.memory_space<hbm>> -> memref<400x128xf32, #tpu.memory_space<hbm>>
    %dma_start3A_62 = arith.constant 0 : i32
    %dma_start3A_63 = tpu.memref_slice %arg4[%add3A_59, %dma_start3A_62] : memref<64000x128xf32, #tpu.memory_space<hbm>> -> memref<400x128xf32, #tpu.memory_space<hbm>>
    tpu.enqueue_dma source(%arg6 : memref<400x128xf32, #tpu.memory_space<vmem>>) target(%dma_start3A_63 : memref<400x128xf32, #tpu.memory_space<hbm>>) target_semaphore(%arg10 : memref<!tpu.dma_semaphore, #tpu.memory_space<semaphore_mem>>)
    %dma_wait3A_64 = arith.constant 0 : i32
    %dma_wait3A_65 = tpu.memref_slice %arg4[%add3A_59, %dma_wait3A_64] : memref<64000x128xf32, #tpu.memory_space<hbm>> -> memref<400x128xf32, #tpu.memory_space<hbm>>
    %dma_wait3A_66 = arith.constant 0 : i32
    %dma_wait3A_67 = tpu.memref_slice %arg4[%add3A_59, %dma_wait3A_66] : memref<64000x128xf32, #tpu.memory_space<hbm>> -> memref<400x128xf32, #tpu.memory_space<hbm>>
    tpu.wait_dma2 semaphore(%arg10 : memref<!tpu.dma_semaphore, #tpu.memory_space<semaphore_mem>>) src(%arg6 : memref<400x128xf32, #tpu.memory_space<vmem>>) dst(%dma_wait3A_67 : memref<400x128xf32, #tpu.memory_space<hbm>>)
    %dma_start3A_68 = arith.constant 1600 : i32
    %dma_start3A_69 = tpu.memref_slice %arg5[%dma_start3A_68] : memref<2000xi32, #tpu.memory_space<vmem>> -> memref<400xi32, #tpu.memory_space<vmem>>
    %dma_start3A_70 = arith.constant 0 : i32
    %dma_start3A_71 = arith.constant 0 : i32
    %dma_start3A_72 = tpu.memref_slice %arg2[%dma_start3A_70, %dma_start3A_71] : memref<10000x128xf32, #tpu.memory_space<hbm>> -> memref<10000x128xf32, #tpu.memory_space<hbm>>
    tpu.enqueue_indirect_dma source(%dma_start3A_72 : memref<10000x128xf32, #tpu.memory_space<hbm>>) target(%arg6 : memref<400x128xf32, #tpu.memory_space<vmem>>) offsets(%dma_start3A_69 : memref<400xi32, #tpu.memory_space<vmem>>) semaphore(%arg8 : memref<!tpu.dma_semaphore, #tpu.memory_space<semaphore_mem>>)
    %dma_wait3A_73 = arith.constant 1200 : i32
    %dma_wait3A_74 = tpu.memref_slice %arg5[%dma_wait3A_73] : memref<2000xi32, #tpu.memory_space<vmem>> -> memref<400xi32, #tpu.memory_space<vmem>>
    %dma_wait3A_75 = arith.constant 0 : i32
    %dma_wait3A_76 = arith.constant 0 : i32
    %dma_wait3A_77 = tpu.memref_slice %arg2[%dma_wait3A_75, %dma_wait3A_76] : memref<10000x128xf32, #tpu.memory_space<hbm>> -> memref<10000x128xf32, #tpu.memory_space<hbm>>
    tpu.wait_indirect_dma semaphore(%arg9 : memref<!tpu.dma_semaphore, #tpu.memory_space<semaphore_mem>>) src(%dma_wait3A_77 : memref<10000x128xf32, #tpu.memory_space<hbm>>) dst(%arg7 : memref<400x128xf32, #tpu.memory_space<vmem>>)
    %add3A_78 = arith.constant 1200 : i32
    %add3A_79 = arith.addi %mul3A_2, %add3A_78 : i32
    %dma_start3A_80 = arith.constant 0 : i32
    %dma_start3A_81 = tpu.memref_slice %arg4[%add3A_79, %dma_start3A_80] : memref<64000x128xf32, #tpu.memory_space<hbm>> -> memref<400x128xf32, #tpu.memory_space<hbm>>
    %dma_start3A_82 = arith.constant 0 : i32
    %dma_start3A_83 = tpu.memref_slice %arg4[%add3A_79, %dma_start3A_82] : memref<64000x128xf32, #tpu.memory_space<hbm>> -> memref<400x128xf32, #tpu.memory_space<hbm>>
    tpu.enqueue_dma source(%arg7 : memref<400x128xf32, #tpu.memory_space<vmem>>) target(%dma_start3A_83 : memref<400x128xf32, #tpu.memory_space<hbm>>) target_semaphore(%arg11 : memref<!tpu.dma_semaphore, #tpu.memory_space<semaphore_mem>>)
    %dma_wait3A_84 = arith.constant 1600 : i32
    %dma_wait3A_85 = tpu.memref_slice %arg5[%dma_wait3A_84] : memref<2000xi32, #tpu.memory_space<vmem>> -> memref<400xi32, #tpu.memory_space<vmem>>
    %dma_wait3A_86 = arith.constant 0 : i32
    %dma_wait3A_87 = arith.constant 0 : i32
    %dma_wait3A_88 = tpu.memref_slice %arg2[%dma_wait3A_86, %dma_wait3A_87] : memref<10000x128xf32, #tpu.memory_space<hbm>> -> memref<10000x128xf32, #tpu.memory_space<hbm>>
    tpu.wait_indirect_dma semaphore(%arg8 : memref<!tpu.dma_semaphore, #tpu.memory_space<semaphore_mem>>) src(%dma_wait3A_88 : memref<10000x128xf32, #tpu.memory_space<hbm>>) dst(%arg6 : memref<400x128xf32, #tpu.memory_space<vmem>>)
    %add3A_89 = arith.constant 1600 : i32
    %add3A_90 = arith.addi %mul3A_2, %add3A_89 : i32
    %dma_start3A_91 = arith.constant 0 : i32
    %dma_start3A_92 = tpu.memref_slice %arg4[%add3A_90, %dma_start3A_91] : memref<64000x128xf32, #tpu.memory_space<hbm>> -> memref<400x128xf32, #tpu.memory_space<hbm>>
    %dma_start3A_93 = arith.constant 0 : i32
    %dma_start3A_94 = tpu.memref_slice %arg4[%add3A_90, %dma_start3A_93] : memref<64000x128xf32, #tpu.memory_space<hbm>> -> memref<400x128xf32, #tpu.memory_space<hbm>>
    tpu.enqueue_dma source(%arg6 : memref<400x128xf32, #tpu.memory_space<vmem>>) target(%dma_start3A_94 : memref<400x128xf32, #tpu.memory_space<hbm>>) target_semaphore(%arg10 : memref<!tpu.dma_semaphore, #tpu.memory_space<semaphore_mem>>)
    %dma_wait3A_95 = arith.constant 0 : i32
    %dma_wait3A_96 = tpu.memref_slice %arg4[%add3A_79, %dma_wait3A_95] : memref<64000x128xf32, #tpu.memory_space<hbm>> -> memref<400x128xf32, #tpu.memory_space<hbm>>
    %dma_wait3A_97 = arith.constant 0 : i32
    %dma_wait3A_98 = tpu.memref_slice %arg4[%add3A_79, %dma_wait3A_97] : memref<64000x128xf32, #tpu.memory_space<hbm>> -> memref<400x128xf32, #tpu.memory_space<hbm>>
    tpu.wait_dma2 semaphore(%arg11 : memref<!tpu.dma_semaphore, #tpu.memory_space<semaphore_mem>>) src(%arg7 : memref<400x128xf32, #tpu.memory_space<vmem>>) dst(%dma_wait3A_98 : memref<400x128xf32, #tpu.memory_space<hbm>>)
    %dma_wait3A_99 = arith.constant 0 : i32
    %dma_wait3A_100 = tpu.memref_slice %arg4[%add3A_90, %dma_wait3A_99] : memref<64000x128xf32, #tpu.memory_space<hbm>> -> memref<400x128xf32, #tpu.memory_space<hbm>>
    %dma_wait3A_101 = arith.constant 0 : i32
    %dma_wait3A_102 = tpu.memref_slice %arg4[%add3A_90, %dma_wait3A_101] : memref<64000x128xf32, #tpu.memory_space<hbm>> -> memref<400x128xf32, #tpu.memory_space<hbm>>
    tpu.wait_dma2 semaphore(%arg10 : memref<!tpu.dma_semaphore, #tpu.memory_space<semaphore_mem>>) src(%arg6 : memref<400x128xf32, #tpu.memory_space<vmem>>) dst(%dma_wait3A_102 : memref<400x128xf32, #tpu.memory_space<hbm>>)
    return
  }
}

#map = affine_map<(d0, d1) -> (0, 0)>
#map1 = affine_map<(d0, d1) -> (0)>
module attributes {stable_mosaic.version = 14 : i64} {
  func.func @gk(%arg0: i32, %arg1: i32, %arg2: memref<10000x128xf32, #tpu.memory_space<hbm>>, %arg3: memref<320000xi32, #tpu.memory_space<hbm>>, %arg4: memref<64000x128xf32, #tpu.memory_space<hbm>>, %arg5: memref<2000xi32, #tpu.memory_space<vmem>>, %arg6: memref<400x128xf32, #tpu.memory_space<vmem>>, %arg7: memref<400x128xf32, #tpu.memory_space<vmem>>, %arg8: memref<!tpu.dma_semaphore, #tpu.memory_space<semaphore_mem>>, %arg9: memref<!tpu.dma_semaphore, #tpu.memory_space<semaphore_mem>>, %arg10: memref<!tpu.dma_semaphore, #tpu.memory_space<semaphore_mem>>, %arg11: memref<!tpu.dma_semaphore, #tpu.memory_space<semaphore_mem>>) attributes {dimension_semantics = [#tpu.dimension_semantics<core_parallel>, #tpu.dimension_semantics<subcore_parallel>], iteration_bounds = array<i64: 2, 16>, scalar_prefetch = 0 : i64, scratch_operands = 7 : i64, tpu.core_type = #tpu.core_type<sc_vector_subcore>, window_params = [{transform_indices = #map}, {transform_indices = #map1}, {transform_indices = #map}]} {
    %mul3A = arith.constant 2 : i32
    %mul3A_0 = arith.muli %arg1, %mul3A : i32
    %add3A = arith.addi %mul3A_0, %arg0 : i32
    %mul3A_1 = arith.constant 2000 : i32
    %mul3A_2 = arith.muli %add3A, %mul3A_1 : i32
    %add3A_3 = arith.constant 256000 : i32
    %add3A_4 = arith.addi %add3A_3, %mul3A_2 : i32
    "tpu.region"() ({
      %run_scoped3A = tpu.sem_alloc : memref<!tpu.dma_semaphore, #tpu.memory_space<semaphore_mem>>
      %dma_start3A_103 = tpu.memref_slice %arg3[%add3A_4] : memref<320000xi32, #tpu.memory_space<hbm>> -> memref<2000xi32, #tpu.memory_space<hbm>>
      %dma_start3A_104 = tpu.memref_slice %arg3[%add3A_4] : memref<320000xi32, #tpu.memory_space<hbm>> -> memref<2000xi32, #tpu.memory_space<hbm>>
      tpu.enqueue_dma source(%dma_start3A_104 : memref<2000xi32, #tpu.memory_space<hbm>>) target(%arg5 : memref<2000xi32, #tpu.memory_space<vmem>>) target_semaphore(%run_scoped3A : memref<!tpu.dma_semaphore, #tpu.memory_space<semaphore_mem>>)
      %dma_wait3A_105 = tpu.memref_slice %arg3[%add3A_4] : memref<320000xi32, #tpu.memory_space<hbm>> -> memref<2000xi32, #tpu.memory_space<hbm>>
      %dma_wait3A_106 = tpu.memref_slice %arg3[%add3A_4] : memref<320000xi32, #tpu.memory_space<hbm>> -> memref<2000xi32, #tpu.memory_space<hbm>>
      tpu.wait_dma2 semaphore(%run_scoped3A : memref<!tpu.dma_semaphore, #tpu.memory_space<semaphore_mem>>) src(%dma_wait3A_106 : memref<2000xi32, #tpu.memory_space<hbm>>) dst(%arg5 : memref<2000xi32, #tpu.memory_space<vmem>>)
      tpu.yield
    }) : () -> ()
    %dma_start3A = arith.constant 0 : i32
    %dma_start3A_5 = tpu.memref_slice %arg5[%dma_start3A] : memref<2000xi32, #tpu.memory_space<vmem>> -> memref<400xi32, #tpu.memory_space<vmem>>
    %dma_start3A_6 = arith.constant 0 : i32
    %dma_start3A_7 = arith.constant 0 : i32
    %dma_start3A_8 = tpu.memref_slice %arg2[%dma_start3A_6, %dma_start3A_7] : memref<10000x128xf32, #tpu.memory_space<hbm>> -> memref<10000x128xf32, #tpu.memory_space<hbm>>
    tpu.enqueue_indirect_dma source(%dma_start3A_8 : memref<10000x128xf32, #tpu.memory_space<hbm>>) target(%arg6 : memref<400x128xf32, #tpu.memory_space<vmem>>) offsets(%dma_start3A_5 : memref<400xi32, #tpu.memory_space<vmem>>) semaphore(%arg8 : memref<!tpu.dma_semaphore, #tpu.memory_space<semaphore_mem>>)
    %dma_start3A_9 = arith.constant 400 : i32
    %dma_start3A_10 = tpu.memref_slice %arg5[%dma_start3A_9] : memref<2000xi32, #tpu.memory_space<vmem>> -> memref<400xi32, #tpu.memory_space<vmem>>
    %dma_start3A_11 = arith.constant 0 : i32
    %dma_start3A_12 = arith.constant 0 : i32
    %dma_start3A_13 = tpu.memref_slice %arg2[%dma_start3A_11, %dma_start3A_12] : memref<10000x128xf32, #tpu.memory_space<hbm>> -> memref<10000x128xf32, #tpu.memory_space<hbm>>
    tpu.enqueue_indirect_dma source(%dma_start3A_13 : memref<10000x128xf32, #tpu.memory_space<hbm>>) target(%arg7 : memref<400x128xf32, #tpu.memory_space<vmem>>) offsets(%dma_start3A_10 : memref<400xi32, #tpu.memory_space<vmem>>) semaphore(%arg9 : memref<!tpu.dma_semaphore, #tpu.memory_space<semaphore_mem>>)
    %dma_wait3A = arith.constant 0 : i32
    %dma_wait3A_14 = tpu.memref_slice %arg5[%dma_wait3A] : memref<2000xi32, #tpu.memory_space<vmem>> -> memref<400xi32, #tpu.memory_space<vmem>>
    %dma_wait3A_15 = arith.constant 0 : i32
    %dma_wait3A_16 = arith.constant 0 : i32
    %dma_wait3A_17 = tpu.memref_slice %arg2[%dma_wait3A_15, %dma_wait3A_16] : memref<10000x128xf32, #tpu.memory_space<hbm>> -> memref<10000x128xf32, #tpu.memory_space<hbm>>
    tpu.wait_indirect_dma semaphore(%arg8 : memref<!tpu.dma_semaphore, #tpu.memory_space<semaphore_mem>>) src(%dma_wait3A_17 : memref<10000x128xf32, #tpu.memory_space<hbm>>) dst(%arg6 : memref<400x128xf32, #tpu.memory_space<vmem>>)
    %add3A_18 = arith.constant 0 : i32
    %add3A_19 = arith.addi %mul3A_2, %add3A_18 : i32
    %dma_start3A_20 = arith.constant 0 : i32
    %dma_start3A_21 = tpu.memref_slice %arg4[%add3A_19, %dma_start3A_20] : memref<64000x128xf32, #tpu.memory_space<hbm>> -> memref<400x128xf32, #tpu.memory_space<hbm>>
    %dma_start3A_22 = arith.constant 0 : i32
    %dma_start3A_23 = tpu.memref_slice %arg4[%add3A_19, %dma_start3A_22] : memref<64000x128xf32, #tpu.memory_space<hbm>> -> memref<400x128xf32, #tpu.memory_space<hbm>>
    tpu.enqueue_dma source(%arg6 : memref<400x128xf32, #tpu.memory_space<vmem>>) target(%dma_start3A_23 : memref<400x128xf32, #tpu.memory_space<hbm>>) target_semaphore(%arg10 : memref<!tpu.dma_semaphore, #tpu.memory_space<semaphore_mem>>)
    %dma_wait3A_24 = arith.constant 0 : i32
    %dma_wait3A_25 = tpu.memref_slice %arg4[%add3A_19, %dma_wait3A_24] : memref<64000x128xf32, #tpu.memory_space<hbm>> -> memref<400x128xf32, #tpu.memory_space<hbm>>
    %dma_wait3A_26 = arith.constant 0 : i32
    %dma_wait3A_27 = tpu.memref_slice %arg4[%add3A_19, %dma_wait3A_26] : memref<64000x128xf32, #tpu.memory_space<hbm>> -> memref<400x128xf32, #tpu.memory_space<hbm>>
    tpu.wait_dma2 semaphore(%arg10 : memref<!tpu.dma_semaphore, #tpu.memory_space<semaphore_mem>>) src(%arg6 : memref<400x128xf32, #tpu.memory_space<vmem>>) dst(%dma_wait3A_27 : memref<400x128xf32, #tpu.memory_space<hbm>>)
    %dma_start3A_28 = arith.constant 800 : i32
    %dma_start3A_29 = tpu.memref_slice %arg5[%dma_start3A_28] : memref<2000xi32, #tpu.memory_space<vmem>> -> memref<400xi32, #tpu.memory_space<vmem>>
    %dma_start3A_30 = arith.constant 0 : i32
    %dma_start3A_31 = arith.constant 0 : i32
    %dma_start3A_32 = tpu.memref_slice %arg2[%dma_start3A_30, %dma_start3A_31] : memref<10000x128xf32, #tpu.memory_space<hbm>> -> memref<10000x128xf32, #tpu.memory_space<hbm>>
    tpu.enqueue_indirect_dma source(%dma_start3A_32 : memref<10000x128xf32, #tpu.memory_space<hbm>>) target(%arg6 : memref<400x128xf32, #tpu.memory_space<vmem>>) offsets(%dma_start3A_29 : memref<400xi32, #tpu.memory_space<vmem>>) semaphore(%arg8 : memref<!tpu.dma_semaphore, #tpu.memory_space<semaphore_mem>>)
    %dma_wait3A_33 = arith.constant 400 : i32
    %dma_wait3A_34 = tpu.memref_slice %arg5[%dma_wait3A_33] : memref<2000xi32, #tpu.memory_space<vmem>> -> memref<400xi32, #tpu.memory_space<vmem>>
    %dma_wait3A_35 = arith.constant 0 : i32
    %dma_wait3A_36 = arith.constant 0 : i32
    %dma_wait3A_37 = tpu.memref_slice %arg2[%dma_wait3A_35, %dma_wait3A_36] : memref<10000x128xf32, #tpu.memory_space<hbm>> -> memref<10000x128xf32, #tpu.memory_space<hbm>>
    tpu.wait_indirect_dma semaphore(%arg9 : memref<!tpu.dma_semaphore, #tpu.memory_space<semaphore_mem>>) src(%dma_wait3A_37 : memref<10000x128xf32, #tpu.memory_space<hbm>>) dst(%arg7 : memref<400x128xf32, #tpu.memory_space<vmem>>)
    %add3A_38 = arith.constant 400 : i32
    %add3A_39 = arith.addi %mul3A_2, %add3A_38 : i32
    %dma_start3A_40 = arith.constant 0 : i32
    %dma_start3A_41 = tpu.memref_slice %arg4[%add3A_39, %dma_start3A_40] : memref<64000x128xf32, #tpu.memory_space<hbm>> -> memref<400x128xf32, #tpu.memory_space<hbm>>
    %dma_start3A_42 = arith.constant 0 : i32
    %dma_start3A_43 = tpu.memref_slice %arg4[%add3A_39, %dma_start3A_42] : memref<64000x128xf32, #tpu.memory_space<hbm>> -> memref<400x128xf32, #tpu.memory_space<hbm>>
    tpu.enqueue_dma source(%arg7 : memref<400x128xf32, #tpu.memory_space<vmem>>) target(%dma_start3A_43 : memref<400x128xf32, #tpu.memory_space<hbm>>) target_semaphore(%arg11 : memref<!tpu.dma_semaphore, #tpu.memory_space<semaphore_mem>>)
    %dma_wait3A_44 = arith.constant 0 : i32
    %dma_wait3A_45 = tpu.memref_slice %arg4[%add3A_39, %dma_wait3A_44] : memref<64000x128xf32, #tpu.memory_space<hbm>> -> memref<400x128xf32, #tpu.memory_space<hbm>>
    %dma_wait3A_46 = arith.constant 0 : i32
    %dma_wait3A_47 = tpu.memref_slice %arg4[%add3A_39, %dma_wait3A_46] : memref<64000x128xf32, #tpu.memory_space<hbm>> -> memref<400x128xf32, #tpu.memory_space<hbm>>
    tpu.wait_dma2 semaphore(%arg11 : memref<!tpu.dma_semaphore, #tpu.memory_space<semaphore_mem>>) src(%arg7 : memref<400x128xf32, #tpu.memory_space<vmem>>) dst(%dma_wait3A_47 : memref<400x128xf32, #tpu.memory_space<hbm>>)
    %dma_start3A_48 = arith.constant 1200 : i32
    %dma_start3A_49 = tpu.memref_slice %arg5[%dma_start3A_48] : memref<2000xi32, #tpu.memory_space<vmem>> -> memref<400xi32, #tpu.memory_space<vmem>>
    %dma_start3A_50 = arith.constant 0 : i32
    %dma_start3A_51 = arith.constant 0 : i32
    %dma_start3A_52 = tpu.memref_slice %arg2[%dma_start3A_50, %dma_start3A_51] : memref<10000x128xf32, #tpu.memory_space<hbm>> -> memref<10000x128xf32, #tpu.memory_space<hbm>>
    tpu.enqueue_indirect_dma source(%dma_start3A_52 : memref<10000x128xf32, #tpu.memory_space<hbm>>) target(%arg7 : memref<400x128xf32, #tpu.memory_space<vmem>>) offsets(%dma_start3A_49 : memref<400xi32, #tpu.memory_space<vmem>>) semaphore(%arg9 : memref<!tpu.dma_semaphore, #tpu.memory_space<semaphore_mem>>)
    %dma_wait3A_53 = arith.constant 800 : i32
    %dma_wait3A_54 = tpu.memref_slice %arg5[%dma_wait3A_53] : memref<2000xi32, #tpu.memory_space<vmem>> -> memref<400xi32, #tpu.memory_space<vmem>>
    %dma_wait3A_55 = arith.constant 0 : i32
    %dma_wait3A_56 = arith.constant 0 : i32
    %dma_wait3A_57 = tpu.memref_slice %arg2[%dma_wait3A_55, %dma_wait3A_56] : memref<10000x128xf32, #tpu.memory_space<hbm>> -> memref<10000x128xf32, #tpu.memory_space<hbm>>
    tpu.wait_indirect_dma semaphore(%arg8 : memref<!tpu.dma_semaphore, #tpu.memory_space<semaphore_mem>>) src(%dma_wait3A_57 : memref<10000x128xf32, #tpu.memory_space<hbm>>) dst(%arg6 : memref<400x128xf32, #tpu.memory_space<vmem>>)
    %add3A_58 = arith.constant 800 : i32
    %add3A_59 = arith.addi %mul3A_2, %add3A_58 : i32
    %dma_start3A_60 = arith.constant 0 : i32
    %dma_start3A_61 = tpu.memref_slice %arg4[%add3A_59, %dma_start3A_60] : memref<64000x128xf32, #tpu.memory_space<hbm>> -> memref<400x128xf32, #tpu.memory_space<hbm>>
    %dma_start3A_62 = arith.constant 0 : i32
    %dma_start3A_63 = tpu.memref_slice %arg4[%add3A_59, %dma_start3A_62] : memref<64000x128xf32, #tpu.memory_space<hbm>> -> memref<400x128xf32, #tpu.memory_space<hbm>>
    tpu.enqueue_dma source(%arg6 : memref<400x128xf32, #tpu.memory_space<vmem>>) target(%dma_start3A_63 : memref<400x128xf32, #tpu.memory_space<hbm>>) target_semaphore(%arg10 : memref<!tpu.dma_semaphore, #tpu.memory_space<semaphore_mem>>)
    %dma_wait3A_64 = arith.constant 0 : i32
    %dma_wait3A_65 = tpu.memref_slice %arg4[%add3A_59, %dma_wait3A_64] : memref<64000x128xf32, #tpu.memory_space<hbm>> -> memref<400x128xf32, #tpu.memory_space<hbm>>
    %dma_wait3A_66 = arith.constant 0 : i32
    %dma_wait3A_67 = tpu.memref_slice %arg4[%add3A_59, %dma_wait3A_66] : memref<64000x128xf32, #tpu.memory_space<hbm>> -> memref<400x128xf32, #tpu.memory_space<hbm>>
    tpu.wait_dma2 semaphore(%arg10 : memref<!tpu.dma_semaphore, #tpu.memory_space<semaphore_mem>>) src(%arg6 : memref<400x128xf32, #tpu.memory_space<vmem>>) dst(%dma_wait3A_67 : memref<400x128xf32, #tpu.memory_space<hbm>>)
    %dma_start3A_68 = arith.constant 1600 : i32
    %dma_start3A_69 = tpu.memref_slice %arg5[%dma_start3A_68] : memref<2000xi32, #tpu.memory_space<vmem>> -> memref<400xi32, #tpu.memory_space<vmem>>
    %dma_start3A_70 = arith.constant 0 : i32
    %dma_start3A_71 = arith.constant 0 : i32
    %dma_start3A_72 = tpu.memref_slice %arg2[%dma_start3A_70, %dma_start3A_71] : memref<10000x128xf32, #tpu.memory_space<hbm>> -> memref<10000x128xf32, #tpu.memory_space<hbm>>
    tpu.enqueue_indirect_dma source(%dma_start3A_72 : memref<10000x128xf32, #tpu.memory_space<hbm>>) target(%arg6 : memref<400x128xf32, #tpu.memory_space<vmem>>) offsets(%dma_start3A_69 : memref<400xi32, #tpu.memory_space<vmem>>) semaphore(%arg8 : memref<!tpu.dma_semaphore, #tpu.memory_space<semaphore_mem>>)
    %dma_wait3A_73 = arith.constant 1200 : i32
    %dma_wait3A_74 = tpu.memref_slice %arg5[%dma_wait3A_73] : memref<2000xi32, #tpu.memory_space<vmem>> -> memref<400xi32, #tpu.memory_space<vmem>>
    %dma_wait3A_75 = arith.constant 0 : i32
    %dma_wait3A_76 = arith.constant 0 : i32
    %dma_wait3A_77 = tpu.memref_slice %arg2[%dma_wait3A_75, %dma_wait3A_76] : memref<10000x128xf32, #tpu.memory_space<hbm>> -> memref<10000x128xf32, #tpu.memory_space<hbm>>
    tpu.wait_indirect_dma semaphore(%arg9 : memref<!tpu.dma_semaphore, #tpu.memory_space<semaphore_mem>>) src(%dma_wait3A_77 : memref<10000x128xf32, #tpu.memory_space<hbm>>) dst(%arg7 : memref<400x128xf32, #tpu.memory_space<vmem>>)
    %add3A_78 = arith.constant 1200 : i32
    %add3A_79 = arith.addi %mul3A_2, %add3A_78 : i32
    %dma_start3A_80 = arith.constant 0 : i32
    %dma_start3A_81 = tpu.memref_slice %arg4[%add3A_79, %dma_start3A_80] : memref<64000x128xf32, #tpu.memory_space<hbm>> -> memref<400x128xf32, #tpu.memory_space<hbm>>
    %dma_start3A_82 = arith.constant 0 : i32
    %dma_start3A_83 = tpu.memref_slice %arg4[%add3A_79, %dma_start3A_82] : memref<64000x128xf32, #tpu.memory_space<hbm>> -> memref<400x128xf32, #tpu.memory_space<hbm>>
    tpu.enqueue_dma source(%arg7 : memref<400x128xf32, #tpu.memory_space<vmem>>) target(%dma_start3A_83 : memref<400x128xf32, #tpu.memory_space<hbm>>) target_semaphore(%arg11 : memref<!tpu.dma_semaphore, #tpu.memory_space<semaphore_mem>>)
    %dma_wait3A_84 = arith.constant 1600 : i32
    %dma_wait3A_85 = tpu.memref_slice %arg5[%dma_wait3A_84] : memref<2000xi32, #tpu.memory_space<vmem>> -> memref<400xi32, #tpu.memory_space<vmem>>
    %dma_wait3A_86 = arith.constant 0 : i32
    %dma_wait3A_87 = arith.constant 0 : i32
    %dma_wait3A_88 = tpu.memref_slice %arg2[%dma_wait3A_86, %dma_wait3A_87] : memref<10000x128xf32, #tpu.memory_space<hbm>> -> memref<10000x128xf32, #tpu.memory_space<hbm>>
    tpu.wait_indirect_dma semaphore(%arg8 : memref<!tpu.dma_semaphore, #tpu.memory_space<semaphore_mem>>) src(%dma_wait3A_88 : memref<10000x128xf32, #tpu.memory_space<hbm>>) dst(%arg6 : memref<400x128xf32, #tpu.memory_space<vmem>>)
    %add3A_89 = arith.constant 1600 : i32
    %add3A_90 = arith.addi %mul3A_2, %add3A_89 : i32
    %dma_start3A_91 = arith.constant 0 : i32
    %dma_start3A_92 = tpu.memref_slice %arg4[%add3A_90, %dma_start3A_91] : memref<64000x128xf32, #tpu.memory_space<hbm>> -> memref<400x128xf32, #tpu.memory_space<hbm>>
    %dma_start3A_93 = arith.constant 0 : i32
    %dma_start3A_94 = tpu.memref_slice %arg4[%add3A_90, %dma_start3A_93] : memref<64000x128xf32, #tpu.memory_space<hbm>> -> memref<400x128xf32, #tpu.memory_space<hbm>>
    tpu.enqueue_dma source(%arg6 : memref<400x128xf32, #tpu.memory_space<vmem>>) target(%dma_start3A_94 : memref<400x128xf32, #tpu.memory_space<hbm>>) target_semaphore(%arg10 : memref<!tpu.dma_semaphore, #tpu.memory_space<semaphore_mem>>)
    %dma_wait3A_95 = arith.constant 0 : i32
    %dma_wait3A_96 = tpu.memref_slice %arg4[%add3A_79, %dma_wait3A_95] : memref<64000x128xf32, #tpu.memory_space<hbm>> -> memref<400x128xf32, #tpu.memory_space<hbm>>
    %dma_wait3A_97 = arith.constant 0 : i32
    %dma_wait3A_98 = tpu.memref_slice %arg4[%add3A_79, %dma_wait3A_97] : memref<64000x128xf32, #tpu.memory_space<hbm>> -> memref<400x128xf32, #tpu.memory_space<hbm>>
    tpu.wait_dma2 semaphore(%arg11 : memref<!tpu.dma_semaphore, #tpu.memory_space<semaphore_mem>>) src(%arg7 : memref<400x128xf32, #tpu.memory_space<vmem>>) dst(%dma_wait3A_98 : memref<400x128xf32, #tpu.memory_space<hbm>>)
    %dma_wait3A_99 = arith.constant 0 : i32
    %dma_wait3A_100 = tpu.memref_slice %arg4[%add3A_90, %dma_wait3A_99] : memref<64000x128xf32, #tpu.memory_space<hbm>> -> memref<400x128xf32, #tpu.memory_space<hbm>>
    %dma_wait3A_101 = arith.constant 0 : i32
    %dma_wait3A_102 = tpu.memref_slice %arg4[%add3A_90, %dma_wait3A_101] : memref<64000x128xf32, #tpu.memory_space<hbm>> -> memref<400x128xf32, #tpu.memory_space<hbm>>
    tpu.wait_dma2 semaphore(%arg10 : memref<!tpu.dma_semaphore, #tpu.memory_space<semaphore_mem>>) src(%arg6 : memref<400x128xf32, #tpu.memory_space<vmem>>) dst(%dma_wait3A_102 : memref<400x128xf32, #tpu.memory_space<hbm>>)
    return
  }
}

module attributes {stable_mosaic.version = 14 : i64} {
  func.func @_h_body(%arg0: i32, %arg1: memref<1000x128xf32, #tpu.memory_space<vmem>>, %arg2: memref<1000x128xf32, #tpu.memory_space<vmem>>, %arg3: memref<1000x128xf32, #tpu.memory_space<vmem>>, %arg4: memref<1000x128xf32, #tpu.memory_space<vmem>>) attributes {dimension_semantics = [#tpu.dimension_semantics<arbitrary>], iteration_bounds = array<i64: 10>, scalar_prefetch = 0 : i64, scratch_operands = 0 : i64, tpu.core_type = #tpu.core_type<tc>, window_params = [{transform_indices = @transform_0, window_bounds = array<i64: 1000, 128>}, {transform_indices = @transform_1, window_bounds = array<i64: 1000, 128>}, {transform_indices = @transform_2, window_bounds = array<i64: 1000, 128>}, {transform_indices = @transform_3, window_bounds = array<i64: 1000, 128>}]} {
    %get3A = arith.constant 0 : index
    %get3A_0 = arith.constant 0 : index
    %get3A_1 = vector.load %arg1[%get3A, %get3A_0] : memref<1000x128xf32, #tpu.memory_space<vmem>>, vector<1000x128xf32>
    %get3A_2 = arith.constant 0 : index
    %get3A_3 = arith.constant 0 : index
    %get3A_4 = vector.load %arg2[%get3A_2, %get3A_3] : memref<1000x128xf32, #tpu.memory_space<vmem>>, vector<1000x128xf32>
    %add3A = arith.addf %get3A_1, %get3A_4 : vector<1000x128xf32>
    %get3A_5 = arith.constant 0 : index
    %get3A_6 = arith.constant 0 : index
    %get3A_7 = vector.load %arg3[%get3A_5, %get3A_6] : memref<1000x128xf32, #tpu.memory_space<vmem>>, vector<1000x128xf32>
    %add3A_8 = arith.addf %add3A, %get3A_7 : vector<1000x128xf32>
    %swap3A = arith.constant 0 : index
    %swap3A_9 = arith.constant 0 : index
    %swap3A_10 = vector.load %arg4[%swap3A, %swap3A_9] : memref<1000x128xf32, #tpu.memory_space<vmem>>, vector<1000x128xf32>
    tpu.vector_store %arg4[%swap3A, %swap3A_9], %add3A_8 {strides = array<i32>} : memref<1000x128xf32, #tpu.memory_space<vmem>>, vector<1000x128xf32>,
    return
  }
  func.func @transform_0(%arg0: i32) -> (i32, i32) {
    %c0_i32 = arith.constant 0 : i32
    %c0_i32_0 = arith.constant 0 : i32
    return %arg0, %c0_i32 : i32, i32
  }
  func.func @transform_1(%arg0: i32) -> (i32, i32) {
    %c0_i32 = arith.constant 0 : i32
    %c0_i32_0 = arith.constant 0 : i32
    return %arg0, %c0_i32 : i32, i32
  }
  func.func @transform_2(%arg0: i32) -> (i32, i32) {
    %c0_i32 = arith.constant 0 : i32
    %c0_i32_0 = arith.constant 0 : i32
    return %arg0, %c0_i32 : i32, i32
  }
  func.func @transform_3(%arg0: i32) -> (i32, i32) {
    %c0_i32 = arith.constant 0 : i32
    %c0_i32_0 = arith.constant 0 : i32
    return %arg0, %c0_i32 : i32, i32
  }
}

module attributes {stable_mosaic.version = 14 : i64} {
  func.func @_fused_body(%arg0: i32, %arg1: memref<200x32x128xf32, #tpu.memory_space<vmem>>, %arg2: memref<6400x32xbf16, #tpu.memory_space<vmem>>, %arg3: memref<200x32xf32, #tpu.memory_space<vmem>>, %arg4: memref<200x32xf32, #tpu.memory_space<vmem>>, %arg5: memref<200x128xf32, #tpu.memory_space<vmem>>, %arg6: memref<200x128xf32, #tpu.memory_space<vmem>>, %arg7: memref<32x128xbf16, #tpu.memory_space<vmem>>, %arg8: memref<1x128xf32, #tpu.memory_space<vmem>>, %arg9: memref<128x128xbf16, #tpu.memory_space<vmem>>, %arg10: memref<128x128xbf16, #tpu.memory_space<vmem>>, %arg11: memref<128x128xbf16, #tpu.memory_space<vmem>>, %arg12: memref<128x128xbf16, #tpu.memory_space<vmem>>, %arg13: memref<200x128xf32, #tpu.memory_space<vmem>>) attributes {dimension_semantics = [#tpu.dimension_semantics<arbitrary>], iteration_bounds = array<i64: 10>, scalar_prefetch = 0 : i64, scratch_operands = 0 : i64, tpu.core_type = #tpu.core_type<tc>, window_params = [{transform_indices = @transform_0, window_bounds = array<i64: 200, 32, 128>}, {transform_indices = @transform_1, window_bounds = array<i64: 6400, 32>}, {transform_indices = @transform_2, window_bounds = array<i64: 200, 32>}, {transform_indices = @transform_3, window_bounds = array<i64: 200, 32>}, {transform_indices = @transform_4, window_bounds = array<i64: 200, 128>}, {transform_indices = @transform_5, window_bounds = array<i64: 200, 128>}, {pipeline_mode = #tpu.pipeline_mode<synchronous>, transform_indices = @transform_6, window_bounds = array<i64: 32, 128>}, {pipeline_mode = #tpu.pipeline_mode<synchronous>, transform_indices = @transform_7, window_bounds = array<i64: 1, 128>}, {pipeline_mode = #tpu.pipeline_mode<synchronous>, transform_indices = @transform_8, window_bounds = array<i64: 128, 128>}, {pipeline_mode = #tpu.pipeline_mode<synchronous>, transform_indices = @transform_9, window_bounds = array<i64: 128, 128>}, {pipeline_mode = #tpu.pipeline_mode<synchronous>, transform_indices = @transform_10, window_bounds = array<i64: 128, 128>}, {pipeline_mode = #tpu.pipeline_mode<synchronous>, transform_indices = @transform_11, window_bounds = array<i64: 128, 128>}, {transform_indices = @transform_12, window_bounds = array<i64: 200, 128>}]} {
    %get3A = arith.constant 0 : index
    %get3A_0 = arith.constant 0 : index
    %get3A_1 = vector.load %arg2[%get3A, %get3A_0] : memref<6400x32xbf16, #tpu.memory_space<vmem>>, vector<6400x32xbf16>
    %get3A_2 = arith.constant 0 : index
    %get3A_3 = arith.constant 0 : index
    %get3A_4 = vector.load %arg7[%get3A_2, %get3A_3] : memref<32x128xbf16, #tpu.memory_space<vmem>>, vector<32x128xbf16>
    %dot_general3A = arith.constant dense<0.000000e+00> : vector<6400x128xf32>
    %dot_general3A_5 = tpu.matmul %get3A_1, %get3A_4, %dot_general3A {dimension_numbers = #tpu.dot_dimension_numbers<[1], [0], [0], [1], [0, 0, 1, 1], [], []>, transpose_lhs_hint = false} : vector<6400x32xbf16>, vector<32x128xbf16>, vector<6400x128xf32> -> vector<6400x128xf32>
    %get3A_6 = arith.constant 0 : index
    %get3A_7 = arith.constant 0 : index
    %get3A_8 = vector.load %arg8[%get3A_6, %get3A_7] : memref<1x128xf32, #tpu.memory_space<vmem>>, vector<1x128xf32>
    %add3A = vector.broadcast %get3A_8 : vector<1x128xf32> to vector<6400x128xf32>
    %add3A_9 = arith.addf %dot_general3A_5, %add3A : vector<6400x128xf32>
    %reshape3A = vector.shape_cast %add3A_9 : vector<6400x128xf32> to vector<200x32x128xf32>
    %get3A_10 = arith.constant 0 : index
    %get3A_11 = arith.constant 0 : index
    %get3A_12 = vector.load %arg3[%get3A_10, %get3A_11] : memref<200x32xf32, #tpu.memory_space<vmem>>, vector<200x32xf32>
    %mul3A = arith.constant 0.628318548 : f32
    %mul3A_13 = vector.broadcast %mul3A : f32 to vector<200x32xf32>
    %mul3A_14 = arith.mulf %get3A_12, %mul3A_13 : vector<200x32xf32>
    %cos3A = math.cos %mul3A_14 : vector<200x32xf32>
    %add3A_15 = arith.constant 1.000000e+00 : f32
    %add3A_16 = vector.broadcast %add3A_15 : f32 to vector<200x32xf32>
    %add3A_17 = arith.addf %cos3A, %add3A_16 : vector<200x32xf32>
    %mul3A_18 = arith.constant 5.000000e-01 : f32
    %mul3A_19 = vector.broadcast %mul3A_18 : f32 to vector<200x32xf32>
    %mul3A_20 = arith.mulf %mul3A_19, %add3A_17 : vector<200x32xf32>
    %lt3A = arith.constant 5.000000e+00 : f32
    %lt3A_21 = vector.broadcast %lt3A : f32 to vector<200x32xf32>
    %lt3A_22 = arith.cmpf olt, %get3A_12, %lt3A_21 : vector<200x32xf32>
    %jit3A = arith.constant 0.000000e+00 : f32
    %broadcast_in_dim3A = vector.broadcast %jit3A : f32 to vector<200x32xf32>
    %select_n3A = arith.select %lt3A_22, %mul3A_20, %broadcast_in_dim3A : vector<200x32xi1>, vector<200x32xf32>
    %get3A_23 = arith.constant 0 : index
    %get3A_24 = arith.constant 0 : index
    %get3A_25 = vector.load %arg4[%get3A_23, %get3A_24] : memref<200x32xf32, #tpu.memory_space<vmem>>, vector<200x32xf32>
    %mul3A_26 = arith.mulf %select_n3A, %get3A_25 : vector<200x32xf32>
    %broadcast_in_dim3A_27 = vector.shape_cast %mul3A_26 : vector<200x32xf32> to vector<200x32x1xf32>
    %get3A_28 = arith.constant 0 : index
    %get3A_29 = arith.constant 0 : index
    %get3A_30 = arith.constant 0 : index
    %get3A_31 = vector.load %arg1[%get3A_28, %get3A_29, %get3A_30] : memref<200x32x128xf32, #tpu.memory_space<vmem>>, vector<200x32x128xf32>
    %mul3A_32 = vector.broadcast %broadcast_in_dim3A_27 : vector<200x32x1xf32> to vector<200x32x128xf32>
    %mul3A_33 = arith.mulf %reshape3A, %mul3A_32 : vector<200x32x128xf32>
    %mul3A_34 = arith.mulf %get3A_31, %mul3A_33 : vector<200x32x128xf32>
    %reshape3A_35 = vector.shape_cast %mul3A_34 : vector<200x32x128xf32> to vector<6400x128xf32>
    %convert_element_type3A = arith.truncf %reshape3A_35 : vector<6400x128xf32> to vector<6400x128xbf16>
    %get3A_36 = arith.constant 0 : index
    %get3A_37 = arith.constant 0 : index
    %get3A_38 = vector.load %arg10[%get3A_36, %get3A_37] : memref<128x128xbf16, #tpu.memory_space<vmem>>, vector<128x128xbf16>
    %dot_general3A_39 = arith.constant dense<0.000000e+00> : vector<6400x128xf32>
    %dot_general3A_40 = tpu.matmul %convert_element_type3A, %get3A_38, %dot_general3A_39 {dimension_numbers = #tpu.dot_dimension_numbers<[1], [0], [0], [1], [0, 0, 1, 1], [], []>, transpose_lhs_hint = false} : vector<6400x128xbf16>, vector<128x128xbf16>, vector<6400x128xf32> -> vector<6400x128xf32>
    %get3A_41 = arith.constant 0 : index
    %get3A_42 = arith.constant 0 : index
    %get3A_43 = vector.load %arg11[%get3A_41, %get3A_42] : memref<128x128xbf16, #tpu.memory_space<vmem>>, vector<128x128xbf16>
    %dot_general3A_44 = arith.constant dense<0.000000e+00> : vector<6400x128xf32>
    %dot_general3A_45 = tpu.matmul %convert_element_type3A, %get3A_43, %dot_general3A_44 {dimension_numbers = #tpu.dot_dimension_numbers<[1], [0], [0], [1], [0, 0, 1, 1], [], []>, transpose_lhs_hint = false} : vector<6400x128xbf16>, vector<128x128xbf16>, vector<6400x128xf32> -> vector<6400x128xf32>
    %get3A_46 = arith.constant 0 : index
    %get3A_47 = arith.constant 0 : index
    %get3A_48 = vector.load %arg6[%get3A_46, %get3A_47] : memref<200x128xf32, #tpu.memory_space<vmem>>, vector<200x128xf32>
    %convert_element_type3A_49 = arith.truncf %get3A_48 : vector<200x128xf32> to vector<200x128xbf16>
    %get3A_50 = arith.constant 0 : index
    %get3A_51 = arith.constant 0 : index
    %get3A_52 = vector.load %arg9[%get3A_50, %get3A_51] : memref<128x128xbf16, #tpu.memory_space<vmem>>, vector<128x128xbf16>
    %dot_general3A_53 = arith.constant dense<0.000000e+00> : vector<200x128xf32>
    %dot_general3A_54 = tpu.matmul %convert_element_type3A_49, %get3A_52, %dot_general3A_53 {dimension_numbers = #tpu.dot_dimension_numbers<[1], [0], [0], [1], [0, 0, 1, 1], [], []>, transpose_lhs_hint = false} : vector<200x128xbf16>, vector<128x128xbf16>, vector<200x128xf32> -> vector<200x128xf32>
    %broadcast_in_dim3A_55 = vector.shape_cast %dot_general3A_54 : vector<200x128xf32> to vector<200x1x128xf32>
    %broadcast_in_dim3A_56 = vector.broadcast %broadcast_in_dim3A_55 : vector<200x1x128xf32> to vector<200x32x128xf32>
    %reshape3A_57 = vector.shape_cast %dot_general3A_40 : vector<6400x128xf32> to vector<200x32x128xf32>
    %mul3A_58 = arith.mulf %broadcast_in_dim3A_56, %reshape3A_57 : vector<200x32x128xf32>
    %reshape3A_59 = vector.shape_cast %mul3A_58 : vector<200x32x128xf32> to vector<6400x128xf32>
    %iota3A = tpu.iota {dimensions = array<i32: 0>} : vector<128x8xi32>
    %jit3A_60 = arith.constant 16 : i32
    %div3A = vector.broadcast %jit3A_60 : i32 to vector<128x8xi32>
    %div3A_61 = arith.divsi %iota3A, %div3A : vector<128x8xi32>
    %sign3A = arith.constant 0 : i32
    %sign3A_62 = vector.broadcast %sign3A : i32 to vector<128x8xi32>
    %sign3A_63 = arith.cmpi sgt, %iota3A, %sign3A_62 : vector<128x8xi32>
    %sign3A_64 = arith.extui %sign3A_63 : vector<128x8xi1> to vector<128x8xi32>
    %sign3A_65 = arith.constant 0 : i32
    %sign3A_66 = vector.broadcast %sign3A_65 : i32 to vector<128x8xi32>
    %sign3A_67 = arith.cmpi slt, %iota3A, %sign3A_66 : vector<128x8xi32>
    %sign3A_68 = arith.extui %sign3A_67 : vector<128x8xi1> to vector<128x8xi32>
    %sign3A_69 = arith.subi %sign3A_64, %sign3A_68 : vector<128x8xi32>
    %sign3A_70 = arith.constant 0 : i32
    %sign3A_71 = arith.cmpi sgt, %jit3A_60, %sign3A_70 : i32
    %sign3A_72 = arith.extui %sign3A_71 : i1 to i32
    %sign3A_73 = arith.constant 0 : i32
    %sign3A_74 = arith.cmpi slt, %jit3A_60, %sign3A_73 : i32
    %sign3A_75 = arith.extui %sign3A_74 : i1 to i32
    %sign3A_76 = arith.subi %sign3A_72, %sign3A_75 : i32
    %ne3A = vector.broadcast %sign3A_76 : i32 to vector<128x8xi32>
    %ne3A_77 = arith.cmpi ne, %sign3A_69, %ne3A : vector<128x8xi32>
    %rem3A = vector.broadcast %jit3A_60 : i32 to vector<128x8xi32>
    %rem3A_78 = arith.remsi %iota3A, %rem3A : vector<128x8xi32>
    %ne3A_79 = arith.constant 0 : i32
    %ne3A_80 = vector.broadcast %ne3A_79 : i32 to vector<128x8xi32>
    %ne3A_81 = arith.cmpi ne, %rem3A_78, %ne3A_80 : vector<128x8xi32>
    %and3A = arith.andi %ne3A_77, %ne3A_81 : vector<128x8xi1>
    %sub3A = arith.constant 1 : i32
    %sub3A_82 = vector.broadcast %sub3A : i32 to vector<128x8xi32>
    %sub3A_83 = arith.subi %div3A_61, %sub3A_82 : vector<128x8xi32>
    %select_n3A_84 = arith.select %and3A, %sub3A_83, %div3A_61 : vector<128x8xi1>, vector<128x8xi32>
    %iota3A_85 = tpu.iota {dimensions = array<i32: 1>} : vector<128x8xi32>
    %eq3A = arith.cmpi eq, %select_n3A_84, %iota3A_85 : vector<128x8xi32>
    %convert_element_type3A_86 = arith.extui %eq3A : vector<128x8xi1> to vector<128x8xi32>
    %convert_element_type3A_87 = arith.sitofp %convert_element_type3A_86 : vector<128x8xi32> to vector<128x8xf32>
    %convert_element_type3A_88 = arith.truncf %convert_element_type3A_87 : vector<128x8xf32> to vector<128x8xbf16>
    %mul3A_89 = arith.constant 2.500000e-01 : bf16
    %mul3A_90 = vector.broadcast %mul3A_89 : bf16 to vector<128x8xbf16>
    %mul3A_91 = arith.mulf %convert_element_type3A_88, %mul3A_90 : vector<128x8xbf16>
    %iota3A_92 = tpu.iota {dimensions = array<i32: 1>} : vector<8x128xi32>
    %jit3A_93 = arith.constant 16 : i32
    %div3A_94 = vector.broadcast %jit3A_93 : i32 to vector<8x128xi32>
    %div3A_95 = arith.divsi %iota3A_92, %div3A_94 : vector<8x128xi32>
    %sign3A_96 = arith.constant 0 : i32
    %sign3A_97 = vector.broadcast %sign3A_96 : i32 to vector<8x128xi32>
    %sign3A_98 = arith.cmpi sgt, %iota3A_92, %sign3A_97 : vector<8x128xi32>
    %sign3A_99 = arith.extui %sign3A_98 : vector<8x128xi1> to vector<8x128xi32>
    %sign3A_100 = arith.constant 0 : i32
    %sign3A_101 = vector.broadcast %sign3A_100 : i32 to vector<8x128xi32>
    %sign3A_102 = arith.cmpi slt, %iota3A_92, %sign3A_101 : vector<8x128xi32>
    %sign3A_103 = arith.extui %sign3A_102 : vector<8x128xi1> to vector<8x128xi32>
    %sign3A_104 = arith.subi %sign3A_99, %sign3A_103 : vector<8x128xi32>
    %sign3A_105 = arith.constant 0 : i32
    %sign3A_106 = arith.cmpi sgt, %jit3A_93, %sign3A_105 : i32
    %sign3A_107 = arith.extui %sign3A_106 : i1 to i32
    %sign3A_108 = arith.constant 0 : i32
    %sign3A_109 = arith.cmpi slt, %jit3A_93, %sign3A_108 : i32
    %sign3A_110 = arith.extui %sign3A_109 : i1 to i32
    %sign3A_111 = arith.subi %sign3A_107, %sign3A_110 : i32
    %ne3A_112 = vector.broadcast %sign3A_111 : i32 to vector<8x128xi32>
    %ne3A_113 = arith.cmpi ne, %sign3A_104, %ne3A_112 : vector<8x128xi32>
    %rem3A_114 = vector.broadcast %jit3A_93 : i32 to vector<8x128xi32>
    %rem3A_115 = arith.remsi %iota3A_92, %rem3A_114 : vector<8x128xi32>
    %ne3A_116 = arith.constant 0 : i32
    %ne3A_117 = vector.broadcast %ne3A_116 : i32 to vector<8x128xi32>
    %ne3A_118 = arith.cmpi ne, %rem3A_115, %ne3A_117 : vector<8x128xi32>
    %and3A_119 = arith.andi %ne3A_113, %ne3A_118 : vector<8x128xi1>
    %sub3A_120 = arith.constant 1 : i32
    %sub3A_121 = vector.broadcast %sub3A_120 : i32 to vector<8x128xi32>
    %sub3A_122 = arith.subi %div3A_95, %sub3A_121 : vector<8x128xi32>
    %select_n3A_123 = arith.select %and3A_119, %sub3A_122, %div3A_95 : vector<8x128xi1>, vector<8x128xi32>
    %iota3A_124 = tpu.iota {dimensions = array<i32: 0>} : vector<8x128xi32>
    %eq3A_125 = arith.cmpi eq, %select_n3A_123, %iota3A_124 : vector<8x128xi32>
    %convert_element_type3A_126 = arith.extui %eq3A_125 : vector<8x128xi1> to vector<8x128xi32>
    %convert_element_type3A_127 = arith.sitofp %convert_element_type3A_126 : vector<8x128xi32> to vector<8x128xf32>
    %convert_element_type3A_128 = arith.truncf %convert_element_type3A_127 : vector<8x128xf32> to vector<8x128xbf16>
    %convert_element_type3A_129 = arith.truncf %reshape3A_59 : vector<6400x128xf32> to vector<6400x128xbf16>
    %dot_general3A_130 = arith.constant dense<0.000000e+00> : vector<6400x8xf32>
    %dot_general3A_131 = tpu.matmul %convert_element_type3A_129, %mul3A_91, %dot_general3A_130 {dimension_numbers = #tpu.dot_dimension_numbers<[1], [0], [0], [1], [0, 0, 1, 1], [], []>, transpose_lhs_hint = false} : vector<6400x128xbf16>, vector<128x8xbf16>, vector<6400x8xf32> -> vector<6400x8xf32>
    %reshape3A_132 = vector.shape_cast %dot_general3A_131 : vector<6400x8xf32> to vector<200x32x8xf32>
    %exp3A = math.exp %reshape3A_132 : vector<200x32x8xf32>
    %reduce_sum3A = arith.constant dense<0.000000e+00> : vector<200x8xf32>
    %reduce_sum3A_133 = vector.multi_reduction <add>, %exp3A, %reduce_sum3A [1] : vector<200x32x8xf32> to vector<200x8xf32>
    %reshape3A_134 = vector.shape_cast %exp3A : vector<200x32x8xf32> to vector<6400x8xf32>
    %convert_element_type3A_135 = arith.truncf %reshape3A_134 : vector<6400x8xf32> to vector<6400x8xbf16>
    %dot_general3A_136 = arith.constant dense<0.000000e+00> : vector<6400x128xf32>
    %dot_general3A_137 = tpu.matmul %convert_element_type3A_135, %convert_element_type3A_128, %dot_general3A_136 {dimension_numbers = #tpu.dot_dimension_numbers<[1], [0], [0], [1], [0, 0, 1, 1], [], []>, transpose_lhs_hint = false} : vector<6400x8xbf16>, vector<8x128xbf16>, vector<6400x128xf32> -> vector<6400x128xf32>
    %mul3A_138 = arith.mulf %dot_general3A_137, %dot_general3A_45 : vector<6400x128xf32>
    %reshape3A_139 = vector.shape_cast %mul3A_138 : vector<6400x128xf32> to vector<200x32x128xf32>
    %reduce_sum3A_140 = arith.constant dense<0.000000e+00> : vector<200x128xf32>
    %reduce_sum3A_141 = vector.multi_reduction <add>, %reshape3A_139, %reduce_sum3A_140 [1] : vector<200x32x128xf32> to vector<200x128xf32>
    %convert_element_type3A_142 = arith.truncf %reduce_sum3A_133 : vector<200x8xf32> to vector<200x8xbf16>
    %dot_general3A_143 = arith.constant dense<0.000000e+00> : vector<200x128xf32>
    %dot_general3A_144 = tpu.matmul %convert_element_type3A_142, %convert_element_type3A_128, %dot_general3A_143 {dimension_numbers = #tpu.dot_dimension_numbers<[1], [0], [0], [1], [0, 0, 1, 1], [], []>, transpose_lhs_hint = false} : vector<200x8xbf16>, vector<8x128xbf16>, vector<200x128xf32> -> vector<200x128xf32>
    %div3A_145 = arith.divf %reduce_sum3A_141, %dot_general3A_144 : vector<200x128xf32>
    %get3A_146 = arith.constant 0 : index
    %get3A_147 = arith.constant 0 : index
    %get3A_148 = vector.load %arg5[%get3A_146, %get3A_147] : memref<200x128xf32, #tpu.memory_space<vmem>>, vector<200x128xf32>
    %convert_element_type3A_149 = arith.truncf %div3A_145 : vector<200x128xf32> to vector<200x128xbf16>
    %get3A_150 = arith.constant 0 : index
    %get3A_151 = arith.constant 0 : index
    %get3A_152 = vector.load %arg12[%get3A_150, %get3A_151] : memref<128x128xbf16, #tpu.memory_space<vmem>>, vector<128x128xbf16>
    %dot_general3A_153 = arith.constant dense<0.000000e+00> : vector<200x128xf32>
    %dot_general3A_154 = tpu.matmul %convert_element_type3A_149, %get3A_152, %dot_general3A_153 {dimension_numbers = #tpu.dot_dimension_numbers<[1], [0], [0], [1], [0, 0, 1, 1], [], []>, transpose_lhs_hint = false} : vector<200x128xbf16>, vector<128x128xbf16>, vector<200x128xf32> -> vector<200x128xf32>
    %add3A_155 = arith.addf %get3A_148, %dot_general3A_154 : vector<200x128xf32>
    %swap3A = arith.constant 0 : index
    %swap3A_156 = arith.constant 0 : index
    %swap3A_157 = vector.load %arg13[%swap3A, %swap3A_156] : memref<200x128xf32, #tpu.memory_space<vmem>>, vector<200x128xf32>
    tpu.vector_store %arg13[%swap3A, %swap3A_156], %add3A_155 {strides = array<i32>} : memref<200x128xf32, #tpu.memory_space<vmem>>, vector<200x128xf32>,
    return
  }
  func.func @transform_0(%arg0: i32) -> (i32, i32, i32) {
    %c0_i32 = arith.constant 0 : i32
    %c0_i32_0 = arith.constant 0 : i32
    %c0_i32_1 = arith.constant 0 : i32
    return %arg0, %c0_i32, %c0_i32_0 : i32, i32, i32
  }
  func.func @transform_1(%arg0: i32) -> (i32, i32) {
    %add3A = arith.constant 0 : i32
    %add3A_0 = arith.addi %arg0, %add3A : i32
    %c0_i32 = arith.constant 0 : i32
    %c0_i32_1 = arith.constant 0 : i32
    return %add3A_0, %c0_i32 : i32, i32
  }
  func.func @transform_2(%arg0: i32) -> (i32, i32) {
    %add3A = arith.constant 0 : i32
    %add3A_0 = arith.addi %arg0, %add3A : i32
    %c0_i32 = arith.constant 0 : i32
    %c0_i32_1 = arith.constant 0 : i32
    return %add3A_0, %c0_i32 : i32, i32
  }
  func.func @transform_3(%arg0: i32) -> (i32, i32) {
    %add3A = arith.constant 0 : i32
    %add3A_0 = arith.addi %arg0, %add3A : i32
    %c0_i32 = arith.constant 0 : i32
    %c0_i32_1 = arith.constant 0 : i32
    return %add3A_0, %c0_i32 : i32, i32
  }
  func.func @transform_4(%arg0: i32) -> (i32, i32) {
    %add3A = arith.constant 0 : i32
    %add3A_0 = arith.addi %arg0, %add3A : i32
    %c0_i32 = arith.constant 0 : i32
    %c0_i32_1 = arith.constant 0 : i32
    return %add3A_0, %c0_i32 : i32, i32
  }
  func.func @transform_5(%arg0: i32) -> (i32, i32) {
    %add3A = arith.constant 0 : i32
    %add3A_0 = arith.addi %arg0, %add3A : i32
    %c0_i32 = arith.constant 0 : i32
    %c0_i32_1 = arith.constant 0 : i32
    return %add3A_0, %c0_i32 : i32, i32
  }
  func.func @transform_6(%arg0: i32) -> (i32, i32) {
    %c0_i32 = arith.constant 0 : i32
    %c0_i32_0 = arith.constant 0 : i32
    %c0_i32_1 = arith.constant 0 : i32
    return %c0_i32, %c0_i32_0 : i32, i32
  }
  func.func @transform_7(%arg0: i32) -> (i32, i32) {
    %c0_i32 = arith.constant 0 : i32
    %c0_i32_0 = arith.constant 0 : i32
    %c0_i32_1 = arith.constant 0 : i32
    return %c0_i32, %c0_i32_0 : i32, i32
  }
  func.func @transform_8(%arg0: i32) -> (i32, i32) {
    %c0_i32 = arith.constant 0 : i32
    %c0_i32_0 = arith.constant 0 : i32
    %c0_i32_1 = arith.constant 0 : i32
    return %c0_i32, %c0_i32_0 : i32, i32
  }
  func.func @transform_9(%arg0: i32) -> (i32, i32) {
    %c0_i32 = arith.constant 0 : i32
    %c0_i32_0 = arith.constant 0 : i32
    %c0_i32_1 = arith.constant 0 : i32
    return %c0_i32, %c0_i32_0 : i32, i32
  }
  func.func @transform_10(%arg0: i32) -> (i32, i32) {
    %c0_i32 = arith.constant 0 : i32
    %c0_i32_0 = arith.constant 0 : i32
    %c0_i32_1 = arith.constant 0 : i32
    return %c0_i32, %c0_i32_0 : i32, i32
  }
  func.func @transform_11(%arg0: i32) -> (i32, i32) {
    %c0_i32 = arith.constant 0 : i32
    %c0_i32_0 = arith.constant 0 : i32
    %c0_i32_1 = arith.constant 0 : i32
    return %c0_i32, %c0_i32_0 : i32, i32
  }
  func.func @transform_12(%arg0: i32) -> (i32, i32) {
    %c0_i32 = arith.constant 0 : i32
    %c0_i32_0 = arith.constant 0 : i32
    return %arg0, %c0_i32 : i32, i32
  }
}

module attributes {stable_mosaic.version = 14 : i64} {
  func.func @_fused_body(%arg0: i32, %arg1: memref<200x32x128xf32, #tpu.memory_space<vmem>>, %arg2: memref<6400x32xbf16, #tpu.memory_space<vmem>>, %arg3: memref<200x32xf32, #tpu.memory_space<vmem>>, %arg4: memref<200x32xf32, #tpu.memory_space<vmem>>, %arg5: memref<200x128xf32, #tpu.memory_space<vmem>>, %arg6: memref<200x128xf32, #tpu.memory_space<vmem>>, %arg7: memref<32x128xbf16, #tpu.memory_space<vmem>>, %arg8: memref<1x128xf32, #tpu.memory_space<vmem>>, %arg9: memref<128x128xbf16, #tpu.memory_space<vmem>>, %arg10: memref<128x128xbf16, #tpu.memory_space<vmem>>, %arg11: memref<128x128xbf16, #tpu.memory_space<vmem>>, %arg12: memref<128x128xbf16, #tpu.memory_space<vmem>>, %arg13: memref<200x128xf32, #tpu.memory_space<vmem>>) attributes {dimension_semantics = [#tpu.dimension_semantics<arbitrary>], iteration_bounds = array<i64: 10>, scalar_prefetch = 0 : i64, scratch_operands = 0 : i64, tpu.core_type = #tpu.core_type<tc>, window_params = [{transform_indices = @transform_0, window_bounds = array<i64: 200, 32, 128>}, {transform_indices = @transform_1, window_bounds = array<i64: 6400, 32>}, {transform_indices = @transform_2, window_bounds = array<i64: 200, 32>}, {transform_indices = @transform_3, window_bounds = array<i64: 200, 32>}, {transform_indices = @transform_4, window_bounds = array<i64: 200, 128>}, {transform_indices = @transform_5, window_bounds = array<i64: 200, 128>}, {pipeline_mode = #tpu.pipeline_mode<synchronous>, transform_indices = @transform_6, window_bounds = array<i64: 32, 128>}, {pipeline_mode = #tpu.pipeline_mode<synchronous>, transform_indices = @transform_7, window_bounds = array<i64: 1, 128>}, {pipeline_mode = #tpu.pipeline_mode<synchronous>, transform_indices = @transform_8, window_bounds = array<i64: 128, 128>}, {pipeline_mode = #tpu.pipeline_mode<synchronous>, transform_indices = @transform_9, window_bounds = array<i64: 128, 128>}, {pipeline_mode = #tpu.pipeline_mode<synchronous>, transform_indices = @transform_10, window_bounds = array<i64: 128, 128>}, {pipeline_mode = #tpu.pipeline_mode<synchronous>, transform_indices = @transform_11, window_bounds = array<i64: 128, 128>}, {transform_indices = @transform_12, window_bounds = array<i64: 200, 128>}]} {
    %get3A = arith.constant 0 : index
    %get3A_0 = arith.constant 0 : index
    %get3A_1 = vector.load %arg2[%get3A, %get3A_0] : memref<6400x32xbf16, #tpu.memory_space<vmem>>, vector<6400x32xbf16>
    %get3A_2 = arith.constant 0 : index
    %get3A_3 = arith.constant 0 : index
    %get3A_4 = vector.load %arg7[%get3A_2, %get3A_3] : memref<32x128xbf16, #tpu.memory_space<vmem>>, vector<32x128xbf16>
    %dot_general3A = arith.constant dense<0.000000e+00> : vector<6400x128xf32>
    %dot_general3A_5 = tpu.matmul %get3A_1, %get3A_4, %dot_general3A {dimension_numbers = #tpu.dot_dimension_numbers<[1], [0], [0], [1], [0, 0, 1, 1], [], []>, transpose_lhs_hint = false} : vector<6400x32xbf16>, vector<32x128xbf16>, vector<6400x128xf32> -> vector<6400x128xf32>
    %get3A_6 = arith.constant 0 : index
    %get3A_7 = arith.constant 0 : index
    %get3A_8 = vector.load %arg8[%get3A_6, %get3A_7] : memref<1x128xf32, #tpu.memory_space<vmem>>, vector<1x128xf32>
    %add3A = vector.broadcast %get3A_8 : vector<1x128xf32> to vector<6400x128xf32>
    %add3A_9 = arith.addf %dot_general3A_5, %add3A : vector<6400x128xf32>
    %reshape3A = vector.shape_cast %add3A_9 : vector<6400x128xf32> to vector<200x32x128xf32>
    %get3A_10 = arith.constant 0 : index
    %get3A_11 = arith.constant 0 : index
    %get3A_12 = vector.load %arg3[%get3A_10, %get3A_11] : memref<200x32xf32, #tpu.memory_space<vmem>>, vector<200x32xf32>
    %mul3A = arith.constant 0.628318548 : f32
    %mul3A_13 = vector.broadcast %mul3A : f32 to vector<200x32xf32>
    %mul3A_14 = arith.mulf %get3A_12, %mul3A_13 : vector<200x32xf32>
    %cos3A = math.cos %mul3A_14 : vector<200x32xf32>
    %add3A_15 = arith.constant 1.000000e+00 : f32
    %add3A_16 = vector.broadcast %add3A_15 : f32 to vector<200x32xf32>
    %add3A_17 = arith.addf %cos3A, %add3A_16 : vector<200x32xf32>
    %mul3A_18 = arith.constant 5.000000e-01 : f32
    %mul3A_19 = vector.broadcast %mul3A_18 : f32 to vector<200x32xf32>
    %mul3A_20 = arith.mulf %mul3A_19, %add3A_17 : vector<200x32xf32>
    %lt3A = arith.constant 5.000000e+00 : f32
    %lt3A_21 = vector.broadcast %lt3A : f32 to vector<200x32xf32>
    %lt3A_22 = arith.cmpf olt, %get3A_12, %lt3A_21 : vector<200x32xf32>
    %jit3A = arith.constant 0.000000e+00 : f32
    %broadcast_in_dim3A = vector.broadcast %jit3A : f32 to vector<200x32xf32>
    %select_n3A = arith.select %lt3A_22, %mul3A_20, %broadcast_in_dim3A : vector<200x32xi1>, vector<200x32xf32>
    %get3A_23 = arith.constant 0 : index
    %get3A_24 = arith.constant 0 : index
    %get3A_25 = vector.load %arg4[%get3A_23, %get3A_24] : memref<200x32xf32, #tpu.memory_space<vmem>>, vector<200x32xf32>
    %mul3A_26 = arith.mulf %select_n3A, %get3A_25 : vector<200x32xf32>
    %broadcast_in_dim3A_27 = vector.shape_cast %mul3A_26 : vector<200x32xf32> to vector<200x32x1xf32>
    %get3A_28 = arith.constant 0 : index
    %get3A_29 = arith.constant 0 : index
    %get3A_30 = arith.constant 0 : index
    %get3A_31 = vector.load %arg1[%get3A_28, %get3A_29, %get3A_30] : memref<200x32x128xf32, #tpu.memory_space<vmem>>, vector<200x32x128xf32>
    %mul3A_32 = vector.broadcast %broadcast_in_dim3A_27 : vector<200x32x1xf32> to vector<200x32x128xf32>
    %mul3A_33 = arith.mulf %reshape3A, %mul3A_32 : vector<200x32x128xf32>
    %mul3A_34 = arith.mulf %get3A_31, %mul3A_33 : vector<200x32x128xf32>
    %reshape3A_35 = vector.shape_cast %mul3A_34 : vector<200x32x128xf32> to vector<6400x128xf32>
    %convert_element_type3A = arith.truncf %reshape3A_35 : vector<6400x128xf32> to vector<6400x128xbf16>
    %get3A_36 = arith.constant 0 : index
    %get3A_37 = arith.constant 0 : index
    %get3A_38 = vector.load %arg10[%get3A_36, %get3A_37] : memref<128x128xbf16, #tpu.memory_space<vmem>>, vector<128x128xbf16>
    %dot_general3A_39 = arith.constant dense<0.000000e+00> : vector<6400x128xf32>
    %dot_general3A_40 = tpu.matmul %convert_element_type3A, %get3A_38, %dot_general3A_39 {dimension_numbers = #tpu.dot_dimension_numbers<[1], [0], [0], [1], [0, 0, 1, 1], [], []>, transpose_lhs_hint = false} : vector<6400x128xbf16>, vector<128x128xbf16>, vector<6400x128xf32> -> vector<6400x128xf32>
    %get3A_41 = arith.constant 0 : index
    %get3A_42 = arith.constant 0 : index
    %get3A_43 = vector.load %arg11[%get3A_41, %get3A_42] : memref<128x128xbf16, #tpu.memory_space<vmem>>, vector<128x128xbf16>
    %dot_general3A_44 = arith.constant dense<0.000000e+00> : vector<6400x128xf32>
    %dot_general3A_45 = tpu.matmul %convert_element_type3A, %get3A_43, %dot_general3A_44 {dimension_numbers = #tpu.dot_dimension_numbers<[1], [0], [0], [1], [0, 0, 1, 1], [], []>, transpose_lhs_hint = false} : vector<6400x128xbf16>, vector<128x128xbf16>, vector<6400x128xf32> -> vector<6400x128xf32>
    %get3A_46 = arith.constant 0 : index
    %get3A_47 = arith.constant 0 : index
    %get3A_48 = vector.load %arg6[%get3A_46, %get3A_47] : memref<200x128xf32, #tpu.memory_space<vmem>>, vector<200x128xf32>
    %convert_element_type3A_49 = arith.truncf %get3A_48 : vector<200x128xf32> to vector<200x128xbf16>
    %get3A_50 = arith.constant 0 : index
    %get3A_51 = arith.constant 0 : index
    %get3A_52 = vector.load %arg9[%get3A_50, %get3A_51] : memref<128x128xbf16, #tpu.memory_space<vmem>>, vector<128x128xbf16>
    %dot_general3A_53 = arith.constant dense<0.000000e+00> : vector<200x128xf32>
    %dot_general3A_54 = tpu.matmul %convert_element_type3A_49, %get3A_52, %dot_general3A_53 {dimension_numbers = #tpu.dot_dimension_numbers<[1], [0], [0], [1], [0, 0, 1, 1], [], []>, transpose_lhs_hint = false} : vector<200x128xbf16>, vector<128x128xbf16>, vector<200x128xf32> -> vector<200x128xf32>
    %broadcast_in_dim3A_55 = vector.shape_cast %dot_general3A_54 : vector<200x128xf32> to vector<200x1x128xf32>
    %broadcast_in_dim3A_56 = vector.broadcast %broadcast_in_dim3A_55 : vector<200x1x128xf32> to vector<200x32x128xf32>
    %reshape3A_57 = vector.shape_cast %dot_general3A_40 : vector<6400x128xf32> to vector<200x32x128xf32>
    %mul3A_58 = arith.mulf %broadcast_in_dim3A_56, %reshape3A_57 : vector<200x32x128xf32>
    %reshape3A_59 = vector.shape_cast %mul3A_58 : vector<200x32x128xf32> to vector<6400x128xf32>
    %iota3A = tpu.iota {dimensions = array<i32: 0>} : vector<128x8xi32>
    %jit3A_60 = arith.constant 16 : i32
    %div3A = vector.broadcast %jit3A_60 : i32 to vector<128x8xi32>
    %div3A_61 = arith.divsi %iota3A, %div3A : vector<128x8xi32>
    %sign3A = arith.constant 0 : i32
    %sign3A_62 = vector.broadcast %sign3A : i32 to vector<128x8xi32>
    %sign3A_63 = arith.cmpi sgt, %iota3A, %sign3A_62 : vector<128x8xi32>
    %sign3A_64 = arith.extui %sign3A_63 : vector<128x8xi1> to vector<128x8xi32>
    %sign3A_65 = arith.constant 0 : i32
    %sign3A_66 = vector.broadcast %sign3A_65 : i32 to vector<128x8xi32>
    %sign3A_67 = arith.cmpi slt, %iota3A, %sign3A_66 : vector<128x8xi32>
    %sign3A_68 = arith.extui %sign3A_67 : vector<128x8xi1> to vector<128x8xi32>
    %sign3A_69 = arith.subi %sign3A_64, %sign3A_68 : vector<128x8xi32>
    %sign3A_70 = arith.constant 0 : i32
    %sign3A_71 = arith.cmpi sgt, %jit3A_60, %sign3A_70 : i32
    %sign3A_72 = arith.extui %sign3A_71 : i1 to i32
    %sign3A_73 = arith.constant 0 : i32
    %sign3A_74 = arith.cmpi slt, %jit3A_60, %sign3A_73 : i32
    %sign3A_75 = arith.extui %sign3A_74 : i1 to i32
    %sign3A_76 = arith.subi %sign3A_72, %sign3A_75 : i32
    %ne3A = vector.broadcast %sign3A_76 : i32 to vector<128x8xi32>
    %ne3A_77 = arith.cmpi ne, %sign3A_69, %ne3A : vector<128x8xi32>
    %rem3A = vector.broadcast %jit3A_60 : i32 to vector<128x8xi32>
    %rem3A_78 = arith.remsi %iota3A, %rem3A : vector<128x8xi32>
    %ne3A_79 = arith.constant 0 : i32
    %ne3A_80 = vector.broadcast %ne3A_79 : i32 to vector<128x8xi32>
    %ne3A_81 = arith.cmpi ne, %rem3A_78, %ne3A_80 : vector<128x8xi32>
    %and3A = arith.andi %ne3A_77, %ne3A_81 : vector<128x8xi1>
    %sub3A = arith.constant 1 : i32
    %sub3A_82 = vector.broadcast %sub3A : i32 to vector<128x8xi32>
    %sub3A_83 = arith.subi %div3A_61, %sub3A_82 : vector<128x8xi32>
    %select_n3A_84 = arith.select %and3A, %sub3A_83, %div3A_61 : vector<128x8xi1>, vector<128x8xi32>
    %iota3A_85 = tpu.iota {dimensions = array<i32: 1>} : vector<128x8xi32>
    %eq3A = arith.cmpi eq, %select_n3A_84, %iota3A_85 : vector<128x8xi32>
    %convert_element_type3A_86 = arith.extui %eq3A : vector<128x8xi1> to vector<128x8xi32>
    %convert_element_type3A_87 = arith.sitofp %convert_element_type3A_86 : vector<128x8xi32> to vector<128x8xf32>
    %convert_element_type3A_88 = arith.truncf %convert_element_type3A_87 : vector<128x8xf32> to vector<128x8xbf16>
    %mul3A_89 = arith.constant 2.500000e-01 : bf16
    %mul3A_90 = vector.broadcast %mul3A_89 : bf16 to vector<128x8xbf16>
    %mul3A_91 = arith.mulf %convert_element_type3A_88, %mul3A_90 : vector<128x8xbf16>
    %iota3A_92 = tpu.iota {dimensions = array<i32: 1>} : vector<8x128xi32>
    %jit3A_93 = arith.constant 16 : i32
    %div3A_94 = vector.broadcast %jit3A_93 : i32 to vector<8x128xi32>
    %div3A_95 = arith.divsi %iota3A_92, %div3A_94 : vector<8x128xi32>
    %sign3A_96 = arith.constant 0 : i32
    %sign3A_97 = vector.broadcast %sign3A_96 : i32 to vector<8x128xi32>
    %sign3A_98 = arith.cmpi sgt, %iota3A_92, %sign3A_97 : vector<8x128xi32>
    %sign3A_99 = arith.extui %sign3A_98 : vector<8x128xi1> to vector<8x128xi32>
    %sign3A_100 = arith.constant 0 : i32
    %sign3A_101 = vector.broadcast %sign3A_100 : i32 to vector<8x128xi32>
    %sign3A_102 = arith.cmpi slt, %iota3A_92, %sign3A_101 : vector<8x128xi32>
    %sign3A_103 = arith.extui %sign3A_102 : vector<8x128xi1> to vector<8x128xi32>
    %sign3A_104 = arith.subi %sign3A_99, %sign3A_103 : vector<8x128xi32>
    %sign3A_105 = arith.constant 0 : i32
    %sign3A_106 = arith.cmpi sgt, %jit3A_93, %sign3A_105 : i32
    %sign3A_107 = arith.extui %sign3A_106 : i1 to i32
    %sign3A_108 = arith.constant 0 : i32
    %sign3A_109 = arith.cmpi slt, %jit3A_93, %sign3A_108 : i32
    %sign3A_110 = arith.extui %sign3A_109 : i1 to i32
    %sign3A_111 = arith.subi %sign3A_107, %sign3A_110 : i32
    %ne3A_112 = vector.broadcast %sign3A_111 : i32 to vector<8x128xi32>
    %ne3A_113 = arith.cmpi ne, %sign3A_104, %ne3A_112 : vector<8x128xi32>
    %rem3A_114 = vector.broadcast %jit3A_93 : i32 to vector<8x128xi32>
    %rem3A_115 = arith.remsi %iota3A_92, %rem3A_114 : vector<8x128xi32>
    %ne3A_116 = arith.constant 0 : i32
    %ne3A_117 = vector.broadcast %ne3A_116 : i32 to vector<8x128xi32>
    %ne3A_118 = arith.cmpi ne, %rem3A_115, %ne3A_117 : vector<8x128xi32>
    %and3A_119 = arith.andi %ne3A_113, %ne3A_118 : vector<8x128xi1>
    %sub3A_120 = arith.constant 1 : i32
    %sub3A_121 = vector.broadcast %sub3A_120 : i32 to vector<8x128xi32>
    %sub3A_122 = arith.subi %div3A_95, %sub3A_121 : vector<8x128xi32>
    %select_n3A_123 = arith.select %and3A_119, %sub3A_122, %div3A_95 : vector<8x128xi1>, vector<8x128xi32>
    %iota3A_124 = tpu.iota {dimensions = array<i32: 0>} : vector<8x128xi32>
    %eq3A_125 = arith.cmpi eq, %select_n3A_123, %iota3A_124 : vector<8x128xi32>
    %convert_element_type3A_126 = arith.extui %eq3A_125 : vector<8x128xi1> to vector<8x128xi32>
    %convert_element_type3A_127 = arith.sitofp %convert_element_type3A_126 : vector<8x128xi32> to vector<8x128xf32>
    %convert_element_type3A_128 = arith.truncf %convert_element_type3A_127 : vector<8x128xf32> to vector<8x128xbf16>
    %convert_element_type3A_129 = arith.truncf %reshape3A_59 : vector<6400x128xf32> to vector<6400x128xbf16>
    %dot_general3A_130 = arith.constant dense<0.000000e+00> : vector<6400x8xf32>
    %dot_general3A_131 = tpu.matmul %convert_element_type3A_129, %mul3A_91, %dot_general3A_130 {dimension_numbers = #tpu.dot_dimension_numbers<[1], [0], [0], [1], [0, 0, 1, 1], [], []>, transpose_lhs_hint = false} : vector<6400x128xbf16>, vector<128x8xbf16>, vector<6400x8xf32> -> vector<6400x8xf32>
    %reshape3A_132 = vector.shape_cast %dot_general3A_131 : vector<6400x8xf32> to vector<200x32x8xf32>
    %exp3A = math.exp %reshape3A_132 : vector<200x32x8xf32>
    %reduce_sum3A = arith.constant dense<0.000000e+00> : vector<200x8xf32>
    %reduce_sum3A_133 = vector.multi_reduction <add>, %exp3A, %reduce_sum3A [1] : vector<200x32x8xf32> to vector<200x8xf32>
    %reshape3A_134 = vector.shape_cast %exp3A : vector<200x32x8xf32> to vector<6400x8xf32>
    %convert_element_type3A_135 = arith.truncf %reshape3A_134 : vector<6400x8xf32> to vector<6400x8xbf16>
    %dot_general3A_136 = arith.constant dense<0.000000e+00> : vector<6400x128xf32>
    %dot_general3A_137 = tpu.matmul %convert_element_type3A_135, %convert_element_type3A_128, %dot_general3A_136 {dimension_numbers = #tpu.dot_dimension_numbers<[1], [0], [0], [1], [0, 0, 1, 1], [], []>, transpose_lhs_hint = false} : vector<6400x8xbf16>, vector<8x128xbf16>, vector<6400x128xf32> -> vector<6400x128xf32>
    %mul3A_138 = arith.mulf %dot_general3A_137, %dot_general3A_45 : vector<6400x128xf32>
    %reshape3A_139 = vector.shape_cast %mul3A_138 : vector<6400x128xf32> to vector<200x32x128xf32>
    %reduce_sum3A_140 = arith.constant dense<0.000000e+00> : vector<200x128xf32>
    %reduce_sum3A_141 = vector.multi_reduction <add>, %reshape3A_139, %reduce_sum3A_140 [1] : vector<200x32x128xf32> to vector<200x128xf32>
    %convert_element_type3A_142 = arith.truncf %reduce_sum3A_133 : vector<200x8xf32> to vector<200x8xbf16>
    %dot_general3A_143 = arith.constant dense<0.000000e+00> : vector<200x128xf32>
    %dot_general3A_144 = tpu.matmul %convert_element_type3A_142, %convert_element_type3A_128, %dot_general3A_143 {dimension_numbers = #tpu.dot_dimension_numbers<[1], [0], [0], [1], [0, 0, 1, 1], [], []>, transpose_lhs_hint = false} : vector<200x8xbf16>, vector<8x128xbf16>, vector<200x128xf32> -> vector<200x128xf32>
    %div3A_145 = arith.divf %reduce_sum3A_141, %dot_general3A_144 : vector<200x128xf32>
    %get3A_146 = arith.constant 0 : index
    %get3A_147 = arith.constant 0 : index
    %get3A_148 = vector.load %arg5[%get3A_146, %get3A_147] : memref<200x128xf32, #tpu.memory_space<vmem>>, vector<200x128xf32>
    %convert_element_type3A_149 = arith.truncf %div3A_145 : vector<200x128xf32> to vector<200x128xbf16>
    %get3A_150 = arith.constant 0 : index
    %get3A_151 = arith.constant 0 : index
    %get3A_152 = vector.load %arg12[%get3A_150, %get3A_151] : memref<128x128xbf16, #tpu.memory_space<vmem>>, vector<128x128xbf16>
    %dot_general3A_153 = arith.constant dense<0.000000e+00> : vector<200x128xf32>
    %dot_general3A_154 = tpu.matmul %convert_element_type3A_149, %get3A_152, %dot_general3A_153 {dimension_numbers = #tpu.dot_dimension_numbers<[1], [0], [0], [1], [0, 0, 1, 1], [], []>, transpose_lhs_hint = false} : vector<200x128xbf16>, vector<128x128xbf16>, vector<200x128xf32> -> vector<200x128xf32>
    %add3A_155 = arith.addf %get3A_148, %dot_general3A_154 : vector<200x128xf32>
    %swap3A = arith.constant 0 : index
    %swap3A_156 = arith.constant 0 : index
    %swap3A_157 = vector.load %arg13[%swap3A, %swap3A_156] : memref<200x128xf32, #tpu.memory_space<vmem>>, vector<200x128xf32>
    tpu.vector_store %arg13[%swap3A, %swap3A_156], %add3A_155 {strides = array<i32>} : memref<200x128xf32, #tpu.memory_space<vmem>>, vector<200x128xf32>,
    return
  }
  func.func @transform_0(%arg0: i32) -> (i32, i32, i32) {
    %c0_i32 = arith.constant 0 : i32
    %c0_i32_0 = arith.constant 0 : i32
    %c0_i32_1 = arith.constant 0 : i32
    return %arg0, %c0_i32, %c0_i32_0 : i32, i32, i32
  }
  func.func @transform_1(%arg0: i32) -> (i32, i32) {
    %add3A = arith.constant 10 : i32
    %add3A_0 = arith.addi %arg0, %add3A : i32
    %c0_i32 = arith.constant 0 : i32
    %c0_i32_1 = arith.constant 0 : i32
    return %add3A_0, %c0_i32 : i32, i32
  }
  func.func @transform_2(%arg0: i32) -> (i32, i32) {
    %add3A = arith.constant 10 : i32
    %add3A_0 = arith.addi %arg0, %add3A : i32
    %c0_i32 = arith.constant 0 : i32
    %c0_i32_1 = arith.constant 0 : i32
    return %add3A_0, %c0_i32 : i32, i32
  }
  func.func @transform_3(%arg0: i32) -> (i32, i32) {
    %add3A = arith.constant 10 : i32
    %add3A_0 = arith.addi %arg0, %add3A : i32
    %c0_i32 = arith.constant 0 : i32
    %c0_i32_1 = arith.constant 0 : i32
    return %add3A_0, %c0_i32 : i32, i32
  }
  func.func @transform_4(%arg0: i32) -> (i32, i32) {
    %add3A = arith.constant 10 : i32
    %add3A_0 = arith.addi %arg0, %add3A : i32
    %c0_i32 = arith.constant 0 : i32
    %c0_i32_1 = arith.constant 0 : i32
    return %add3A_0, %c0_i32 : i32, i32
  }
  func.func @transform_5(%arg0: i32) -> (i32, i32) {
    %add3A = arith.constant 10 : i32
    %add3A_0 = arith.addi %arg0, %add3A : i32
    %c0_i32 = arith.constant 0 : i32
    %c0_i32_1 = arith.constant 0 : i32
    return %add3A_0, %c0_i32 : i32, i32
  }
  func.func @transform_6(%arg0: i32) -> (i32, i32) {
    %c0_i32 = arith.constant 0 : i32
    %c0_i32_0 = arith.constant 0 : i32
    %c0_i32_1 = arith.constant 0 : i32
    return %c0_i32, %c0_i32_0 : i32, i32
  }
  func.func @transform_7(%arg0: i32) -> (i32, i32) {
    %c0_i32 = arith.constant 0 : i32
    %c0_i32_0 = arith.constant 0 : i32
    %c0_i32_1 = arith.constant 0 : i32
    return %c0_i32, %c0_i32_0 : i32, i32
  }
  func.func @transform_8(%arg0: i32) -> (i32, i32) {
    %c0_i32 = arith.constant 0 : i32
    %c0_i32_0 = arith.constant 0 : i32
    %c0_i32_1 = arith.constant 0 : i32
    return %c0_i32, %c0_i32_0 : i32, i32
  }
  func.func @transform_9(%arg0: i32) -> (i32, i32) {
    %c0_i32 = arith.constant 0 : i32
    %c0_i32_0 = arith.constant 0 : i32
    %c0_i32_1 = arith.constant 0 : i32
    return %c0_i32, %c0_i32_0 : i32, i32
  }
  func.func @transform_10(%arg0: i32) -> (i32, i32) {
    %c0_i32 = arith.constant 0 : i32
    %c0_i32_0 = arith.constant 0 : i32
    %c0_i32_1 = arith.constant 0 : i32
    return %c0_i32, %c0_i32_0 : i32, i32
  }
  func.func @transform_11(%arg0: i32) -> (i32, i32) {
    %c0_i32 = arith.constant 0 : i32
    %c0_i32_0 = arith.constant 0 : i32
    %c0_i32_1 = arith.constant 0 : i32
    return %c0_i32, %c0_i32_0 : i32, i32
  }
  func.func @transform_12(%arg0: i32) -> (i32, i32) {
    %c0_i32 = arith.constant 0 : i32
    %c0_i32_0 = arith.constant 0 : i32
    return %arg0, %c0_i32 : i32, i32
  }
}

module attributes {stable_mosaic.version = 14 : i64} {
  func.func @_fused_body(%arg0: i32, %arg1: memref<200x32x128xf32, #tpu.memory_space<vmem>>, %arg2: memref<6400x32xbf16, #tpu.memory_space<vmem>>, %arg3: memref<200x32xf32, #tpu.memory_space<vmem>>, %arg4: memref<200x32xf32, #tpu.memory_space<vmem>>, %arg5: memref<200x128xf32, #tpu.memory_space<vmem>>, %arg6: memref<200x128xf32, #tpu.memory_space<vmem>>, %arg7: memref<32x128xbf16, #tpu.memory_space<vmem>>, %arg8: memref<1x128xf32, #tpu.memory_space<vmem>>, %arg9: memref<128x128xbf16, #tpu.memory_space<vmem>>, %arg10: memref<128x128xbf16, #tpu.memory_space<vmem>>, %arg11: memref<128x128xbf16, #tpu.memory_space<vmem>>, %arg12: memref<128x128xbf16, #tpu.memory_space<vmem>>, %arg13: memref<200x128xf32, #tpu.memory_space<vmem>>) attributes {dimension_semantics = [#tpu.dimension_semantics<arbitrary>], iteration_bounds = array<i64: 10>, scalar_prefetch = 0 : i64, scratch_operands = 0 : i64, tpu.core_type = #tpu.core_type<tc>, window_params = [{transform_indices = @transform_0, window_bounds = array<i64: 200, 32, 128>}, {transform_indices = @transform_1, window_bounds = array<i64: 6400, 32>}, {transform_indices = @transform_2, window_bounds = array<i64: 200, 32>}, {transform_indices = @transform_3, window_bounds = array<i64: 200, 32>}, {transform_indices = @transform_4, window_bounds = array<i64: 200, 128>}, {transform_indices = @transform_5, window_bounds = array<i64: 200, 128>}, {pipeline_mode = #tpu.pipeline_mode<synchronous>, transform_indices = @transform_6, window_bounds = array<i64: 32, 128>}, {pipeline_mode = #tpu.pipeline_mode<synchronous>, transform_indices = @transform_7, window_bounds = array<i64: 1, 128>}, {pipeline_mode = #tpu.pipeline_mode<synchronous>, transform_indices = @transform_8, window_bounds = array<i64: 128, 128>}, {pipeline_mode = #tpu.pipeline_mode<synchronous>, transform_indices = @transform_9, window_bounds = array<i64: 128, 128>}, {pipeline_mode = #tpu.pipeline_mode<synchronous>, transform_indices = @transform_10, window_bounds = array<i64: 128, 128>}, {pipeline_mode = #tpu.pipeline_mode<synchronous>, transform_indices = @transform_11, window_bounds = array<i64: 128, 128>}, {transform_indices = @transform_12, window_bounds = array<i64: 200, 128>}]} {
    %get3A = arith.constant 0 : index
    %get3A_0 = arith.constant 0 : index
    %get3A_1 = vector.load %arg2[%get3A, %get3A_0] : memref<6400x32xbf16, #tpu.memory_space<vmem>>, vector<6400x32xbf16>
    %get3A_2 = arith.constant 0 : index
    %get3A_3 = arith.constant 0 : index
    %get3A_4 = vector.load %arg7[%get3A_2, %get3A_3] : memref<32x128xbf16, #tpu.memory_space<vmem>>, vector<32x128xbf16>
    %dot_general3A = arith.constant dense<0.000000e+00> : vector<6400x128xf32>
    %dot_general3A_5 = tpu.matmul %get3A_1, %get3A_4, %dot_general3A {dimension_numbers = #tpu.dot_dimension_numbers<[1], [0], [0], [1], [0, 0, 1, 1], [], []>, transpose_lhs_hint = false} : vector<6400x32xbf16>, vector<32x128xbf16>, vector<6400x128xf32> -> vector<6400x128xf32>
    %get3A_6 = arith.constant 0 : index
    %get3A_7 = arith.constant 0 : index
    %get3A_8 = vector.load %arg8[%get3A_6, %get3A_7] : memref<1x128xf32, #tpu.memory_space<vmem>>, vector<1x128xf32>
    %add3A = vector.broadcast %get3A_8 : vector<1x128xf32> to vector<6400x128xf32>
    %add3A_9 = arith.addf %dot_general3A_5, %add3A : vector<6400x128xf32>
    %reshape3A = vector.shape_cast %add3A_9 : vector<6400x128xf32> to vector<200x32x128xf32>
    %get3A_10 = arith.constant 0 : index
    %get3A_11 = arith.constant 0 : index
    %get3A_12 = vector.load %arg3[%get3A_10, %get3A_11] : memref<200x32xf32, #tpu.memory_space<vmem>>, vector<200x32xf32>
    %mul3A = arith.constant 0.628318548 : f32
    %mul3A_13 = vector.broadcast %mul3A : f32 to vector<200x32xf32>
    %mul3A_14 = arith.mulf %get3A_12, %mul3A_13 : vector<200x32xf32>
    %cos3A = math.cos %mul3A_14 : vector<200x32xf32>
    %add3A_15 = arith.constant 1.000000e+00 : f32
    %add3A_16 = vector.broadcast %add3A_15 : f32 to vector<200x32xf32>
    %add3A_17 = arith.addf %cos3A, %add3A_16 : vector<200x32xf32>
    %mul3A_18 = arith.constant 5.000000e-01 : f32
    %mul3A_19 = vector.broadcast %mul3A_18 : f32 to vector<200x32xf32>
    %mul3A_20 = arith.mulf %mul3A_19, %add3A_17 : vector<200x32xf32>
    %lt3A = arith.constant 5.000000e+00 : f32
    %lt3A_21 = vector.broadcast %lt3A : f32 to vector<200x32xf32>
    %lt3A_22 = arith.cmpf olt, %get3A_12, %lt3A_21 : vector<200x32xf32>
    %jit3A = arith.constant 0.000000e+00 : f32
    %broadcast_in_dim3A = vector.broadcast %jit3A : f32 to vector<200x32xf32>
    %select_n3A = arith.select %lt3A_22, %mul3A_20, %broadcast_in_dim3A : vector<200x32xi1>, vector<200x32xf32>
    %get3A_23 = arith.constant 0 : index
    %get3A_24 = arith.constant 0 : index
    %get3A_25 = vector.load %arg4[%get3A_23, %get3A_24] : memref<200x32xf32, #tpu.memory_space<vmem>>, vector<200x32xf32>
    %mul3A_26 = arith.mulf %select_n3A, %get3A_25 : vector<200x32xf32>
    %broadcast_in_dim3A_27 = vector.shape_cast %mul3A_26 : vector<200x32xf32> to vector<200x32x1xf32>
    %get3A_28 = arith.constant 0 : index
    %get3A_29 = arith.constant 0 : index
    %get3A_30 = arith.constant 0 : index
    %get3A_31 = vector.load %arg1[%get3A_28, %get3A_29, %get3A_30] : memref<200x32x128xf32, #tpu.memory_space<vmem>>, vector<200x32x128xf32>
    %mul3A_32 = vector.broadcast %broadcast_in_dim3A_27 : vector<200x32x1xf32> to vector<200x32x128xf32>
    %mul3A_33 = arith.mulf %reshape3A, %mul3A_32 : vector<200x32x128xf32>
    %mul3A_34 = arith.mulf %get3A_31, %mul3A_33 : vector<200x32x128xf32>
    %reshape3A_35 = vector.shape_cast %mul3A_34 : vector<200x32x128xf32> to vector<6400x128xf32>
    %convert_element_type3A = arith.truncf %reshape3A_35 : vector<6400x128xf32> to vector<6400x128xbf16>
    %get3A_36 = arith.constant 0 : index
    %get3A_37 = arith.constant 0 : index
    %get3A_38 = vector.load %arg10[%get3A_36, %get3A_37] : memref<128x128xbf16, #tpu.memory_space<vmem>>, vector<128x128xbf16>
    %dot_general3A_39 = arith.constant dense<0.000000e+00> : vector<6400x128xf32>
    %dot_general3A_40 = tpu.matmul %convert_element_type3A, %get3A_38, %dot_general3A_39 {dimension_numbers = #tpu.dot_dimension_numbers<[1], [0], [0], [1], [0, 0, 1, 1], [], []>, transpose_lhs_hint = false} : vector<6400x128xbf16>, vector<128x128xbf16>, vector<6400x128xf32> -> vector<6400x128xf32>
    %get3A_41 = arith.constant 0 : index
    %get3A_42 = arith.constant 0 : index
    %get3A_43 = vector.load %arg11[%get3A_41, %get3A_42] : memref<128x128xbf16, #tpu.memory_space<vmem>>, vector<128x128xbf16>
    %dot_general3A_44 = arith.constant dense<0.000000e+00> : vector<6400x128xf32>
    %dot_general3A_45 = tpu.matmul %convert_element_type3A, %get3A_43, %dot_general3A_44 {dimension_numbers = #tpu.dot_dimension_numbers<[1], [0], [0], [1], [0, 0, 1, 1], [], []>, transpose_lhs_hint = false} : vector<6400x128xbf16>, vector<128x128xbf16>, vector<6400x128xf32> -> vector<6400x128xf32>
    %get3A_46 = arith.constant 0 : index
    %get3A_47 = arith.constant 0 : index
    %get3A_48 = vector.load %arg6[%get3A_46, %get3A_47] : memref<200x128xf32, #tpu.memory_space<vmem>>, vector<200x128xf32>
    %convert_element_type3A_49 = arith.truncf %get3A_48 : vector<200x128xf32> to vector<200x128xbf16>
    %get3A_50 = arith.constant 0 : index
    %get3A_51 = arith.constant 0 : index
    %get3A_52 = vector.load %arg9[%get3A_50, %get3A_51] : memref<128x128xbf16, #tpu.memory_space<vmem>>, vector<128x128xbf16>
    %dot_general3A_53 = arith.constant dense<0.000000e+00> : vector<200x128xf32>
    %dot_general3A_54 = tpu.matmul %convert_element_type3A_49, %get3A_52, %dot_general3A_53 {dimension_numbers = #tpu.dot_dimension_numbers<[1], [0], [0], [1], [0, 0, 1, 1], [], []>, transpose_lhs_hint = false} : vector<200x128xbf16>, vector<128x128xbf16>, vector<200x128xf32> -> vector<200x128xf32>
    %broadcast_in_dim3A_55 = vector.shape_cast %dot_general3A_54 : vector<200x128xf32> to vector<200x1x128xf32>
    %broadcast_in_dim3A_56 = vector.broadcast %broadcast_in_dim3A_55 : vector<200x1x128xf32> to vector<200x32x128xf32>
    %reshape3A_57 = vector.shape_cast %dot_general3A_40 : vector<6400x128xf32> to vector<200x32x128xf32>
    %mul3A_58 = arith.mulf %broadcast_in_dim3A_56, %reshape3A_57 : vector<200x32x128xf32>
    %reshape3A_59 = vector.shape_cast %mul3A_58 : vector<200x32x128xf32> to vector<6400x128xf32>
    %iota3A = tpu.iota {dimensions = array<i32: 0>} : vector<128x8xi32>
    %jit3A_60 = arith.constant 16 : i32
    %div3A = vector.broadcast %jit3A_60 : i32 to vector<128x8xi32>
    %div3A_61 = arith.divsi %iota3A, %div3A : vector<128x8xi32>
    %sign3A = arith.constant 0 : i32
    %sign3A_62 = vector.broadcast %sign3A : i32 to vector<128x8xi32>
    %sign3A_63 = arith.cmpi sgt, %iota3A, %sign3A_62 : vector<128x8xi32>
    %sign3A_64 = arith.extui %sign3A_63 : vector<128x8xi1> to vector<128x8xi32>
    %sign3A_65 = arith.constant 0 : i32
    %sign3A_66 = vector.broadcast %sign3A_65 : i32 to vector<128x8xi32>
    %sign3A_67 = arith.cmpi slt, %iota3A, %sign3A_66 : vector<128x8xi32>
    %sign3A_68 = arith.extui %sign3A_67 : vector<128x8xi1> to vector<128x8xi32>
    %sign3A_69 = arith.subi %sign3A_64, %sign3A_68 : vector<128x8xi32>
    %sign3A_70 = arith.constant 0 : i32
    %sign3A_71 = arith.cmpi sgt, %jit3A_60, %sign3A_70 : i32
    %sign3A_72 = arith.extui %sign3A_71 : i1 to i32
    %sign3A_73 = arith.constant 0 : i32
    %sign3A_74 = arith.cmpi slt, %jit3A_60, %sign3A_73 : i32
    %sign3A_75 = arith.extui %sign3A_74 : i1 to i32
    %sign3A_76 = arith.subi %sign3A_72, %sign3A_75 : i32
    %ne3A = vector.broadcast %sign3A_76 : i32 to vector<128x8xi32>
    %ne3A_77 = arith.cmpi ne, %sign3A_69, %ne3A : vector<128x8xi32>
    %rem3A = vector.broadcast %jit3A_60 : i32 to vector<128x8xi32>
    %rem3A_78 = arith.remsi %iota3A, %rem3A : vector<128x8xi32>
    %ne3A_79 = arith.constant 0 : i32
    %ne3A_80 = vector.broadcast %ne3A_79 : i32 to vector<128x8xi32>
    %ne3A_81 = arith.cmpi ne, %rem3A_78, %ne3A_80 : vector<128x8xi32>
    %and3A = arith.andi %ne3A_77, %ne3A_81 : vector<128x8xi1>
    %sub3A = arith.constant 1 : i32
    %sub3A_82 = vector.broadcast %sub3A : i32 to vector<128x8xi32>
    %sub3A_83 = arith.subi %div3A_61, %sub3A_82 : vector<128x8xi32>
    %select_n3A_84 = arith.select %and3A, %sub3A_83, %div3A_61 : vector<128x8xi1>, vector<128x8xi32>
    %iota3A_85 = tpu.iota {dimensions = array<i32: 1>} : vector<128x8xi32>
    %eq3A = arith.cmpi eq, %select_n3A_84, %iota3A_85 : vector<128x8xi32>
    %convert_element_type3A_86 = arith.extui %eq3A : vector<128x8xi1> to vector<128x8xi32>
    %convert_element_type3A_87 = arith.sitofp %convert_element_type3A_86 : vector<128x8xi32> to vector<128x8xf32>
    %convert_element_type3A_88 = arith.truncf %convert_element_type3A_87 : vector<128x8xf32> to vector<128x8xbf16>
    %mul3A_89 = arith.constant 2.500000e-01 : bf16
    %mul3A_90 = vector.broadcast %mul3A_89 : bf16 to vector<128x8xbf16>
    %mul3A_91 = arith.mulf %convert_element_type3A_88, %mul3A_90 : vector<128x8xbf16>
    %iota3A_92 = tpu.iota {dimensions = array<i32: 1>} : vector<8x128xi32>
    %jit3A_93 = arith.constant 16 : i32
    %div3A_94 = vector.broadcast %jit3A_93 : i32 to vector<8x128xi32>
    %div3A_95 = arith.divsi %iota3A_92, %div3A_94 : vector<8x128xi32>
    %sign3A_96 = arith.constant 0 : i32
    %sign3A_97 = vector.broadcast %sign3A_96 : i32 to vector<8x128xi32>
    %sign3A_98 = arith.cmpi sgt, %iota3A_92, %sign3A_97 : vector<8x128xi32>
    %sign3A_99 = arith.extui %sign3A_98 : vector<8x128xi1> to vector<8x128xi32>
    %sign3A_100 = arith.constant 0 : i32
    %sign3A_101 = vector.broadcast %sign3A_100 : i32 to vector<8x128xi32>
    %sign3A_102 = arith.cmpi slt, %iota3A_92, %sign3A_101 : vector<8x128xi32>
    %sign3A_103 = arith.extui %sign3A_102 : vector<8x128xi1> to vector<8x128xi32>
    %sign3A_104 = arith.subi %sign3A_99, %sign3A_103 : vector<8x128xi32>
    %sign3A_105 = arith.constant 0 : i32
    %sign3A_106 = arith.cmpi sgt, %jit3A_93, %sign3A_105 : i32
    %sign3A_107 = arith.extui %sign3A_106 : i1 to i32
    %sign3A_108 = arith.constant 0 : i32
    %sign3A_109 = arith.cmpi slt, %jit3A_93, %sign3A_108 : i32
    %sign3A_110 = arith.extui %sign3A_109 : i1 to i32
    %sign3A_111 = arith.subi %sign3A_107, %sign3A_110 : i32
    %ne3A_112 = vector.broadcast %sign3A_111 : i32 to vector<8x128xi32>
    %ne3A_113 = arith.cmpi ne, %sign3A_104, %ne3A_112 : vector<8x128xi32>
    %rem3A_114 = vector.broadcast %jit3A_93 : i32 to vector<8x128xi32>
    %rem3A_115 = arith.remsi %iota3A_92, %rem3A_114 : vector<8x128xi32>
    %ne3A_116 = arith.constant 0 : i32
    %ne3A_117 = vector.broadcast %ne3A_116 : i32 to vector<8x128xi32>
    %ne3A_118 = arith.cmpi ne, %rem3A_115, %ne3A_117 : vector<8x128xi32>
    %and3A_119 = arith.andi %ne3A_113, %ne3A_118 : vector<8x128xi1>
    %sub3A_120 = arith.constant 1 : i32
    %sub3A_121 = vector.broadcast %sub3A_120 : i32 to vector<8x128xi32>
    %sub3A_122 = arith.subi %div3A_95, %sub3A_121 : vector<8x128xi32>
    %select_n3A_123 = arith.select %and3A_119, %sub3A_122, %div3A_95 : vector<8x128xi1>, vector<8x128xi32>
    %iota3A_124 = tpu.iota {dimensions = array<i32: 0>} : vector<8x128xi32>
    %eq3A_125 = arith.cmpi eq, %select_n3A_123, %iota3A_124 : vector<8x128xi32>
    %convert_element_type3A_126 = arith.extui %eq3A_125 : vector<8x128xi1> to vector<8x128xi32>
    %convert_element_type3A_127 = arith.sitofp %convert_element_type3A_126 : vector<8x128xi32> to vector<8x128xf32>
    %convert_element_type3A_128 = arith.truncf %convert_element_type3A_127 : vector<8x128xf32> to vector<8x128xbf16>
    %convert_element_type3A_129 = arith.truncf %reshape3A_59 : vector<6400x128xf32> to vector<6400x128xbf16>
    %dot_general3A_130 = arith.constant dense<0.000000e+00> : vector<6400x8xf32>
    %dot_general3A_131 = tpu.matmul %convert_element_type3A_129, %mul3A_91, %dot_general3A_130 {dimension_numbers = #tpu.dot_dimension_numbers<[1], [0], [0], [1], [0, 0, 1, 1], [], []>, transpose_lhs_hint = false} : vector<6400x128xbf16>, vector<128x8xbf16>, vector<6400x8xf32> -> vector<6400x8xf32>
    %reshape3A_132 = vector.shape_cast %dot_general3A_131 : vector<6400x8xf32> to vector<200x32x8xf32>
    %exp3A = math.exp %reshape3A_132 : vector<200x32x8xf32>
    %reduce_sum3A = arith.constant dense<0.000000e+00> : vector<200x8xf32>
    %reduce_sum3A_133 = vector.multi_reduction <add>, %exp3A, %reduce_sum3A [1] : vector<200x32x8xf32> to vector<200x8xf32>
    %reshape3A_134 = vector.shape_cast %exp3A : vector<200x32x8xf32> to vector<6400x8xf32>
    %convert_element_type3A_135 = arith.truncf %reshape3A_134 : vector<6400x8xf32> to vector<6400x8xbf16>
    %dot_general3A_136 = arith.constant dense<0.000000e+00> : vector<6400x128xf32>
    %dot_general3A_137 = tpu.matmul %convert_element_type3A_135, %convert_element_type3A_128, %dot_general3A_136 {dimension_numbers = #tpu.dot_dimension_numbers<[1], [0], [0], [1], [0, 0, 1, 1], [], []>, transpose_lhs_hint = false} : vector<6400x8xbf16>, vector<8x128xbf16>, vector<6400x128xf32> -> vector<6400x128xf32>
    %mul3A_138 = arith.mulf %dot_general3A_137, %dot_general3A_45 : vector<6400x128xf32>
    %reshape3A_139 = vector.shape_cast %mul3A_138 : vector<6400x128xf32> to vector<200x32x128xf32>
    %reduce_sum3A_140 = arith.constant dense<0.000000e+00> : vector<200x128xf32>
    %reduce_sum3A_141 = vector.multi_reduction <add>, %reshape3A_139, %reduce_sum3A_140 [1] : vector<200x32x128xf32> to vector<200x128xf32>
    %convert_element_type3A_142 = arith.truncf %reduce_sum3A_133 : vector<200x8xf32> to vector<200x8xbf16>
    %dot_general3A_143 = arith.constant dense<0.000000e+00> : vector<200x128xf32>
    %dot_general3A_144 = tpu.matmul %convert_element_type3A_142, %convert_element_type3A_128, %dot_general3A_143 {dimension_numbers = #tpu.dot_dimension_numbers<[1], [0], [0], [1], [0, 0, 1, 1], [], []>, transpose_lhs_hint = false} : vector<200x8xbf16>, vector<8x128xbf16>, vector<200x128xf32> -> vector<200x128xf32>
    %div3A_145 = arith.divf %reduce_sum3A_141, %dot_general3A_144 : vector<200x128xf32>
    %get3A_146 = arith.constant 0 : index
    %get3A_147 = arith.constant 0 : index
    %get3A_148 = vector.load %arg5[%get3A_146, %get3A_147] : memref<200x128xf32, #tpu.memory_space<vmem>>, vector<200x128xf32>
    %convert_element_type3A_149 = arith.truncf %div3A_145 : vector<200x128xf32> to vector<200x128xbf16>
    %get3A_150 = arith.constant 0 : index
    %get3A_151 = arith.constant 0 : index
    %get3A_152 = vector.load %arg12[%get3A_150, %get3A_151] : memref<128x128xbf16, #tpu.memory_space<vmem>>, vector<128x128xbf16>
    %dot_general3A_153 = arith.constant dense<0.000000e+00> : vector<200x128xf32>
    %dot_general3A_154 = tpu.matmul %convert_element_type3A_149, %get3A_152, %dot_general3A_153 {dimension_numbers = #tpu.dot_dimension_numbers<[1], [0], [0], [1], [0, 0, 1, 1], [], []>, transpose_lhs_hint = false} : vector<200x128xbf16>, vector<128x128xbf16>, vector<200x128xf32> -> vector<200x128xf32>
    %add3A_155 = arith.addf %get3A_148, %dot_general3A_154 : vector<200x128xf32>
    %swap3A = arith.constant 0 : index
    %swap3A_156 = arith.constant 0 : index
    %swap3A_157 = vector.load %arg13[%swap3A, %swap3A_156] : memref<200x128xf32, #tpu.memory_space<vmem>>, vector<200x128xf32>
    tpu.vector_store %arg13[%swap3A, %swap3A_156], %add3A_155 {strides = array<i32>} : memref<200x128xf32, #tpu.memory_space<vmem>>, vector<200x128xf32>,
    return
  }
  func.func @transform_0(%arg0: i32) -> (i32, i32, i32) {
    %c0_i32 = arith.constant 0 : i32
    %c0_i32_0 = arith.constant 0 : i32
    %c0_i32_1 = arith.constant 0 : i32
    return %arg0, %c0_i32, %c0_i32_0 : i32, i32, i32
  }
  func.func @transform_1(%arg0: i32) -> (i32, i32) {
    %add3A = arith.constant 20 : i32
    %add3A_0 = arith.addi %arg0, %add3A : i32
    %c0_i32 = arith.constant 0 : i32
    %c0_i32_1 = arith.constant 0 : i32
    return %add3A_0, %c0_i32 : i32, i32
  }
  func.func @transform_2(%arg0: i32) -> (i32, i32) {
    %add3A = arith.constant 20 : i32
    %add3A_0 = arith.addi %arg0, %add3A : i32
    %c0_i32 = arith.constant 0 : i32
    %c0_i32_1 = arith.constant 0 : i32
    return %add3A_0, %c0_i32 : i32, i32
  }
  func.func @transform_3(%arg0: i32) -> (i32, i32) {
    %add3A = arith.constant 20 : i32
    %add3A_0 = arith.addi %arg0, %add3A : i32
    %c0_i32 = arith.constant 0 : i32
    %c0_i32_1 = arith.constant 0 : i32
    return %add3A_0, %c0_i32 : i32, i32
  }
  func.func @transform_4(%arg0: i32) -> (i32, i32) {
    %add3A = arith.constant 20 : i32
    %add3A_0 = arith.addi %arg0, %add3A : i32
    %c0_i32 = arith.constant 0 : i32
    %c0_i32_1 = arith.constant 0 : i32
    return %add3A_0, %c0_i32 : i32, i32
  }
  func.func @transform_5(%arg0: i32) -> (i32, i32) {
    %add3A = arith.constant 20 : i32
    %add3A_0 = arith.addi %arg0, %add3A : i32
    %c0_i32 = arith.constant 0 : i32
    %c0_i32_1 = arith.constant 0 : i32
    return %add3A_0, %c0_i32 : i32, i32
  }
  func.func @transform_6(%arg0: i32) -> (i32, i32) {
    %c0_i32 = arith.constant 0 : i32
    %c0_i32_0 = arith.constant 0 : i32
    %c0_i32_1 = arith.constant 0 : i32
    return %c0_i32, %c0_i32_0 : i32, i32
  }
  func.func @transform_7(%arg0: i32) -> (i32, i32) {
    %c0_i32 = arith.constant 0 : i32
    %c0_i32_0 = arith.constant 0 : i32
    %c0_i32_1 = arith.constant 0 : i32
    return %c0_i32, %c0_i32_0 : i32, i32
  }
  func.func @transform_8(%arg0: i32) -> (i32, i32) {
    %c0_i32 = arith.constant 0 : i32
    %c0_i32_0 = arith.constant 0 : i32
    %c0_i32_1 = arith.constant 0 : i32
    return %c0_i32, %c0_i32_0 : i32, i32
  }
  func.func @transform_9(%arg0: i32) -> (i32, i32) {
    %c0_i32 = arith.constant 0 : i32
    %c0_i32_0 = arith.constant 0 : i32
    %c0_i32_1 = arith.constant 0 : i32
    return %c0_i32, %c0_i32_0 : i32, i32
  }
  func.func @transform_10(%arg0: i32) -> (i32, i32) {
    %c0_i32 = arith.constant 0 : i32
    %c0_i32_0 = arith.constant 0 : i32
    %c0_i32_1 = arith.constant 0 : i32
    return %c0_i32, %c0_i32_0 : i32, i32
  }
  func.func @transform_11(%arg0: i32) -> (i32, i32) {
    %c0_i32 = arith.constant 0 : i32
    %c0_i32_0 = arith.constant 0 : i32
    %c0_i32_1 = arith.constant 0 : i32
    return %c0_i32, %c0_i32_0 : i32, i32
  }
  func.func @transform_12(%arg0: i32) -> (i32, i32) {
    %c0_i32 = arith.constant 0 : i32
    %c0_i32_0 = arith.constant 0 : i32
    return %arg0, %c0_i32 : i32, i32
  }
}

module attributes {stable_mosaic.version = 14 : i64} {
  func.func @_fused_body(%arg0: i32, %arg1: memref<200x32x128xf32, #tpu.memory_space<vmem>>, %arg2: memref<6400x32xbf16, #tpu.memory_space<vmem>>, %arg3: memref<200x32xf32, #tpu.memory_space<vmem>>, %arg4: memref<200x32xf32, #tpu.memory_space<vmem>>, %arg5: memref<200x128xf32, #tpu.memory_space<vmem>>, %arg6: memref<200x128xf32, #tpu.memory_space<vmem>>, %arg7: memref<32x128xbf16, #tpu.memory_space<vmem>>, %arg8: memref<1x128xf32, #tpu.memory_space<vmem>>, %arg9: memref<128x128xbf16, #tpu.memory_space<vmem>>, %arg10: memref<128x128xbf16, #tpu.memory_space<vmem>>, %arg11: memref<128x128xbf16, #tpu.memory_space<vmem>>, %arg12: memref<128x128xbf16, #tpu.memory_space<vmem>>, %arg13: memref<200x128xf32, #tpu.memory_space<vmem>>) attributes {dimension_semantics = [#tpu.dimension_semantics<arbitrary>], iteration_bounds = array<i64: 10>, scalar_prefetch = 0 : i64, scratch_operands = 0 : i64, tpu.core_type = #tpu.core_type<tc>, window_params = [{transform_indices = @transform_0, window_bounds = array<i64: 200, 32, 128>}, {transform_indices = @transform_1, window_bounds = array<i64: 6400, 32>}, {transform_indices = @transform_2, window_bounds = array<i64: 200, 32>}, {transform_indices = @transform_3, window_bounds = array<i64: 200, 32>}, {transform_indices = @transform_4, window_bounds = array<i64: 200, 128>}, {transform_indices = @transform_5, window_bounds = array<i64: 200, 128>}, {pipeline_mode = #tpu.pipeline_mode<synchronous>, transform_indices = @transform_6, window_bounds = array<i64: 32, 128>}, {pipeline_mode = #tpu.pipeline_mode<synchronous>, transform_indices = @transform_7, window_bounds = array<i64: 1, 128>}, {pipeline_mode = #tpu.pipeline_mode<synchronous>, transform_indices = @transform_8, window_bounds = array<i64: 128, 128>}, {pipeline_mode = #tpu.pipeline_mode<synchronous>, transform_indices = @transform_9, window_bounds = array<i64: 128, 128>}, {pipeline_mode = #tpu.pipeline_mode<synchronous>, transform_indices = @transform_10, window_bounds = array<i64: 128, 128>}, {pipeline_mode = #tpu.pipeline_mode<synchronous>, transform_indices = @transform_11, window_bounds = array<i64: 128, 128>}, {transform_indices = @transform_12, window_bounds = array<i64: 200, 128>}]} {
    %get3A = arith.constant 0 : index
    %get3A_0 = arith.constant 0 : index
    %get3A_1 = vector.load %arg2[%get3A, %get3A_0] : memref<6400x32xbf16, #tpu.memory_space<vmem>>, vector<6400x32xbf16>
    %get3A_2 = arith.constant 0 : index
    %get3A_3 = arith.constant 0 : index
    %get3A_4 = vector.load %arg7[%get3A_2, %get3A_3] : memref<32x128xbf16, #tpu.memory_space<vmem>>, vector<32x128xbf16>
    %dot_general3A = arith.constant dense<0.000000e+00> : vector<6400x128xf32>
    %dot_general3A_5 = tpu.matmul %get3A_1, %get3A_4, %dot_general3A {dimension_numbers = #tpu.dot_dimension_numbers<[1], [0], [0], [1], [0, 0, 1, 1], [], []>, transpose_lhs_hint = false} : vector<6400x32xbf16>, vector<32x128xbf16>, vector<6400x128xf32> -> vector<6400x128xf32>
    %get3A_6 = arith.constant 0 : index
    %get3A_7 = arith.constant 0 : index
    %get3A_8 = vector.load %arg8[%get3A_6, %get3A_7] : memref<1x128xf32, #tpu.memory_space<vmem>>, vector<1x128xf32>
    %add3A = vector.broadcast %get3A_8 : vector<1x128xf32> to vector<6400x128xf32>
    %add3A_9 = arith.addf %dot_general3A_5, %add3A : vector<6400x128xf32>
    %reshape3A = vector.shape_cast %add3A_9 : vector<6400x128xf32> to vector<200x32x128xf32>
    %get3A_10 = arith.constant 0 : index
    %get3A_11 = arith.constant 0 : index
    %get3A_12 = vector.load %arg3[%get3A_10, %get3A_11] : memref<200x32xf32, #tpu.memory_space<vmem>>, vector<200x32xf32>
    %mul3A = arith.constant 0.628318548 : f32
    %mul3A_13 = vector.broadcast %mul3A : f32 to vector<200x32xf32>
    %mul3A_14 = arith.mulf %get3A_12, %mul3A_13 : vector<200x32xf32>
    %cos3A = math.cos %mul3A_14 : vector<200x32xf32>
    %add3A_15 = arith.constant 1.000000e+00 : f32
    %add3A_16 = vector.broadcast %add3A_15 : f32 to vector<200x32xf32>
    %add3A_17 = arith.addf %cos3A, %add3A_16 : vector<200x32xf32>
    %mul3A_18 = arith.constant 5.000000e-01 : f32
    %mul3A_19 = vector.broadcast %mul3A_18 : f32 to vector<200x32xf32>
    %mul3A_20 = arith.mulf %mul3A_19, %add3A_17 : vector<200x32xf32>
    %lt3A = arith.constant 5.000000e+00 : f32
    %lt3A_21 = vector.broadcast %lt3A : f32 to vector<200x32xf32>
    %lt3A_22 = arith.cmpf olt, %get3A_12, %lt3A_21 : vector<200x32xf32>
    %jit3A = arith.constant 0.000000e+00 : f32
    %broadcast_in_dim3A = vector.broadcast %jit3A : f32 to vector<200x32xf32>
    %select_n3A = arith.select %lt3A_22, %mul3A_20, %broadcast_in_dim3A : vector<200x32xi1>, vector<200x32xf32>
    %get3A_23 = arith.constant 0 : index
    %get3A_24 = arith.constant 0 : index
    %get3A_25 = vector.load %arg4[%get3A_23, %get3A_24] : memref<200x32xf32, #tpu.memory_space<vmem>>, vector<200x32xf32>
    %mul3A_26 = arith.mulf %select_n3A, %get3A_25 : vector<200x32xf32>
    %broadcast_in_dim3A_27 = vector.shape_cast %mul3A_26 : vector<200x32xf32> to vector<200x32x1xf32>
    %get3A_28 = arith.constant 0 : index
    %get3A_29 = arith.constant 0 : index
    %get3A_30 = arith.constant 0 : index
    %get3A_31 = vector.load %arg1[%get3A_28, %get3A_29, %get3A_30] : memref<200x32x128xf32, #tpu.memory_space<vmem>>, vector<200x32x128xf32>
    %mul3A_32 = vector.broadcast %broadcast_in_dim3A_27 : vector<200x32x1xf32> to vector<200x32x128xf32>
    %mul3A_33 = arith.mulf %reshape3A, %mul3A_32 : vector<200x32x128xf32>
    %mul3A_34 = arith.mulf %get3A_31, %mul3A_33 : vector<200x32x128xf32>
    %reshape3A_35 = vector.shape_cast %mul3A_34 : vector<200x32x128xf32> to vector<6400x128xf32>
    %convert_element_type3A = arith.truncf %reshape3A_35 : vector<6400x128xf32> to vector<6400x128xbf16>
    %get3A_36 = arith.constant 0 : index
    %get3A_37 = arith.constant 0 : index
    %get3A_38 = vector.load %arg10[%get3A_36, %get3A_37] : memref<128x128xbf16, #tpu.memory_space<vmem>>, vector<128x128xbf16>
    %dot_general3A_39 = arith.constant dense<0.000000e+00> : vector<6400x128xf32>
    %dot_general3A_40 = tpu.matmul %convert_element_type3A, %get3A_38, %dot_general3A_39 {dimension_numbers = #tpu.dot_dimension_numbers<[1], [0], [0], [1], [0, 0, 1, 1], [], []>, transpose_lhs_hint = false} : vector<6400x128xbf16>, vector<128x128xbf16>, vector<6400x128xf32> -> vector<6400x128xf32>
    %get3A_41 = arith.constant 0 : index
    %get3A_42 = arith.constant 0 : index
    %get3A_43 = vector.load %arg11[%get3A_41, %get3A_42] : memref<128x128xbf16, #tpu.memory_space<vmem>>, vector<128x128xbf16>
    %dot_general3A_44 = arith.constant dense<0.000000e+00> : vector<6400x128xf32>
    %dot_general3A_45 = tpu.matmul %convert_element_type3A, %get3A_43, %dot_general3A_44 {dimension_numbers = #tpu.dot_dimension_numbers<[1], [0], [0], [1], [0, 0, 1, 1], [], []>, transpose_lhs_hint = false} : vector<6400x128xbf16>, vector<128x128xbf16>, vector<6400x128xf32> -> vector<6400x128xf32>
    %get3A_46 = arith.constant 0 : index
    %get3A_47 = arith.constant 0 : index
    %get3A_48 = vector.load %arg6[%get3A_46, %get3A_47] : memref<200x128xf32, #tpu.memory_space<vmem>>, vector<200x128xf32>
    %convert_element_type3A_49 = arith.truncf %get3A_48 : vector<200x128xf32> to vector<200x128xbf16>
    %get3A_50 = arith.constant 0 : index
    %get3A_51 = arith.constant 0 : index
    %get3A_52 = vector.load %arg9[%get3A_50, %get3A_51] : memref<128x128xbf16, #tpu.memory_space<vmem>>, vector<128x128xbf16>
    %dot_general3A_53 = arith.constant dense<0.000000e+00> : vector<200x128xf32>
    %dot_general3A_54 = tpu.matmul %convert_element_type3A_49, %get3A_52, %dot_general3A_53 {dimension_numbers = #tpu.dot_dimension_numbers<[1], [0], [0], [1], [0, 0, 1, 1], [], []>, transpose_lhs_hint = false} : vector<200x128xbf16>, vector<128x128xbf16>, vector<200x128xf32> -> vector<200x128xf32>
    %broadcast_in_dim3A_55 = vector.shape_cast %dot_general3A_54 : vector<200x128xf32> to vector<200x1x128xf32>
    %broadcast_in_dim3A_56 = vector.broadcast %broadcast_in_dim3A_55 : vector<200x1x128xf32> to vector<200x32x128xf32>
    %reshape3A_57 = vector.shape_cast %dot_general3A_40 : vector<6400x128xf32> to vector<200x32x128xf32>
    %mul3A_58 = arith.mulf %broadcast_in_dim3A_56, %reshape3A_57 : vector<200x32x128xf32>
    %reshape3A_59 = vector.shape_cast %mul3A_58 : vector<200x32x128xf32> to vector<6400x128xf32>
    %iota3A = tpu.iota {dimensions = array<i32: 0>} : vector<128x8xi32>
    %jit3A_60 = arith.constant 16 : i32
    %div3A = vector.broadcast %jit3A_60 : i32 to vector<128x8xi32>
    %div3A_61 = arith.divsi %iota3A, %div3A : vector<128x8xi32>
    %sign3A = arith.constant 0 : i32
    %sign3A_62 = vector.broadcast %sign3A : i32 to vector<128x8xi32>
    %sign3A_63 = arith.cmpi sgt, %iota3A, %sign3A_62 : vector<128x8xi32>
    %sign3A_64 = arith.extui %sign3A_63 : vector<128x8xi1> to vector<128x8xi32>
    %sign3A_65 = arith.constant 0 : i32
    %sign3A_66 = vector.broadcast %sign3A_65 : i32 to vector<128x8xi32>
    %sign3A_67 = arith.cmpi slt, %iota3A, %sign3A_66 : vector<128x8xi32>
    %sign3A_68 = arith.extui %sign3A_67 : vector<128x8xi1> to vector<128x8xi32>
    %sign3A_69 = arith.subi %sign3A_64, %sign3A_68 : vector<128x8xi32>
    %sign3A_70 = arith.constant 0 : i32
    %sign3A_71 = arith.cmpi sgt, %jit3A_60, %sign3A_70 : i32
    %sign3A_72 = arith.extui %sign3A_71 : i1 to i32
    %sign3A_73 = arith.constant 0 : i32
    %sign3A_74 = arith.cmpi slt, %jit3A_60, %sign3A_73 : i32
    %sign3A_75 = arith.extui %sign3A_74 : i1 to i32
    %sign3A_76 = arith.subi %sign3A_72, %sign3A_75 : i32
    %ne3A = vector.broadcast %sign3A_76 : i32 to vector<128x8xi32>
    %ne3A_77 = arith.cmpi ne, %sign3A_69, %ne3A : vector<128x8xi32>
    %rem3A = vector.broadcast %jit3A_60 : i32 to vector<128x8xi32>
    %rem3A_78 = arith.remsi %iota3A, %rem3A : vector<128x8xi32>
    %ne3A_79 = arith.constant 0 : i32
    %ne3A_80 = vector.broadcast %ne3A_79 : i32 to vector<128x8xi32>
    %ne3A_81 = arith.cmpi ne, %rem3A_78, %ne3A_80 : vector<128x8xi32>
    %and3A = arith.andi %ne3A_77, %ne3A_81 : vector<128x8xi1>
    %sub3A = arith.constant 1 : i32
    %sub3A_82 = vector.broadcast %sub3A : i32 to vector<128x8xi32>
    %sub3A_83 = arith.subi %div3A_61, %sub3A_82 : vector<128x8xi32>
    %select_n3A_84 = arith.select %and3A, %sub3A_83, %div3A_61 : vector<128x8xi1>, vector<128x8xi32>
    %iota3A_85 = tpu.iota {dimensions = array<i32: 1>} : vector<128x8xi32>
    %eq3A = arith.cmpi eq, %select_n3A_84, %iota3A_85 : vector<128x8xi32>
    %convert_element_type3A_86 = arith.extui %eq3A : vector<128x8xi1> to vector<128x8xi32>
    %convert_element_type3A_87 = arith.sitofp %convert_element_type3A_86 : vector<128x8xi32> to vector<128x8xf32>
    %convert_element_type3A_88 = arith.truncf %convert_element_type3A_87 : vector<128x8xf32> to vector<128x8xbf16>
    %mul3A_89 = arith.constant 2.500000e-01 : bf16
    %mul3A_90 = vector.broadcast %mul3A_89 : bf16 to vector<128x8xbf16>
    %mul3A_91 = arith.mulf %convert_element_type3A_88, %mul3A_90 : vector<128x8xbf16>
    %iota3A_92 = tpu.iota {dimensions = array<i32: 1>} : vector<8x128xi32>
    %jit3A_93 = arith.constant 16 : i32
    %div3A_94 = vector.broadcast %jit3A_93 : i32 to vector<8x128xi32>
    %div3A_95 = arith.divsi %iota3A_92, %div3A_94 : vector<8x128xi32>
    %sign3A_96 = arith.constant 0 : i32
    %sign3A_97 = vector.broadcast %sign3A_96 : i32 to vector<8x128xi32>
    %sign3A_98 = arith.cmpi sgt, %iota3A_92, %sign3A_97 : vector<8x128xi32>
    %sign3A_99 = arith.extui %sign3A_98 : vector<8x128xi1> to vector<8x128xi32>
    %sign3A_100 = arith.constant 0 : i32
    %sign3A_101 = vector.broadcast %sign3A_100 : i32 to vector<8x128xi32>
    %sign3A_102 = arith.cmpi slt, %iota3A_92, %sign3A_101 : vector<8x128xi32>
    %sign3A_103 = arith.extui %sign3A_102 : vector<8x128xi1> to vector<8x128xi32>
    %sign3A_104 = arith.subi %sign3A_99, %sign3A_103 : vector<8x128xi32>
    %sign3A_105 = arith.constant 0 : i32
    %sign3A_106 = arith.cmpi sgt, %jit3A_93, %sign3A_105 : i32
    %sign3A_107 = arith.extui %sign3A_106 : i1 to i32
    %sign3A_108 = arith.constant 0 : i32
    %sign3A_109 = arith.cmpi slt, %jit3A_93, %sign3A_108 : i32
    %sign3A_110 = arith.extui %sign3A_109 : i1 to i32
    %sign3A_111 = arith.subi %sign3A_107, %sign3A_110 : i32
    %ne3A_112 = vector.broadcast %sign3A_111 : i32 to vector<8x128xi32>
    %ne3A_113 = arith.cmpi ne, %sign3A_104, %ne3A_112 : vector<8x128xi32>
    %rem3A_114 = vector.broadcast %jit3A_93 : i32 to vector<8x128xi32>
    %rem3A_115 = arith.remsi %iota3A_92, %rem3A_114 : vector<8x128xi32>
    %ne3A_116 = arith.constant 0 : i32
    %ne3A_117 = vector.broadcast %ne3A_116 : i32 to vector<8x128xi32>
    %ne3A_118 = arith.cmpi ne, %rem3A_115, %ne3A_117 : vector<8x128xi32>
    %and3A_119 = arith.andi %ne3A_113, %ne3A_118 : vector<8x128xi1>
    %sub3A_120 = arith.constant 1 : i32
    %sub3A_121 = vector.broadcast %sub3A_120 : i32 to vector<8x128xi32>
    %sub3A_122 = arith.subi %div3A_95, %sub3A_121 : vector<8x128xi32>
    %select_n3A_123 = arith.select %and3A_119, %sub3A_122, %div3A_95 : vector<8x128xi1>, vector<8x128xi32>
    %iota3A_124 = tpu.iota {dimensions = array<i32: 0>} : vector<8x128xi32>
    %eq3A_125 = arith.cmpi eq, %select_n3A_123, %iota3A_124 : vector<8x128xi32>
    %convert_element_type3A_126 = arith.extui %eq3A_125 : vector<8x128xi1> to vector<8x128xi32>
    %convert_element_type3A_127 = arith.sitofp %convert_element_type3A_126 : vector<8x128xi32> to vector<8x128xf32>
    %convert_element_type3A_128 = arith.truncf %convert_element_type3A_127 : vector<8x128xf32> to vector<8x128xbf16>
    %convert_element_type3A_129 = arith.truncf %reshape3A_59 : vector<6400x128xf32> to vector<6400x128xbf16>
    %dot_general3A_130 = arith.constant dense<0.000000e+00> : vector<6400x8xf32>
    %dot_general3A_131 = tpu.matmul %convert_element_type3A_129, %mul3A_91, %dot_general3A_130 {dimension_numbers = #tpu.dot_dimension_numbers<[1], [0], [0], [1], [0, 0, 1, 1], [], []>, transpose_lhs_hint = false} : vector<6400x128xbf16>, vector<128x8xbf16>, vector<6400x8xf32> -> vector<6400x8xf32>
    %reshape3A_132 = vector.shape_cast %dot_general3A_131 : vector<6400x8xf32> to vector<200x32x8xf32>
    %exp3A = math.exp %reshape3A_132 : vector<200x32x8xf32>
    %reduce_sum3A = arith.constant dense<0.000000e+00> : vector<200x8xf32>
    %reduce_sum3A_133 = vector.multi_reduction <add>, %exp3A, %reduce_sum3A [1] : vector<200x32x8xf32> to vector<200x8xf32>
    %reshape3A_134 = vector.shape_cast %exp3A : vector<200x32x8xf32> to vector<6400x8xf32>
    %convert_element_type3A_135 = arith.truncf %reshape3A_134 : vector<6400x8xf32> to vector<6400x8xbf16>
    %dot_general3A_136 = arith.constant dense<0.000000e+00> : vector<6400x128xf32>
    %dot_general3A_137 = tpu.matmul %convert_element_type3A_135, %convert_element_type3A_128, %dot_general3A_136 {dimension_numbers = #tpu.dot_dimension_numbers<[1], [0], [0], [1], [0, 0, 1, 1], [], []>, transpose_lhs_hint = false} : vector<6400x8xbf16>, vector<8x128xbf16>, vector<6400x128xf32> -> vector<6400x128xf32>
    %mul3A_138 = arith.mulf %dot_general3A_137, %dot_general3A_45 : vector<6400x128xf32>
    %reshape3A_139 = vector.shape_cast %mul3A_138 : vector<6400x128xf32> to vector<200x32x128xf32>
    %reduce_sum3A_140 = arith.constant dense<0.000000e+00> : vector<200x128xf32>
    %reduce_sum3A_141 = vector.multi_reduction <add>, %reshape3A_139, %reduce_sum3A_140 [1] : vector<200x32x128xf32> to vector<200x128xf32>
    %convert_element_type3A_142 = arith.truncf %reduce_sum3A_133 : vector<200x8xf32> to vector<200x8xbf16>
    %dot_general3A_143 = arith.constant dense<0.000000e+00> : vector<200x128xf32>
    %dot_general3A_144 = tpu.matmul %convert_element_type3A_142, %convert_element_type3A_128, %dot_general3A_143 {dimension_numbers = #tpu.dot_dimension_numbers<[1], [0], [0], [1], [0, 0, 1, 1], [], []>, transpose_lhs_hint = false} : vector<200x8xbf16>, vector<8x128xbf16>, vector<200x128xf32> -> vector<200x128xf32>
    %div3A_145 = arith.divf %reduce_sum3A_141, %dot_general3A_144 : vector<200x128xf32>
    %get3A_146 = arith.constant 0 : index
    %get3A_147 = arith.constant 0 : index
    %get3A_148 = vector.load %arg5[%get3A_146, %get3A_147] : memref<200x128xf32, #tpu.memory_space<vmem>>, vector<200x128xf32>
    %convert_element_type3A_149 = arith.truncf %div3A_145 : vector<200x128xf32> to vector<200x128xbf16>
    %get3A_150 = arith.constant 0 : index
    %get3A_151 = arith.constant 0 : index
    %get3A_152 = vector.load %arg12[%get3A_150, %get3A_151] : memref<128x128xbf16, #tpu.memory_space<vmem>>, vector<128x128xbf16>
    %dot_general3A_153 = arith.constant dense<0.000000e+00> : vector<200x128xf32>
    %dot_general3A_154 = tpu.matmul %convert_element_type3A_149, %get3A_152, %dot_general3A_153 {dimension_numbers = #tpu.dot_dimension_numbers<[1], [0], [0], [1], [0, 0, 1, 1], [], []>, transpose_lhs_hint = false} : vector<200x128xbf16>, vector<128x128xbf16>, vector<200x128xf32> -> vector<200x128xf32>
    %add3A_155 = arith.addf %get3A_148, %dot_general3A_154 : vector<200x128xf32>
    %swap3A = arith.constant 0 : index
    %swap3A_156 = arith.constant 0 : index
    %swap3A_157 = vector.load %arg13[%swap3A, %swap3A_156] : memref<200x128xf32, #tpu.memory_space<vmem>>, vector<200x128xf32>
    tpu.vector_store %arg13[%swap3A, %swap3A_156], %add3A_155 {strides = array<i32>} : memref<200x128xf32, #tpu.memory_space<vmem>>, vector<200x128xf32>,
    return
  }
  func.func @transform_0(%arg0: i32) -> (i32, i32, i32) {
    %c0_i32 = arith.constant 0 : i32
    %c0_i32_0 = arith.constant 0 : i32
    %c0_i32_1 = arith.constant 0 : i32
    return %arg0, %c0_i32, %c0_i32_0 : i32, i32, i32
  }
  func.func @transform_1(%arg0: i32) -> (i32, i32) {
    %add3A = arith.constant 30 : i32
    %add3A_0 = arith.addi %arg0, %add3A : i32
    %c0_i32 = arith.constant 0 : i32
    %c0_i32_1 = arith.constant 0 : i32
    return %add3A_0, %c0_i32 : i32, i32
  }
  func.func @transform_2(%arg0: i32) -> (i32, i32) {
    %add3A = arith.constant 30 : i32
    %add3A_0 = arith.addi %arg0, %add3A : i32
    %c0_i32 = arith.constant 0 : i32
    %c0_i32_1 = arith.constant 0 : i32
    return %add3A_0, %c0_i32 : i32, i32
  }
  func.func @transform_3(%arg0: i32) -> (i32, i32) {
    %add3A = arith.constant 30 : i32
    %add3A_0 = arith.addi %arg0, %add3A : i32
    %c0_i32 = arith.constant 0 : i32
    %c0_i32_1 = arith.constant 0 : i32
    return %add3A_0, %c0_i32 : i32, i32
  }
  func.func @transform_4(%arg0: i32) -> (i32, i32) {
    %add3A = arith.constant 30 : i32
    %add3A_0 = arith.addi %arg0, %add3A : i32
    %c0_i32 = arith.constant 0 : i32
    %c0_i32_1 = arith.constant 0 : i32
    return %add3A_0, %c0_i32 : i32, i32
  }
  func.func @transform_5(%arg0: i32) -> (i32, i32) {
    %add3A = arith.constant 30 : i32
    %add3A_0 = arith.addi %arg0, %add3A : i32
    %c0_i32 = arith.constant 0 : i32
    %c0_i32_1 = arith.constant 0 : i32
    return %add3A_0, %c0_i32 : i32, i32
  }
  func.func @transform_6(%arg0: i32) -> (i32, i32) {
    %c0_i32 = arith.constant 0 : i32
    %c0_i32_0 = arith.constant 0 : i32
    %c0_i32_1 = arith.constant 0 : i32
    return %c0_i32, %c0_i32_0 : i32, i32
  }
  func.func @transform_7(%arg0: i32) -> (i32, i32) {
    %c0_i32 = arith.constant 0 : i32
    %c0_i32_0 = arith.constant 0 : i32
    %c0_i32_1 = arith.constant 0 : i32
    return %c0_i32, %c0_i32_0 : i32, i32
  }
  func.func @transform_8(%arg0: i32) -> (i32, i32) {
    %c0_i32 = arith.constant 0 : i32
    %c0_i32_0 = arith.constant 0 : i32
    %c0_i32_1 = arith.constant 0 : i32
    return %c0_i32, %c0_i32_0 : i32, i32
  }
  func.func @transform_9(%arg0: i32) -> (i32, i32) {
    %c0_i32 = arith.constant 0 : i32
    %c0_i32_0 = arith.constant 0 : i32
    %c0_i32_1 = arith.constant 0 : i32
    return %c0_i32, %c0_i32_0 : i32, i32
  }
  func.func @transform_10(%arg0: i32) -> (i32, i32) {
    %c0_i32 = arith.constant 0 : i32
    %c0_i32_0 = arith.constant 0 : i32
    %c0_i32_1 = arith.constant 0 : i32
    return %c0_i32, %c0_i32_0 : i32, i32
  }
  func.func @transform_11(%arg0: i32) -> (i32, i32) {
    %c0_i32 = arith.constant 0 : i32
    %c0_i32_0 = arith.constant 0 : i32
    %c0_i32_1 = arith.constant 0 : i32
    return %c0_i32, %c0_i32_0 : i32, i32
  }
  func.func @transform_12(%arg0: i32) -> (i32, i32) {
    %c0_i32 = arith.constant 0 : i32
    %c0_i32_0 = arith.constant 0 : i32
    return %arg0, %c0_i32 : i32, i32
  }
}

module attributes {stable_mosaic.version = 14 : i64} {
  func.func @_fused_body(%arg0: i32, %arg1: memref<200x32x128xf32, #tpu.memory_space<vmem>>, %arg2: memref<6400x32xbf16, #tpu.memory_space<vmem>>, %arg3: memref<200x32xf32, #tpu.memory_space<vmem>>, %arg4: memref<200x32xf32, #tpu.memory_space<vmem>>, %arg5: memref<200x128xf32, #tpu.memory_space<vmem>>, %arg6: memref<200x128xf32, #tpu.memory_space<vmem>>, %arg7: memref<32x128xbf16, #tpu.memory_space<vmem>>, %arg8: memref<1x128xf32, #tpu.memory_space<vmem>>, %arg9: memref<128x128xbf16, #tpu.memory_space<vmem>>, %arg10: memref<128x128xbf16, #tpu.memory_space<vmem>>, %arg11: memref<128x128xbf16, #tpu.memory_space<vmem>>, %arg12: memref<128x128xbf16, #tpu.memory_space<vmem>>, %arg13: memref<200x128xf32, #tpu.memory_space<vmem>>) attributes {dimension_semantics = [#tpu.dimension_semantics<arbitrary>], iteration_bounds = array<i64: 10>, scalar_prefetch = 0 : i64, scratch_operands = 0 : i64, tpu.core_type = #tpu.core_type<tc>, window_params = [{transform_indices = @transform_0, window_bounds = array<i64: 200, 32, 128>}, {transform_indices = @transform_1, window_bounds = array<i64: 6400, 32>}, {transform_indices = @transform_2, window_bounds = array<i64: 200, 32>}, {transform_indices = @transform_3, window_bounds = array<i64: 200, 32>}, {transform_indices = @transform_4, window_bounds = array<i64: 200, 128>}, {transform_indices = @transform_5, window_bounds = array<i64: 200, 128>}, {pipeline_mode = #tpu.pipeline_mode<synchronous>, transform_indices = @transform_6, window_bounds = array<i64: 32, 128>}, {pipeline_mode = #tpu.pipeline_mode<synchronous>, transform_indices = @transform_7, window_bounds = array<i64: 1, 128>}, {pipeline_mode = #tpu.pipeline_mode<synchronous>, transform_indices = @transform_8, window_bounds = array<i64: 128, 128>}, {pipeline_mode = #tpu.pipeline_mode<synchronous>, transform_indices = @transform_9, window_bounds = array<i64: 128, 128>}, {pipeline_mode = #tpu.pipeline_mode<synchronous>, transform_indices = @transform_10, window_bounds = array<i64: 128, 128>}, {pipeline_mode = #tpu.pipeline_mode<synchronous>, transform_indices = @transform_11, window_bounds = array<i64: 128, 128>}, {transform_indices = @transform_12, window_bounds = array<i64: 200, 128>}]} {
    %get3A = arith.constant 0 : index
    %get3A_0 = arith.constant 0 : index
    %get3A_1 = vector.load %arg2[%get3A, %get3A_0] : memref<6400x32xbf16, #tpu.memory_space<vmem>>, vector<6400x32xbf16>
    %get3A_2 = arith.constant 0 : index
    %get3A_3 = arith.constant 0 : index
    %get3A_4 = vector.load %arg7[%get3A_2, %get3A_3] : memref<32x128xbf16, #tpu.memory_space<vmem>>, vector<32x128xbf16>
    %dot_general3A = arith.constant dense<0.000000e+00> : vector<6400x128xf32>
    %dot_general3A_5 = tpu.matmul %get3A_1, %get3A_4, %dot_general3A {dimension_numbers = #tpu.dot_dimension_numbers<[1], [0], [0], [1], [0, 0, 1, 1], [], []>, transpose_lhs_hint = false} : vector<6400x32xbf16>, vector<32x128xbf16>, vector<6400x128xf32> -> vector<6400x128xf32>
    %get3A_6 = arith.constant 0 : index
    %get3A_7 = arith.constant 0 : index
    %get3A_8 = vector.load %arg8[%get3A_6, %get3A_7] : memref<1x128xf32, #tpu.memory_space<vmem>>, vector<1x128xf32>
    %add3A = vector.broadcast %get3A_8 : vector<1x128xf32> to vector<6400x128xf32>
    %add3A_9 = arith.addf %dot_general3A_5, %add3A : vector<6400x128xf32>
    %reshape3A = vector.shape_cast %add3A_9 : vector<6400x128xf32> to vector<200x32x128xf32>
    %get3A_10 = arith.constant 0 : index
    %get3A_11 = arith.constant 0 : index
    %get3A_12 = vector.load %arg3[%get3A_10, %get3A_11] : memref<200x32xf32, #tpu.memory_space<vmem>>, vector<200x32xf32>
    %mul3A = arith.constant 0.628318548 : f32
    %mul3A_13 = vector.broadcast %mul3A : f32 to vector<200x32xf32>
    %mul3A_14 = arith.mulf %get3A_12, %mul3A_13 : vector<200x32xf32>
    %cos3A = math.cos %mul3A_14 : vector<200x32xf32>
    %add3A_15 = arith.constant 1.000000e+00 : f32
    %add3A_16 = vector.broadcast %add3A_15 : f32 to vector<200x32xf32>
    %add3A_17 = arith.addf %cos3A, %add3A_16 : vector<200x32xf32>
    %mul3A_18 = arith.constant 5.000000e-01 : f32
    %mul3A_19 = vector.broadcast %mul3A_18 : f32 to vector<200x32xf32>
    %mul3A_20 = arith.mulf %mul3A_19, %add3A_17 : vector<200x32xf32>
    %lt3A = arith.constant 5.000000e+00 : f32
    %lt3A_21 = vector.broadcast %lt3A : f32 to vector<200x32xf32>
    %lt3A_22 = arith.cmpf olt, %get3A_12, %lt3A_21 : vector<200x32xf32>
    %jit3A = arith.constant 0.000000e+00 : f32
    %broadcast_in_dim3A = vector.broadcast %jit3A : f32 to vector<200x32xf32>
    %select_n3A = arith.select %lt3A_22, %mul3A_20, %broadcast_in_dim3A : vector<200x32xi1>, vector<200x32xf32>
    %get3A_23 = arith.constant 0 : index
    %get3A_24 = arith.constant 0 : index
    %get3A_25 = vector.load %arg4[%get3A_23, %get3A_24] : memref<200x32xf32, #tpu.memory_space<vmem>>, vector<200x32xf32>
    %mul3A_26 = arith.mulf %select_n3A, %get3A_25 : vector<200x32xf32>
    %broadcast_in_dim3A_27 = vector.shape_cast %mul3A_26 : vector<200x32xf32> to vector<200x32x1xf32>
    %get3A_28 = arith.constant 0 : index
    %get3A_29 = arith.constant 0 : index
    %get3A_30 = arith.constant 0 : index
    %get3A_31 = vector.load %arg1[%get3A_28, %get3A_29, %get3A_30] : memref<200x32x128xf32, #tpu.memory_space<vmem>>, vector<200x32x128xf32>
    %mul3A_32 = vector.broadcast %broadcast_in_dim3A_27 : vector<200x32x1xf32> to vector<200x32x128xf32>
    %mul3A_33 = arith.mulf %reshape3A, %mul3A_32 : vector<200x32x128xf32>
    %mul3A_34 = arith.mulf %get3A_31, %mul3A_33 : vector<200x32x128xf32>
    %reshape3A_35 = vector.shape_cast %mul3A_34 : vector<200x32x128xf32> to vector<6400x128xf32>
    %convert_element_type3A = arith.truncf %reshape3A_35 : vector<6400x128xf32> to vector<6400x128xbf16>
    %get3A_36 = arith.constant 0 : index
    %get3A_37 = arith.constant 0 : index
    %get3A_38 = vector.load %arg10[%get3A_36, %get3A_37] : memref<128x128xbf16, #tpu.memory_space<vmem>>, vector<128x128xbf16>
    %dot_general3A_39 = arith.constant dense<0.000000e+00> : vector<6400x128xf32>
    %dot_general3A_40 = tpu.matmul %convert_element_type3A, %get3A_38, %dot_general3A_39 {dimension_numbers = #tpu.dot_dimension_numbers<[1], [0], [0], [1], [0, 0, 1, 1], [], []>, transpose_lhs_hint = false} : vector<6400x128xbf16>, vector<128x128xbf16>, vector<6400x128xf32> -> vector<6400x128xf32>
    %get3A_41 = arith.constant 0 : index
    %get3A_42 = arith.constant 0 : index
    %get3A_43 = vector.load %arg11[%get3A_41, %get3A_42] : memref<128x128xbf16, #tpu.memory_space<vmem>>, vector<128x128xbf16>
    %dot_general3A_44 = arith.constant dense<0.000000e+00> : vector<6400x128xf32>
    %dot_general3A_45 = tpu.matmul %convert_element_type3A, %get3A_43, %dot_general3A_44 {dimension_numbers = #tpu.dot_dimension_numbers<[1], [0], [0], [1], [0, 0, 1, 1], [], []>, transpose_lhs_hint = false} : vector<6400x128xbf16>, vector<128x128xbf16>, vector<6400x128xf32> -> vector<6400x128xf32>
    %get3A_46 = arith.constant 0 : index
    %get3A_47 = arith.constant 0 : index
    %get3A_48 = vector.load %arg6[%get3A_46, %get3A_47] : memref<200x128xf32, #tpu.memory_space<vmem>>, vector<200x128xf32>
    %convert_element_type3A_49 = arith.truncf %get3A_48 : vector<200x128xf32> to vector<200x128xbf16>
    %get3A_50 = arith.constant 0 : index
    %get3A_51 = arith.constant 0 : index
    %get3A_52 = vector.load %arg9[%get3A_50, %get3A_51] : memref<128x128xbf16, #tpu.memory_space<vmem>>, vector<128x128xbf16>
    %dot_general3A_53 = arith.constant dense<0.000000e+00> : vector<200x128xf32>
    %dot_general3A_54 = tpu.matmul %convert_element_type3A_49, %get3A_52, %dot_general3A_53 {dimension_numbers = #tpu.dot_dimension_numbers<[1], [0], [0], [1], [0, 0, 1, 1], [], []>, transpose_lhs_hint = false} : vector<200x128xbf16>, vector<128x128xbf16>, vector<200x128xf32> -> vector<200x128xf32>
    %broadcast_in_dim3A_55 = vector.shape_cast %dot_general3A_54 : vector<200x128xf32> to vector<200x1x128xf32>
    %broadcast_in_dim3A_56 = vector.broadcast %broadcast_in_dim3A_55 : vector<200x1x128xf32> to vector<200x32x128xf32>
    %reshape3A_57 = vector.shape_cast %dot_general3A_40 : vector<6400x128xf32> to vector<200x32x128xf32>
    %mul3A_58 = arith.mulf %broadcast_in_dim3A_56, %reshape3A_57 : vector<200x32x128xf32>
    %reshape3A_59 = vector.shape_cast %mul3A_58 : vector<200x32x128xf32> to vector<6400x128xf32>
    %iota3A = tpu.iota {dimensions = array<i32: 0>} : vector<128x8xi32>
    %jit3A_60 = arith.constant 16 : i32
    %div3A = vector.broadcast %jit3A_60 : i32 to vector<128x8xi32>
    %div3A_61 = arith.divsi %iota3A, %div3A : vector<128x8xi32>
    %sign3A = arith.constant 0 : i32
    %sign3A_62 = vector.broadcast %sign3A : i32 to vector<128x8xi32>
    %sign3A_63 = arith.cmpi sgt, %iota3A, %sign3A_62 : vector<128x8xi32>
    %sign3A_64 = arith.extui %sign3A_63 : vector<128x8xi1> to vector<128x8xi32>
    %sign3A_65 = arith.constant 0 : i32
    %sign3A_66 = vector.broadcast %sign3A_65 : i32 to vector<128x8xi32>
    %sign3A_67 = arith.cmpi slt, %iota3A, %sign3A_66 : vector<128x8xi32>
    %sign3A_68 = arith.extui %sign3A_67 : vector<128x8xi1> to vector<128x8xi32>
    %sign3A_69 = arith.subi %sign3A_64, %sign3A_68 : vector<128x8xi32>
    %sign3A_70 = arith.constant 0 : i32
    %sign3A_71 = arith.cmpi sgt, %jit3A_60, %sign3A_70 : i32
    %sign3A_72 = arith.extui %sign3A_71 : i1 to i32
    %sign3A_73 = arith.constant 0 : i32
    %sign3A_74 = arith.cmpi slt, %jit3A_60, %sign3A_73 : i32
    %sign3A_75 = arith.extui %sign3A_74 : i1 to i32
    %sign3A_76 = arith.subi %sign3A_72, %sign3A_75 : i32
    %ne3A = vector.broadcast %sign3A_76 : i32 to vector<128x8xi32>
    %ne3A_77 = arith.cmpi ne, %sign3A_69, %ne3A : vector<128x8xi32>
    %rem3A = vector.broadcast %jit3A_60 : i32 to vector<128x8xi32>
    %rem3A_78 = arith.remsi %iota3A, %rem3A : vector<128x8xi32>
    %ne3A_79 = arith.constant 0 : i32
    %ne3A_80 = vector.broadcast %ne3A_79 : i32 to vector<128x8xi32>
    %ne3A_81 = arith.cmpi ne, %rem3A_78, %ne3A_80 : vector<128x8xi32>
    %and3A = arith.andi %ne3A_77, %ne3A_81 : vector<128x8xi1>
    %sub3A = arith.constant 1 : i32
    %sub3A_82 = vector.broadcast %sub3A : i32 to vector<128x8xi32>
    %sub3A_83 = arith.subi %div3A_61, %sub3A_82 : vector<128x8xi32>
    %select_n3A_84 = arith.select %and3A, %sub3A_83, %div3A_61 : vector<128x8xi1>, vector<128x8xi32>
    %iota3A_85 = tpu.iota {dimensions = array<i32: 1>} : vector<128x8xi32>
    %eq3A = arith.cmpi eq, %select_n3A_84, %iota3A_85 : vector<128x8xi32>
    %convert_element_type3A_86 = arith.extui %eq3A : vector<128x8xi1> to vector<128x8xi32>
    %convert_element_type3A_87 = arith.sitofp %convert_element_type3A_86 : vector<128x8xi32> to vector<128x8xf32>
    %convert_element_type3A_88 = arith.truncf %convert_element_type3A_87 : vector<128x8xf32> to vector<128x8xbf16>
    %mul3A_89 = arith.constant 2.500000e-01 : bf16
    %mul3A_90 = vector.broadcast %mul3A_89 : bf16 to vector<128x8xbf16>
    %mul3A_91 = arith.mulf %convert_element_type3A_88, %mul3A_90 : vector<128x8xbf16>
    %iota3A_92 = tpu.iota {dimensions = array<i32: 1>} : vector<8x128xi32>
    %jit3A_93 = arith.constant 16 : i32
    %div3A_94 = vector.broadcast %jit3A_93 : i32 to vector<8x128xi32>
    %div3A_95 = arith.divsi %iota3A_92, %div3A_94 : vector<8x128xi32>
    %sign3A_96 = arith.constant 0 : i32
    %sign3A_97 = vector.broadcast %sign3A_96 : i32 to vector<8x128xi32>
    %sign3A_98 = arith.cmpi sgt, %iota3A_92, %sign3A_97 : vector<8x128xi32>
    %sign3A_99 = arith.extui %sign3A_98 : vector<8x128xi1> to vector<8x128xi32>
    %sign3A_100 = arith.constant 0 : i32
    %sign3A_101 = vector.broadcast %sign3A_100 : i32 to vector<8x128xi32>
    %sign3A_102 = arith.cmpi slt, %iota3A_92, %sign3A_101 : vector<8x128xi32>
    %sign3A_103 = arith.extui %sign3A_102 : vector<8x128xi1> to vector<8x128xi32>
    %sign3A_104 = arith.subi %sign3A_99, %sign3A_103 : vector<8x128xi32>
    %sign3A_105 = arith.constant 0 : i32
    %sign3A_106 = arith.cmpi sgt, %jit3A_93, %sign3A_105 : i32
    %sign3A_107 = arith.extui %sign3A_106 : i1 to i32
    %sign3A_108 = arith.constant 0 : i32
    %sign3A_109 = arith.cmpi slt, %jit3A_93, %sign3A_108 : i32
    %sign3A_110 = arith.extui %sign3A_109 : i1 to i32
    %sign3A_111 = arith.subi %sign3A_107, %sign3A_110 : i32
    %ne3A_112 = vector.broadcast %sign3A_111 : i32 to vector<8x128xi32>
    %ne3A_113 = arith.cmpi ne, %sign3A_104, %ne3A_112 : vector<8x128xi32>
    %rem3A_114 = vector.broadcast %jit3A_93 : i32 to vector<8x128xi32>
    %rem3A_115 = arith.remsi %iota3A_92, %rem3A_114 : vector<8x128xi32>
    %ne3A_116 = arith.constant 0 : i32
    %ne3A_117 = vector.broadcast %ne3A_116 : i32 to vector<8x128xi32>
    %ne3A_118 = arith.cmpi ne, %rem3A_115, %ne3A_117 : vector<8x128xi32>
    %and3A_119 = arith.andi %ne3A_113, %ne3A_118 : vector<8x128xi1>
    %sub3A_120 = arith.constant 1 : i32
    %sub3A_121 = vector.broadcast %sub3A_120 : i32 to vector<8x128xi32>
    %sub3A_122 = arith.subi %div3A_95, %sub3A_121 : vector<8x128xi32>
    %select_n3A_123 = arith.select %and3A_119, %sub3A_122, %div3A_95 : vector<8x128xi1>, vector<8x128xi32>
    %iota3A_124 = tpu.iota {dimensions = array<i32: 0>} : vector<8x128xi32>
    %eq3A_125 = arith.cmpi eq, %select_n3A_123, %iota3A_124 : vector<8x128xi32>
    %convert_element_type3A_126 = arith.extui %eq3A_125 : vector<8x128xi1> to vector<8x128xi32>
    %convert_element_type3A_127 = arith.sitofp %convert_element_type3A_126 : vector<8x128xi32> to vector<8x128xf32>
    %convert_element_type3A_128 = arith.truncf %convert_element_type3A_127 : vector<8x128xf32> to vector<8x128xbf16>
    %convert_element_type3A_129 = arith.truncf %reshape3A_59 : vector<6400x128xf32> to vector<6400x128xbf16>
    %dot_general3A_130 = arith.constant dense<0.000000e+00> : vector<6400x8xf32>
    %dot_general3A_131 = tpu.matmul %convert_element_type3A_129, %mul3A_91, %dot_general3A_130 {dimension_numbers = #tpu.dot_dimension_numbers<[1], [0], [0], [1], [0, 0, 1, 1], [], []>, transpose_lhs_hint = false} : vector<6400x128xbf16>, vector<128x8xbf16>, vector<6400x8xf32> -> vector<6400x8xf32>
    %reshape3A_132 = vector.shape_cast %dot_general3A_131 : vector<6400x8xf32> to vector<200x32x8xf32>
    %exp3A = math.exp %reshape3A_132 : vector<200x32x8xf32>
    %reduce_sum3A = arith.constant dense<0.000000e+00> : vector<200x8xf32>
    %reduce_sum3A_133 = vector.multi_reduction <add>, %exp3A, %reduce_sum3A [1] : vector<200x32x8xf32> to vector<200x8xf32>
    %reshape3A_134 = vector.shape_cast %exp3A : vector<200x32x8xf32> to vector<6400x8xf32>
    %convert_element_type3A_135 = arith.truncf %reshape3A_134 : vector<6400x8xf32> to vector<6400x8xbf16>
    %dot_general3A_136 = arith.constant dense<0.000000e+00> : vector<6400x128xf32>
    %dot_general3A_137 = tpu.matmul %convert_element_type3A_135, %convert_element_type3A_128, %dot_general3A_136 {dimension_numbers = #tpu.dot_dimension_numbers<[1], [0], [0], [1], [0, 0, 1, 1], [], []>, transpose_lhs_hint = false} : vector<6400x8xbf16>, vector<8x128xbf16>, vector<6400x128xf32> -> vector<6400x128xf32>
    %mul3A_138 = arith.mulf %dot_general3A_137, %dot_general3A_45 : vector<6400x128xf32>
    %reshape3A_139 = vector.shape_cast %mul3A_138 : vector<6400x128xf32> to vector<200x32x128xf32>
    %reduce_sum3A_140 = arith.constant dense<0.000000e+00> : vector<200x128xf32>
    %reduce_sum3A_141 = vector.multi_reduction <add>, %reshape3A_139, %reduce_sum3A_140 [1] : vector<200x32x128xf32> to vector<200x128xf32>
    %convert_element_type3A_142 = arith.truncf %reduce_sum3A_133 : vector<200x8xf32> to vector<200x8xbf16>
    %dot_general3A_143 = arith.constant dense<0.000000e+00> : vector<200x128xf32>
    %dot_general3A_144 = tpu.matmul %convert_element_type3A_142, %convert_element_type3A_128, %dot_general3A_143 {dimension_numbers = #tpu.dot_dimension_numbers<[1], [0], [0], [1], [0, 0, 1, 1], [], []>, transpose_lhs_hint = false} : vector<200x8xbf16>, vector<8x128xbf16>, vector<200x128xf32> -> vector<200x128xf32>
    %div3A_145 = arith.divf %reduce_sum3A_141, %dot_general3A_144 : vector<200x128xf32>
    %get3A_146 = arith.constant 0 : index
    %get3A_147 = arith.constant 0 : index
    %get3A_148 = vector.load %arg5[%get3A_146, %get3A_147] : memref<200x128xf32, #tpu.memory_space<vmem>>, vector<200x128xf32>
    %convert_element_type3A_149 = arith.truncf %div3A_145 : vector<200x128xf32> to vector<200x128xbf16>
    %get3A_150 = arith.constant 0 : index
    %get3A_151 = arith.constant 0 : index
    %get3A_152 = vector.load %arg12[%get3A_150, %get3A_151] : memref<128x128xbf16, #tpu.memory_space<vmem>>, vector<128x128xbf16>
    %dot_general3A_153 = arith.constant dense<0.000000e+00> : vector<200x128xf32>
    %dot_general3A_154 = tpu.matmul %convert_element_type3A_149, %get3A_152, %dot_general3A_153 {dimension_numbers = #tpu.dot_dimension_numbers<[1], [0], [0], [1], [0, 0, 1, 1], [], []>, transpose_lhs_hint = false} : vector<200x128xbf16>, vector<128x128xbf16>, vector<200x128xf32> -> vector<200x128xf32>
    %add3A_155 = arith.addf %get3A_148, %dot_general3A_154 : vector<200x128xf32>
    %swap3A = arith.constant 0 : index
    %swap3A_156 = arith.constant 0 : index
    %swap3A_157 = vector.load %arg13[%swap3A, %swap3A_156] : memref<200x128xf32, #tpu.memory_space<vmem>>, vector<200x128xf32>
    tpu.vector_store %arg13[%swap3A, %swap3A_156], %add3A_155 {strides = array<i32>} : memref<200x128xf32, #tpu.memory_space<vmem>>, vector<200x128xf32>,
    return
  }
  func.func @transform_0(%arg0: i32) -> (i32, i32, i32) {
    %c0_i32 = arith.constant 0 : i32
    %c0_i32_0 = arith.constant 0 : i32
    %c0_i32_1 = arith.constant 0 : i32
    return %arg0, %c0_i32, %c0_i32_0 : i32, i32, i32
  }
  func.func @transform_1(%arg0: i32) -> (i32, i32) {
    %add3A = arith.constant 40 : i32
    %add3A_0 = arith.addi %arg0, %add3A : i32
    %c0_i32 = arith.constant 0 : i32
    %c0_i32_1 = arith.constant 0 : i32
    return %add3A_0, %c0_i32 : i32, i32
  }
  func.func @transform_2(%arg0: i32) -> (i32, i32) {
    %add3A = arith.constant 40 : i32
    %add3A_0 = arith.addi %arg0, %add3A : i32
    %c0_i32 = arith.constant 0 : i32
    %c0_i32_1 = arith.constant 0 : i32
    return %add3A_0, %c0_i32 : i32, i32
  }
  func.func @transform_3(%arg0: i32) -> (i32, i32) {
    %add3A = arith.constant 40 : i32
    %add3A_0 = arith.addi %arg0, %add3A : i32
    %c0_i32 = arith.constant 0 : i32
    %c0_i32_1 = arith.constant 0 : i32
    return %add3A_0, %c0_i32 : i32, i32
  }
  func.func @transform_4(%arg0: i32) -> (i32, i32) {
    %add3A = arith.constant 40 : i32
    %add3A_0 = arith.addi %arg0, %add3A : i32
    %c0_i32 = arith.constant 0 : i32
    %c0_i32_1 = arith.constant 0 : i32
    return %add3A_0, %c0_i32 : i32, i32
  }
  func.func @transform_5(%arg0: i32) -> (i32, i32) {
    %add3A = arith.constant 40 : i32
    %add3A_0 = arith.addi %arg0, %add3A : i32
    %c0_i32 = arith.constant 0 : i32
    %c0_i32_1 = arith.constant 0 : i32
    return %add3A_0, %c0_i32 : i32, i32
  }
  func.func @transform_6(%arg0: i32) -> (i32, i32) {
    %c0_i32 = arith.constant 0 : i32
    %c0_i32_0 = arith.constant 0 : i32
    %c0_i32_1 = arith.constant 0 : i32
    return %c0_i32, %c0_i32_0 : i32, i32
  }
  func.func @transform_7(%arg0: i32) -> (i32, i32) {
    %c0_i32 = arith.constant 0 : i32
    %c0_i32_0 = arith.constant 0 : i32
    %c0_i32_1 = arith.constant 0 : i32
    return %c0_i32, %c0_i32_0 : i32, i32
  }
  func.func @transform_8(%arg0: i32) -> (i32, i32) {
    %c0_i32 = arith.constant 0 : i32
    %c0_i32_0 = arith.constant 0 : i32
    %c0_i32_1 = arith.constant 0 : i32
    return %c0_i32, %c0_i32_0 : i32, i32
  }
  func.func @transform_9(%arg0: i32) -> (i32, i32) {
    %c0_i32 = arith.constant 0 : i32
    %c0_i32_0 = arith.constant 0 : i32
    %c0_i32_1 = arith.constant 0 : i32
    return %c0_i32, %c0_i32_0 : i32, i32
  }
  func.func @transform_10(%arg0: i32) -> (i32, i32) {
    %c0_i32 = arith.constant 0 : i32
    %c0_i32_0 = arith.constant 0 : i32
    %c0_i32_1 = arith.constant 0 : i32
    return %c0_i32, %c0_i32_0 : i32, i32
  }
  func.func @transform_11(%arg0: i32) -> (i32, i32) {
    %c0_i32 = arith.constant 0 : i32
    %c0_i32_0 = arith.constant 0 : i32
    %c0_i32_1 = arith.constant 0 : i32
    return %c0_i32, %c0_i32_0 : i32, i32
  }
  func.func @transform_12(%arg0: i32) -> (i32, i32) {
    %c0_i32 = arith.constant 0 : i32
    %c0_i32_0 = arith.constant 0 : i32
    return %arg0, %c0_i32 : i32, i32
  }
}

</mosaic_0001>

<sc_bundles>
// kernel: kernel.13.cloned.1.call-start
scs
__scs_entry_jumppad:
0x0: {  	(pc) =	sbr.rel $0x88, $3  }
0x1: {  	(tag) =	ssettag $0x0;
	lr =	simm.s32 $0x1  }
0x2: {  	[smem:$0x3F94] =	sst lr;
	_ =	strace $0xD0000000  }
0x3: {  	_ = 	snop  }
0x4: {  	_ = 	snop  }
0x5: {  	_ = 	snop  }
0x6: {  	_ = 	snop  }
0x7: {  	_ = 	snop  }
__scs_overlays_trampoline_lowered:
0x8: {  	[smem:$0x3FA3] =	sst s0  }
0x9: {  	[smem:$0x3FA4] =	sst s1  }
0xa: {  	[smem:$0x3FA5] =	sst s2  }
0xb: {  	[smem:$0x3FA6] =	sst s3  }
0xc: {  	[smem:$0x3FA7] =	sst s4  }
0xd: {  	[smem:$0x3FA8] =	sst s5  }
0xe: {  	[smem:$0x3FA9] =	sst s6  }
0xf: {  	[smem:$0x3FAA] =	sst s7  }
0x10: {  	[smem:$0x3FAB] =	sst s8  }
0x11: {  	[smem:$0x3FAC] =	sst s9;
	s0 =	simm.s32 @!p0 $0x0  }
0x12: {  	s1 =	sld [smem:$0x3F92];
	s0 =	simm.s32 @p0 $0x1  }
0x13: {  	[smem:$0x3FAD] =	sst s0;
	s0 =	simm.s32 @!p1 $0x0  }
0x14: {  	s2 =	sld [smem:$0x3F91];
	s0 =	simm.s32 @p1 $0x1  }
0x15: {  	[smem:$0x3FAE] =	sst s0;
	s0 =	simm.s32 @!p2 $0x0  }
0x16: {  	s3 =	sld [smem:$0x3FDB];
	s0 =	simm.s32 @p2 $0x1  }
0x17: {  	s4 =	simm.s32 $0x1BF5;
	[smem:$0x3FB0] =	sst s0  }
0x18: {  	s0 =	sld [smem:$0x3F93];
	_ =	swait.ge [sflag:s4], $0x0  }
0x19: {  	s7 =	sld [smem:$0x3F94]  }
0x1a: {  	s8 =	sadd.s32 $0xFFFFE003, lr  }
0x1b: {  	s9 =	sadd.s32 $0xFFFFFEF7, lr;
	s5 =	simm.s32 $0xFFFFFFFF;
	p2 =	slt.u32 s8, $0xFFFFF086  }
0x1c: {  	p1 =	slt.u32 s9, $0xF7A;
	s5 =	simm.s32 @!p2 $0x0  }
0x1d: {  	s5 =	simm.s32 @p1 $0x1;
	p0 =	seq.s32 s7, s2  }
0x1e: {  	s7 =	smul.u32 @!p0 $0xF7A, s2;
	p2 =	seq.s32 @!p0 s5, $0x0  }
0x1f: {  	s9 =	smul.u32 $0xF7A, s1;
	s8 =	simm.s32 @!p0 $0x1BF5;
	p2 =	por !p2, p0  }
0x20: {  	[sflag:s8] =	ssyncset.s32 @!p0 $0xFFFFF086;
	s6 =	sadd.s32 @!p0 s3, s7;
	s7 =	simm.s32 @!p0 $0x108  }
0x21: {  	s3 =	sadd.s32 s3, s9;
	s6 =	sadd.s32 @!p0 $0x88, s6;
	s7 =	simm.s32 @p2 $0x1082  }
0x22: {  	[simem:s7], [sflag:s8] =	dma.local @!p0 [hbm:s6], $0xF7A  }
0x23: {  	s9 =	sor.u32 $0xD0000000, s2;
	s6 =	simm.s32 $0x108;
	_ =	swait.ge @!p0 [sflag:s8], $0x0  }
0x24: {  	s3 =	sadd.s32 $0x88, s3;
	s6 =	simm.s32 @!p1 $0x1082;
	[sflag:s4] =	ssyncset.s32 $0xFFFFF086  }
0x25: {  	[simem:s6], [sflag:s4] =	dma.local [hbm:s3], $0xF7A  }
0x26: {  	[smem:$0x3F94] =	sst s1;
	(tag) =	ssettag s2;
	_ =	strace s9  }
0x27: {  	s1 =	sld [smem:$0x3FA4]  }
0x28: {  	s2 =	sld [smem:$0x3FA5]  }
0x29: {  	s4 =	sld [smem:$0x3FA7]  }
0x2a: {  	p0 =	seq.s32 s5, $0x0;
	s5 =	sld [smem:$0x3FA8]  }
0x2b: {  	s6 =	sld [smem:$0x3FA9]  }
0x2c: {  	s7 =	sld [smem:$0x3FAA]  }
0x2d: {  	s3 =	simm.s32 $0x108;
	s8 =	sld [smem:$0x3FAB]  }
0x2e: {  	s3 =	simm.s32 @!p0 $0x1082;
	s9 =	sld [smem:$0x3FAC]  }
0x2f: {  	lr =	sadd.s32 s0, s3;
	s0 =	sld [smem:$0x3FA3]  }
0x30: {  	s3 =	sld [smem:$0x3FA6]  }
0x31: {  	[smem:$0x3FAF] =	sst s10  }
0x32: {  	s10 =	sld [smem:$0x3FAD];
	_ =	sdelay $0x3  }
0x33: {  	p0 =	seq.s32 s10, $0x1;
	s10 =	sld [smem:$0x3FAF];
	_ =	sdelay $0x3  }
0x34: {  	[smem:$0x3FAF] =	sst s10  }
0x35: {  	s10 =	sld [smem:$0x3FAE];
	_ =	sdelay $0x3  }
0x36: {  	p1 =	seq.s32 s10, $0x1;
	s10 =	sld [smem:$0x3FAF];
	_ =	sdelay $0x3  }
0x37: {  	[smem:$0x3FAF] =	sst s10  }
0x38: {  	s10 =	sld [smem:$0x3FB0]  }
0x39: {  	_ = 	snop;
	(pc) =	sbr.ind lr, $3  }
0x3a: {  	_ = 	snop  }
0x3b: {  	_ = 	snop  }
0x3c: {  	p2 =	seq.s32 s10, $0x1;
	s10 =	sld [smem:$0x3FAF]  }
0x3d: {  	_ =	shalt  }
0x3e: {  	_ =	shalt  }
0x3f: {  	_ =	shalt  }
0x40: {  	_ =	shalt  }
0x41: {  	_ =	shalt  }
0x42: {  	_ =	shalt  }
0x43: {  	_ =	shalt  }
0x44: {  	_ =	shalt  }
0x45: {  	_ =	shalt  }
0x46: {  	_ =	shalt  }
0x47: {  	_ =	shalt  }
0x48: {  	_ =	shalt  }
0x49: {  	_ =	shalt  }
0x4a: {  	_ =	shalt  }
0x4b: {  	_ =	shalt  }
0x4c: {  	_ =	shalt  }
0x4d: {  	_ =	shalt  }
0x4e: {  	_ =	shalt  }
0x4f: {  	_ =	shalt  }
0x50: {  	_ =	shalt  }
0x51: {  	_ =	shalt  }
0x52: {  	_ =	shalt  }
0x53: {  	_ =	shalt  }
0x54: {  	_ =	shalt  }
0x55: {  	_ =	shalt  }
0x56: {  	_ =	shalt  }
0x57: {  	_ =	shalt  }
0x58: {  	_ =	shalt  }
0x59: {  	_ =	shalt  }
0x5a: {  	_ =	shalt  }
0x5b: {  	_ =	shalt  }
0x5c: {  	_ =	shalt  }
0x5d: {  	_ =	shalt  }
0x5e: {  	_ =	shalt  }
0x5f: {  	_ =	shalt  }
0x60: {  	_ =	shalt  }
0x61: {  	_ =	shalt  }
0x62: {  	_ =	shalt  }
0x63: {  	_ =	shalt  }
0x64: {  	_ =	shalt  }
0x65: {  	_ =	shalt  }
0x66: {  	_ =	shalt  }
0x67: {  	_ =	shalt  }
0x68: {  	_ =	shalt  }
0x69: {  	_ =	shalt  }
0x6a: {  	_ =	shalt  }
0x6b: {  	_ =	shalt  }
0x6c: {  	_ =	shalt  }
0x6d: {  	_ =	shalt  }
0x6e: {  	_ =	shalt  }
0x6f: {  	_ =	shalt  }
0x70: {  	_ =	shalt  }
0x71: {  	_ =	shalt  }
0x72: {  	_ =	shalt  }
0x73: {  	_ =	shalt  }
0x74: {  	_ =	shalt  }
0x75: {  	_ =	shalt  }
0x76: {  	_ =	shalt  }
0x77: {  	_ =	shalt  }
0x78: {  	_ =	shalt  }
0x79: {  	_ =	shalt  }
0x7a: {  	_ =	shalt  }
0x7b: {  	_ =	shalt  }
0x7c: {  	_ =	shalt  }
0x7d: {  	_ =	shalt  }
0x7e: {  	_ =	shalt  }
0x7f: {  	_ =	shalt  }
0x80: {  	_ =	shalt  }
0x81: {  	_ =	shalt  }
0x82: {  	_ =	shalt  }
0x83: {  	_ =	shalt  }
0x84: {  	_ =	shalt  }
0x85: {  	_ =	shalt  }
0x86: {  	_ =	shalt  }
0x87: {  	_ =	shalt  }
.Lfunc_end0:
.L_simem_size_0:
called_computation_lowered:
.L_overlay_start_0:
0x88: {  	s2 =	sld [smem:$0x3FD9]  }
0x89: {  	s3 =	sld [smem:$0x3FFE];
	_ =	sdelay $0x1  }
0x8a: {  	s1 =	srdreg.scid  }
0x8b: {  	s0 =	sand.u32 $0x1, s1  }
0x8c: {  	s17 =	sshll.u32 s0, $0xA;
	s2 =	sadd.s32 s3, s2  }
0x8d: {  	s2 =	sadd.s32 s2, s17  }
0x8e: {  	[smem:$0x3FBB] =	sst s2  }
0x8f: {  	_ = 	snop  }
0x90: {  	s2 =	sld [smem:$0x3FD0];
	(tm) =	ssettm $0x1  }
0x91: {  	s18 =	sld [smem:$0x3FFB];
	_ =	sdelay $0x3  }
0x92: {  	_ =	strace s18  }
0x93: {  	s3 =	sld [smem:$0x3FFC];
	_ =	sdelay $0x3  }
0x94: {  	_ =	strace s3  }
0x95: {  	s3 =	sld [smem:$0x3FFD];
	_ =	sdelay $0x3  }
0x96: {  	_ =	strace s3  }
0x97: {  	_ =	strace $0x8FFFFFFF  }
0x98: {  	s19 =	sld [smem:$0x3FDB];
	_ =	sdelay $0x1  }
0x99: {  	s4 =	simm.s32 $_scs_section_size  }
0x9a: {  	s5 =	simm.s32 $_size__tile_overlayer_lowered;
	s6 =	simm.s32 $_tile_overlayer_lowered  }
0x9b: {  	s22 =	simm.s32 $0x1BFF;
	s21 =	sshll.u32 s6, $0x1;
	s3 =	sadd.s32 s4, s19  }
0x9c: {  	s7 =	simm.s32 $0x0;
	s20 =	sshll.u32 s5, $0x1;
	s5 =	sadd.s32 s21, s3  }
0x9d: {  	[timem:s7], [sflag:s22] =	dma.local [hbm:s5], s20  }
0x9e: {  	_ =	swait.ge [sflag:s22], s20  }
0x9f: {  	s4 =	ssub.s32 $0x0, s20;
	[sflag:s22] =	ssyncset.done $0x0  }
0xa0: {  	[sflag:s22] =	ssyncadd.s32 s4;
	_ =	sdelay $0x1  }
0xa1: {  	s23 =	simm.s32 $0x1B8B  }
0xa2: {  	_ =	swait.ge [sflag:s23], $0x1  }
0xa3: {  	[sflag:s23] =	ssyncset.done $0x0  }
0xa4: {  	s25 =	simm.s32 $0x1B8E;
	s24 =	sld [smem:$0x3FFE];
	[sflag:s23] =	ssyncadd.s32 $0xFFFFFFFF  }
0xa5: {  	s26 =	simm.s32 $execute0_lowered;
	[smem:$0x3FD2] =	sst s25  }
0xa6: {  	s5 =	sshll.u32 s26, $0x1;
	_ =	strace $0x80000046;
	[dreg:$0x1] =	wrdreg $0xFFFFFFFF  }
0xa7: {  	s28 =	simm.s32 $_size_execute0_lowered;
	s3 =	sadd.s32 s3, s5;
	[dreg:$0x0] =	wrdreg $0x0  }
0xa8: {  	s5 =	sshll.u32 s28, $0x1;
	[dreg:$0x2] =	wrdreg s3  }
0xa9: {  	[dreg:$0x3] =	wrdreg s5  }
0xaa: {  	[dreg:$0x4] =	wrdreg $0xC0  }
0xab: {  	_ =	task [dreg:s7], $0x5FFFF  }
0xac: {  	[dreg:$0x1] =	wrdreg $0xFFFFFFFF  }
0xad: {  	[dreg:$0x0] =	wrdreg $0x60  }
0xae: {  	[dreg:$0x2] =	wrdreg s2  }
0xaf: {  	[dreg:$0x3] =	wrdreg s24  }
0xb0: {  	[dreg:$0x4] =	wrdreg $0x9  }
0xb1: {  	_ =	task.clear_ibuf [dreg:s7], $0x5FFFF;
	_ =	strace $0x90000046  }
0xb2: {  	s29 =	simm.s32 $0x9;
	_ =	strace $0x80000048  }
0xb3: {  	_ =	swait.ge [sflag:s29], $0x1  }
0xb4: {  	[sflag:s29] =	ssyncadd.s32 $0xFFFFFFFF  }
0xb5: {  	_ =	strace $0x90000048  }
0xb6: {  	_ =	sfence  }
0xb7: {  	s30 =	sld [smem:$0x0];
	_ =	sdelay $0x2  }
0xb8: {  	s31 =	sshll.u32 s1, $0xD;
	s1 =	sshrl.u32 s1, $0x2  }
0xb9: {  	s3 =	sand.u32 $0x4000, s31;
	s1 =	sadd.s32 s1, s30  }
0xba: {  	s0 =	sor.u32 s3, s0;
	s1 =	sshll.u32 s1, $0x11  }
0xbb: {  	s0 =	sor.u32 s1, s0  }
0xbc: {  	s0 =	sadd.s32 $0x8F2B, s0  }
0xbd: {  	[sflag:s0] =	ssyncadd.remote.s32 $0x1  }
0xbe: {  	_ =	sfence.sel $0xFFFF  }
0xbf: {  	[dreg:$0x0] =	wrdreg $0xFFFFFFFF;
	(pc) =	sbr.abs _section_cstart, $3  }
0xc0: {  	[dreg:$0x1] =	wrdreg $0xFFFFFFFF  }
0xc1: {  	_ =	task.clear_ibuf [dreg:s7], $0x2FFFF;
	_ =	strace $0x9FFFFFFF  }
0xc2: {  	(tm) =	ssettm $0x7FFFFFFF  }
0xc3: {  	_ =	shalt  }
tec
execute0_lowered:
.L_overlay_start_1:
0x0: {  	(tag) =	ssettag $0x1  }
0x1: {  	s1 =	srdreg.scid;
	s0 =	stileid.u32  }
0x2: {  	s20 =	sand.u32 $0x1, s1;
	s30 =	sshll.u32 s0, $0x1  }
0x3: {  	s12 =	sor.u32 s20, s30  }
0x4: {  	s2 =	rddreg [dreg:$0x0];
	s4 =	smul.u32 $0xFA, s12  }
0x5: {  	s10 =	rddreg [dreg:$0x1];
	s3 =	simm.s32 $0x0  }
0x6: {  	s5 =	simm.s32 $0x5;
	[smem:$0x7FF] =	sst s3;
	s4 =	sadd.s32 s4, s10  }
0x7: {  	s1 =	rddreg [dreg:$0x2];
	_ =	strace $0x80000047;
	s4 =	sadd.s32 $0x4400, s4  }
0x8: {  	[tilespmem:s3], [sflag:$0x5] =	stream.linear.gather [hbm4b:s4+s3], $0x7D0, $0x38;
	[tilespmem:$0x19800] =	vst v63  }
0x9: {  	_ =	swait.ge [sflag:s5], $0x7D0  }
0xa: {  	[sflag:s5] =	ssyncset.done $0x0  }
0xb: {  	s6 =	simm.s32 $0x190;
	s7 =	simm.s32 $0x800;
	[sflag:s5] =	ssyncadd.s32 $0xFFFFF830  }
0xc: {  	[tilespmem:s7], [sflag:$0x1] =	stream.indirect.gather [hbm4b:s2+s6], $0x80, s3, s6, $0xb8;
	[tilespmem:$0x19800] =	vst v63  }
0xd: {  	s8 =	simm.s32 $0xD000;
	s9 =	simm.s32 $0x1  }
0xe: {  	[tilespmem:s8], [sflag:$0x2] =	stream.indirect.gather [hbm4b:s2+s6], $0x80, s6, s6, $0xb8;
	[tilespmem:$0x19800] =	vst v63  }
0xf: {  	s11 =	smul.u32 $0x7D00, s12;
	_ =	swait.ge [sflag:s9], $0xC800  }
0x10: {  	s14 =	sadd.s32 $0xE200, s10;
	[sflag:s9] =	ssyncset.done $0x0  }
0x11: {  	s11 =	sadd.s32 s14, s11;
	s10 =	simm.s32 $0x3;
	[sflag:s9] =	ssyncadd.s32 $0xFFFF3800  }
0x12: {  	[hbm4b:s11+s3] =	stream.linear.scatter [tilespmem:s7], [sflag:$0x3], $0xC800, $0x38;
	[tilespmem:$0x19800] =	vst v63  }
0x13: {  	_ =	swait.ge [sflag:s10], $0xC800  }
0x14: {  	s13 =	simm.s32 $0x2;
	[sflag:s10] =	ssyncset.done $0x0  }
0x15: {  	s15 =	smul.u32 $0x3E800, s12;
	s12 =	simm.s32 $0x320;
	[sflag:s10] =	ssyncadd.s32 $0xFFFF3800  }
0x16: {  	[tilespmem:s7], [sflag:$0x1] =	stream.indirect.gather [hbm4b:s2+s6], $0x80, s12, s6, $0xb8;
	[tilespmem:$0x19800] =	vst v63  }
0x17: {  	s15 =	sshrl.u32 s15, $0x3;
	_ =	swait.ge [sflag:s13], $0xC800  }
0x18: {  	s21 =	sadd.s32 s14, s15;
	[sflag:s13] =	ssyncset.done $0x0  }
0x19: {  	s15 =	simm.s32 $0x4;
	s14 =	sadd.s32 $0x1900, s21;
	[sflag:s13] =	ssyncadd.s32 $0xFFFF3800  }
0x1a: {  	[hbm4b:s14+s3] =	stream.linear.scatter [tilespmem:s8], [sflag:$0x4], $0xC800, $0x38;
	[tilespmem:$0x19800] =	vst v63  }
0x1b: {  	_ =	swait.ge [sflag:s15], $0xC800  }
0x1c: {  	[sflag:s15] =	ssyncset.done $0x0  }
0x1d: {  	s16 =	simm.s32 $0x4B0;
	[sflag:s15] =	ssyncadd.s32 $0xFFFF3800  }
0x1e: {  	[tilespmem:s8], [sflag:$0x2] =	stream.indirect.gather [hbm4b:s2+s6], $0x80, s16, s6, $0xb8;
	[tilespmem:$0x19800] =	vst v63  }
0x1f: {  	_ =	swait.ge [sflag:s9], $0xC800  }
0x20: {  	[sflag:s9] =	ssyncset.done $0x0  }
0x21: {  	s17 =	sadd.s32 $0x3200, s21;
	[sflag:s9] =	ssyncadd.s32 $0xFFFF3800  }
0x22: {  	[hbm4b:s17+s3] =	stream.linear.scatter [tilespmem:s7], [sflag:$0x3], $0xC800, $0x38;
	[tilespmem:$0x19800] =	vst v63  }
0x23: {  	_ =	swait.ge [sflag:s10], $0xC800  }
0x24: {  	[sflag:s10] =	ssyncset.done $0x0  }
0x25: {  	s18 =	simm.s32 $0x640;
	[sflag:s10] =	ssyncadd.s32 $0xFFFF3800  }
0x26: {  	[tilespmem:s7], [sflag:$0x1] =	stream.indirect.gather [hbm4b:s2+s6], $0x80, s18, s6, $0xb8;
	[tilespmem:$0x19800] =	vst v63  }
0x27: {  	_ =	swait.ge [sflag:s13], $0xC800  }
0x28: {  	s22 =	ssub.s32 $0x2, s20;
	[sflag:s13] =	ssyncset.done $0x0  }
0x29: {  	s31 =	sshrl.u32 s22, $0x1;
	s19 =	sadd.s32 $0x4B00, s21;
	[sflag:s13] =	ssyncadd.s32 $0xFFFF3800  }
0x2a: {  	[hbm4b:s19+s3] =	stream.linear.scatter [tilespmem:s8], [sflag:$0x4], $0xC800, $0x38;
	[tilespmem:$0x19800] =	vst v63  }
0x2b: {  	s20 =	sadd.s32 $0x6400, s21;
	s21 =	ssub.s32 s22, s31;
	_ =	swait.ge [sflag:s9], $0xC800  }
0x2c: {  	s21 =	smax.u32 s21, $0x1;
	[sflag:s9] =	ssyncset.done $0x0  }
0x2d: {  	p0 =	sne.s32 s21, $0x1;
	[sflag:s9] =	ssyncadd.s32 $0xFFFF3800  }
0x2e: {  	[hbm4b:s20+s3] =	stream.linear.scatter [tilespmem:s7], [sflag:$0x3], $0xC800, $0x38;
	[tilespmem:$0x19800] =	vst v63  }
.Ltmp0:
0x2f: {  	_ =	swait.ge [sflag:s15], $0xC800;
	(pc) =	sbr.rel @!p0 .LBB2_2-.Ltmp0, $4  }
0x30: {  	[sflag:s15] =	ssyncset.done $0x0  }
0x31: {  	[sflag:s15] =	ssyncadd.s32 $0xFFFF3800  }
0x32: {  	_ =	swait.ge [sflag:s10], $0xC800  }
0x33: {  	s21 =	sadd.s32 $0xFFFFFFFF, s21;
	[sflag:s10] =	ssyncset.done $0x0  }
.LBB2_1:
0x34: {  	p0 =	sne.s32 s21, $0x1;
	s21 =	sadd.s32 $0xFFFFFFFF, s21;
	[sflag:s10] =	ssyncadd.s32 $0xFFFF3800  }
0x35: {  	[tilespmem:s3], [sflag:$0x5] =	stream.linear.gather [hbm4b:s4+s3], $0x7D0, $0x38;
	[tilespmem:$0x19800] =	vst v63  }
0x36: {  	_ =	swait.ge [sflag:s5], $0x7D0  }
0x37: {  	[sflag:s5] =	ssyncset.done $0x0  }
0x38: {  	[sflag:s5] =	ssyncadd.s32 $0xFFFFF830  }
0x39: {  	[tilespmem:s7], [sflag:$0x1] =	stream.indirect.gather [hbm4b:s2+s6], $0x80, s3, s6, $0xb8;
	[tilespmem:$0x19800] =	vst v63  }
0x3a: {  	_ = 	snop  }
0x3b: {  	[tilespmem:s8], [sflag:$0x2] =	stream.indirect.gather [hbm4b:s2+s6], $0x80, s6, s6, $0xb8;
	[tilespmem:$0x19800] =	vst v63  }
0x3c: {  	_ =	swait.ge [sflag:s9], $0xC800  }
0x3d: {  	[sflag:s9] =	ssyncset.done $0x0  }
0x3e: {  	[sflag:s9] =	ssyncadd.s32 $0xFFFF3800  }
0x3f: {  	[hbm4b:s11+s3] =	stream.linear.scatter [tilespmem:s7], [sflag:$0x3], $0xC800, $0x38;
	[tilespmem:$0x19800] =	vst v63  }
0x40: {  	_ =	swait.ge [sflag:s10], $0xC800  }
0x41: {  	[sflag:s10] =	ssyncset.done $0x0  }
0x42: {  	[sflag:s10] =	ssyncadd.s32 $0xFFFF3800  }
0x43: {  	[tilespmem:s7], [sflag:$0x1] =	stream.indirect.gather [hbm4b:s2+s6], $0x80, s12, s6, $0xb8;
	[tilespmem:$0x19800] =	vst v63  }
0x44: {  	_ =	swait.ge [sflag:s13], $0xC800  }
0x45: {  	[sflag:s13] =	ssyncset.done $0x0  }
0x46: {  	[sflag:s13] =	ssyncadd.s32 $0xFFFF3800  }
0x47: {  	[hbm4b:s14+s3] =	stream.linear.scatter [tilespmem:s8], [sflag:$0x4], $0xC800, $0x38;
	[tilespmem:$0x19800] =	vst v63  }
0x48: {  	_ =	swait.ge [sflag:s15], $0xC800  }
0x49: {  	[sflag:s15] =	ssyncset.done $0x0  }
0x4a: {  	[sflag:s15] =	ssyncadd.s32 $0xFFFF3800  }
0x4b: {  	[tilespmem:s8], [sflag:$0x2] =	stream.indirect.gather [hbm4b:s2+s6], $0x80, s16, s6, $0xb8;
	[tilespmem:$0x19800] =	vst v63  }
0x4c: {  	_ =	swait.ge [sflag:s9], $0xC800  }
0x4d: {  	[sflag:s9] =	ssyncset.done $0x0  }
0x4e: {  	[sflag:s9] =	ssyncadd.s32 $0xFFFF3800  }
0x4f: {  	[hbm4b:s17+s3] =	stream.linear.scatter [tilespmem:s7], [sflag:$0x3], $0xC800, $0x38;
	[tilespmem:$0x19800] =	vst v63  }
0x50: {  	_ =	swait.ge [sflag:s10], $0xC800  }
0x51: {  	[sflag:s10] =	ssyncset.done $0x0  }
0x52: {  	[sflag:s10] =	ssyncadd.s32 $0xFFFF3800  }
0x53: {  	[tilespmem:s7], [sflag:$0x1] =	stream.indirect.gather [hbm4b:s2+s6], $0x80, s18, s6, $0xb8;
	[tilespmem:$0x19800] =	vst v63  }
0x54: {  	_ =	swait.ge [sflag:s13], $0xC800  }
0x55: {  	[sflag:s13] =	ssyncset.done $0x0  }
0x56: {  	[sflag:s13] =	ssyncadd.s32 $0xFFFF3800  }
0x57: {  	[hbm4b:s19+s3] =	stream.linear.scatter [tilespmem:s8], [sflag:$0x4], $0xC800, $0x38;
	[tilespmem:$0x19800] =	vst v63  }
0x58: {  	_ =	swait.ge [sflag:s9], $0xC800  }
0x59: {  	[sflag:s9] =	ssyncset.done $0x0  }
0x5a: {  	[sflag:s9] =	ssyncadd.s32 $0xFFFF3800  }
0x5b: {  	[hbm4b:s20+s3] =	stream.linear.scatter [tilespmem:s7], [sflag:$0x3], $0xC800, $0x38;
	[tilespmem:$0x19800] =	vst v63  }
.Ltmp1:
0x5c: {  	_ =	swait.ge [sflag:s15], $0xC800;
	(pc) =	sbr.rel @p0 .LBB2_1-.Ltmp1, $4  }
0x5d: {  	[sflag:s15] =	ssyncset.done $0x0  }
0x5e: {  	[sflag:s15] =	ssyncadd.s32 $0xFFFF3800  }
0x5f: {  	_ =	swait.ge [sflag:s10], $0xC800  }
0x60: {  	[sflag:s10] =	ssyncset.done $0x0  }
.LBB2_2:
0x61: {  	[sflag:s10] =	ssyncadd.s32 $0xFFFF3800  }
0x62: {  	_ =	sfence.sel $0x180000  }
0x63: {  	[bflag:$0x0] =	sbarrier.arrive $0xFFFF  }
0x64: {  	p0 =	sne.s32 s0, $0x0;
	_ =	strace $0x90000047  }
0x65: {  	s0 =	sadd.s32 @!p0 $0x100000, s1;
	[bflag:$0x2] =	sbarrier.arrive $0xFFFF  }
0x66: {  	[sflag:s0] =	ssyncadd.tile.s32 @!p0 $0x1;
	_ =	shalt  }
.Lfunc_end2:
_tile_overlayer_lowered:
.L_overlay_start_2:
0x67: {  	(tag) =	ssettag $0x2  }
0x68: {  	s0 =	rddreg [dreg:$0x0];
	s2 =	stileid.u32  }
0x69: {  	s1 =	rddreg [dreg:$0x1];
	p0 =	sne.s32 s2, $0x0  }
0x6a: {  	s3 =	rddreg [dreg:$0x2];
	[bflag:$0x3] =	sbarrier.arrive $0xFFFF;
	s2 =	simm.s32 @!p0 $0x1C05  }
0x6b: {  	[timem:s3], [sflag:s2] =	dma.local @!p0 [hbm:s0], s1  }
0x6c: {  	s0 =	simm.s32 @!p0 $0x5  }
0x6d: {  	_ =	swait.ge @!p0 [sflag:s0], s1  }
0x6e: {  	s1 =	ssub.s32 @!p0 $0x0, s1;
	[sflag:s0] =	ssyncset.done @!p0 $0x0  }
0x6f: {  	[sflag:s0] =	ssyncadd.s32 @!p0 s1  }
0x70: {  	[bflag:$0x3] =	sbarrier.arrive $0xFFFF  }
0x71: {  	_ =	shalt  }

// kernel: kernel.16.cloned.1.call-start
scs
__scs_entry_jumppad:
0x0: {  	(pc) =	sbr.rel $0x88, $3  }
0x1: {  	(tag) =	ssettag $0x0;
	lr =	simm.s32 $0x1  }
0x2: {  	[smem:$0x3F94] =	sst lr;
	_ =	strace $0xD0000000  }
0x3: {  	_ = 	snop  }
0x4: {  	_ = 	snop  }
0x5: {  	_ = 	snop  }
0x6: {  	_ = 	snop  }
0x7: {  	_ = 	snop  }
__scs_overlays_trampoline_lowered:
0x8: {  	[smem:$0x3FA3] =	sst s0  }
0x9: {  	[smem:$0x3FA4] =	sst s1  }
0xa: {  	[smem:$0x3FA5] =	sst s2  }
0xb: {  	[smem:$0x3FA6] =	sst s3  }
0xc: {  	[smem:$0x3FA7] =	sst s4  }
0xd: {  	[smem:$0x3FA8] =	sst s5  }
0xe: {  	[smem:$0x3FA9] =	sst s6  }
0xf: {  	[smem:$0x3FAA] =	sst s7  }
0x10: {  	[smem:$0x3FAB] =	sst s8  }
0x11: {  	[smem:$0x3FAC] =	sst s9;
	s0 =	simm.s32 @!p0 $0x0  }
0x12: {  	s1 =	sld [smem:$0x3F92];
	s0 =	simm.s32 @p0 $0x1  }
0x13: {  	[smem:$0x3FAD] =	sst s0;
	s0 =	simm.s32 @!p1 $0x0  }
0x14: {  	s2 =	sld [smem:$0x3F91];
	s0 =	simm.s32 @p1 $0x1  }
0x15: {  	[smem:$0x3FAE] =	sst s0;
	s0 =	simm.s32 @!p2 $0x0  }
0x16: {  	s3 =	sld [smem:$0x3FDB];
	s0 =	simm.s32 @p2 $0x1  }
0x17: {  	s4 =	simm.s32 $0x1BF5;
	[smem:$0x3FB0] =	sst s0  }
0x18: {  	s0 =	sld [smem:$0x3F93];
	_ =	swait.ge [sflag:s4], $0x0  }
0x19: {  	s7 =	sld [smem:$0x3F94]  }
0x1a: {  	s8 =	sadd.s32 $0xFFFFE003, lr  }
0x1b: {  	s9 =	sadd.s32 $0xFFFFFEF7, lr;
	s5 =	simm.s32 $0xFFFFFFFF;
	p2 =	slt.u32 s8, $0xFFFFF086  }
0x1c: {  	p1 =	slt.u32 s9, $0xF7A;
	s5 =	simm.s32 @!p2 $0x0  }
0x1d: {  	s5 =	simm.s32 @p1 $0x1;
	p0 =	seq.s32 s7, s2  }
0x1e: {  	s7 =	smul.u32 @!p0 $0xF7A, s2;
	p2 =	seq.s32 @!p0 s5, $0x0  }
0x1f: {  	s9 =	smul.u32 $0xF7A, s1;
	s8 =	simm.s32 @!p0 $0x1BF5;
	p2 =	por !p2, p0  }
0x20: {  	[sflag:s8] =	ssyncset.s32 @!p0 $0xFFFFF086;
	s6 =	sadd.s32 @!p0 s3, s7;
	s7 =	simm.s32 @!p0 $0x108  }
0x21: {  	s3 =	sadd.s32 s3, s9;
	s6 =	sadd.s32 @!p0 $0x88, s6;
	s7 =	simm.s32 @p2 $0x1082  }
0x22: {  	[simem:s7], [sflag:s8] =	dma.local @!p0 [hbm:s6], $0xF7A  }
0x23: {  	s9 =	sor.u32 $0xD0000000, s2;
	s6 =	simm.s32 $0x108;
	_ =	swait.ge @!p0 [sflag:s8], $0x0  }
0x24: {  	s3 =	sadd.s32 $0x88, s3;
	s6 =	simm.s32 @!p1 $0x1082;
	[sflag:s4] =	ssyncset.s32 $0xFFFFF086  }
0x25: {  	[simem:s6], [sflag:s4] =	dma.local [hbm:s3], $0xF7A  }
0x26: {  	[smem:$0x3F94] =	sst s1;
	(tag) =	ssettag s2;
	_ =	strace s9  }
0x27: {  	s1 =	sld [smem:$0x3FA4]  }
0x28: {  	s2 =	sld [smem:$0x3FA5]  }
0x29: {  	s4 =	sld [smem:$0x3FA7]  }
0x2a: {  	p0 =	seq.s32 s5, $0x0;
	s5 =	sld [smem:$0x3FA8]  }
0x2b: {  	s6 =	sld [smem:$0x3FA9]  }
0x2c: {  	s7 =	sld [smem:$0x3FAA]  }
0x2d: {  	s3 =	simm.s32 $0x108;
	s8 =	sld [smem:$0x3FAB]  }
0x2e: {  	s3 =	simm.s32 @!p0 $0x1082;
	s9 =	sld [smem:$0x3FAC]  }
0x2f: {  	lr =	sadd.s32 s0, s3;
	s0 =	sld [smem:$0x3FA3]  }
0x30: {  	s3 =	sld [smem:$0x3FA6]  }
0x31: {  	[smem:$0x3FAF] =	sst s10  }
0x32: {  	s10 =	sld [smem:$0x3FAD];
	_ =	sdelay $0x3  }
0x33: {  	p0 =	seq.s32 s10, $0x1;
	s10 =	sld [smem:$0x3FAF];
	_ =	sdelay $0x3  }
0x34: {  	[smem:$0x3FAF] =	sst s10  }
0x35: {  	s10 =	sld [smem:$0x3FAE];
	_ =	sdelay $0x3  }
0x36: {  	p1 =	seq.s32 s10, $0x1;
	s10 =	sld [smem:$0x3FAF];
	_ =	sdelay $0x3  }
0x37: {  	[smem:$0x3FAF] =	sst s10  }
0x38: {  	s10 =	sld [smem:$0x3FB0]  }
0x39: {  	_ = 	snop;
	(pc) =	sbr.ind lr, $3  }
0x3a: {  	_ = 	snop  }
0x3b: {  	_ = 	snop  }
0x3c: {  	p2 =	seq.s32 s10, $0x1;
	s10 =	sld [smem:$0x3FAF]  }
0x3d: {  	_ =	shalt  }
0x3e: {  	_ =	shalt  }
0x3f: {  	_ =	shalt  }
0x40: {  	_ =	shalt  }
0x41: {  	_ =	shalt  }
0x42: {  	_ =	shalt  }
0x43: {  	_ =	shalt  }
0x44: {  	_ =	shalt  }
0x45: {  	_ =	shalt  }
0x46: {  	_ =	shalt  }
0x47: {  	_ =	shalt  }
0x48: {  	_ =	shalt  }
0x49: {  	_ =	shalt  }
0x4a: {  	_ =	shalt  }
0x4b: {  	_ =	shalt  }
0x4c: {  	_ =	shalt  }
0x4d: {  	_ =	shalt  }
0x4e: {  	_ =	shalt  }
0x4f: {  	_ =	shalt  }
0x50: {  	_ =	shalt  }
0x51: {  	_ =	shalt  }
0x52: {  	_ =	shalt  }
0x53: {  	_ =	shalt  }
0x54: {  	_ =	shalt  }
0x55: {  	_ =	shalt  }
0x56: {  	_ =	shalt  }
0x57: {  	_ =	shalt  }
0x58: {  	_ =	shalt  }
0x59: {  	_ =	shalt  }
0x5a: {  	_ =	shalt  }
0x5b: {  	_ =	shalt  }
0x5c: {  	_ =	shalt  }
0x5d: {  	_ =	shalt  }
0x5e: {  	_ =	shalt  }
0x5f: {  	_ =	shalt  }
0x60: {  	_ =	shalt  }
0x61: {  	_ =	shalt  }
0x62: {  	_ =	shalt  }
0x63: {  	_ =	shalt  }
0x64: {  	_ =	shalt  }
0x65: {  	_ =	shalt  }
0x66: {  	_ =	shalt  }
0x67: {  	_ =	shalt  }
0x68: {  	_ =	shalt  }
0x69: {  	_ =	shalt  }
0x6a: {  	_ =	shalt  }
0x6b: {  	_ =	shalt  }
0x6c: {  	_ =	shalt  }
0x6d: {  	_ =	shalt  }
0x6e: {  	_ =	shalt  }
0x6f: {  	_ =	shalt  }
0x70: {  	_ =	shalt  }
0x71: {  	_ =	shalt  }
0x72: {  	_ =	shalt  }
0x73: {  	_ =	shalt  }
0x74: {  	_ =	shalt  }
0x75: {  	_ =	shalt  }
0x76: {  	_ =	shalt  }
0x77: {  	_ =	shalt  }
0x78: {  	_ =	shalt  }
0x79: {  	_ =	shalt  }
0x7a: {  	_ =	shalt  }
0x7b: {  	_ =	shalt  }
0x7c: {  	_ =	shalt  }
0x7d: {  	_ =	shalt  }
0x7e: {  	_ =	shalt  }
0x7f: {  	_ =	shalt  }
0x80: {  	_ =	shalt  }
0x81: {  	_ =	shalt  }
0x82: {  	_ =	shalt  }
0x83: {  	_ =	shalt  }
0x84: {  	_ =	shalt  }
0x85: {  	_ =	shalt  }
0x86: {  	_ =	shalt  }
0x87: {  	_ =	shalt  }
.Lfunc_end0:
.L_simem_size_0:
called_computation.1_lowered:
.L_overlay_start_0:
0x88: {  	s2 =	sld [smem:$0x3FD9]  }
0x89: {  	s3 =	sld [smem:$0x3FFE];
	_ =	sdelay $0x1  }
0x8a: {  	s1 =	srdreg.scid  }
0x8b: {  	s0 =	sand.u32 $0x1, s1  }
0x8c: {  	s17 =	sshll.u32 s0, $0xA;
	s2 =	sadd.s32 s3, s2  }
0x8d: {  	s2 =	sadd.s32 s2, s17  }
0x8e: {  	[smem:$0x3FBB] =	sst s2  }
0x8f: {  	_ = 	snop  }
0x90: {  	s18 =	sld [smem:$0x3FD0];
	(tm) =	ssettm $0x1  }
0x91: {  	s19 =	sld [smem:$0x3FFB];
	_ =	sdelay $0x3  }
0x92: {  	_ =	strace s19  }
0x93: {  	s2 =	sld [smem:$0x3FFC];
	_ =	sdelay $0x3  }
0x94: {  	_ =	strace s2  }
0x95: {  	s2 =	sld [smem:$0x3FFD];
	_ =	sdelay $0x3  }
0x96: {  	_ =	strace s2  }
0x97: {  	_ =	strace $0x8FFFFFFF  }
0x98: {  	s20 =	sld [smem:$0x3FDB];
	_ =	sdelay $0x1  }
0x99: {  	s4 =	simm.s32 $_scs_section_size  }
0x9a: {  	s5 =	simm.s32 $_size__tile_overlayer_lowered;
	s6 =	simm.s32 $_tile_overlayer_lowered  }
0x9b: {  	s7 =	simm.s32 $0x1BFF;
	s21 =	sshll.u32 s6, $0x1;
	s4 =	sadd.s32 s4, s20  }
0x9c: {  	s22 =	simm.s32 $0x0;
	s5 =	sshll.u32 s5, $0x1;
	s6 =	sadd.s32 s21, s4  }
0x9d: {  	[timem:s22], [sflag:s7] =	dma.local [hbm:s6], s5  }
0x9e: {  	_ =	swait.ge [sflag:s7], s5  }
0x9f: {  	s5 =	ssub.s32 $0x0, s5;
	[sflag:s7] =	ssyncset.done $0x0  }
0xa0: {  	[sflag:s7] =	ssyncadd.s32 s5;
	_ =	sdelay $0x1  }
0xa1: {  	s23 =	simm.s32 $0x1B8B  }
0xa2: {  	_ =	swait.ge [sflag:s23], $0x1  }
0xa3: {  	[sflag:s23] =	ssyncset.done $0x0  }
0xa4: {  	[sflag:s23] =	ssyncadd.s32 $0xFFFFFFFF  }
0xa5: {  	s5 =	sld [smem:$0x0]  }
0xa6: {  	s6 =	sand.u32 $0xFFFFFFFE, s1  }
0xa7: {  	p0 =	sne.s32 s1, s6  }
0xa8: {  	s6 =	sshll.u32 @p0 s6, $0xE  }
0xa9: {  	s6 =	sadd.s32 @p0 $0x11B8D, s6;
	s7 =	sshll.u32 @p0 s5, $0x11  }
0xaa: {  	s6 =	sor.u32 @p0 s7, s6  }
0xab: {  	[sflag:s6] =	ssyncadd.remote.s32 @p0 $0x1;
	_ =	sdelay $0x1  }
0xac: {  	s6 =	simm.s32 @p0 $0x1B8D  }
0xad: {  	_ =	swait.eq @p0 [sflag:s6], $0x1  }
0xae: {  	[sflag:s6] =	ssyncadd.s32 @p0 $0xFFFFFFFF  }
0xaf: {  	s7 =	sshll.u32 @!p0 s1, $0xE  }
0xb0: {  	s7 =	sor.u32 @!p0 $0x4000, s7;
	s6 =	simm.s32 @!p0 $0x1B8D  }
0xb1: {  	s5 =	sshll.u32 @!p0 s5, $0x11;
	s7 =	sadd.s32 @!p0 $0x11B8D, s7;
	_ =	swait.eq @!p0 [sflag:s6], $0x1  }
0xb2: {  	s5 =	sor.u32 @!p0 s5, s7;
	[sflag:s6] =	ssyncadd.s32 @!p0 $0xFFFFFFFF  }
0xb3: {  	s25 =	simm.s32 $0x1B8E;
	s24 =	sld [smem:$0x3FFE];
	[sflag:s5] =	ssyncadd.remote.s32 @!p0 $0x1  }
0xb4: {  	s26 =	simm.s32 $execute0_lowered;
	[smem:$0x3FD2] =	sst s25  }
0xb5: {  	s6 =	sshll.u32 s26, $0x1;
	_ =	strace $0x80000049;
	[dreg:$0x1] =	wrdreg $0xFFFFFFFF  }
0xb6: {  	s28 =	simm.s32 $_size_execute0_lowered;
	s4 =	sadd.s32 s4, s6;
	[dreg:$0x0] =	wrdreg $0x0  }
0xb7: {  	s6 =	sshll.u32 s28, $0x1;
	[dreg:$0x2] =	wrdreg s4  }
0xb8: {  	[dreg:$0x3] =	wrdreg s6  }
0xb9: {  	[dreg:$0x4] =	wrdreg $0xC0  }
0xba: {  	_ =	task [dreg:s22], $0x5FFFF  }
0xbb: {  	[dreg:$0x1] =	wrdreg $0xFFFFFFFF  }
0xbc: {  	[dreg:$0x0] =	wrdreg $0x60  }
0xbd: {  	[dreg:$0x2] =	wrdreg s18  }
0xbe: {  	[dreg:$0x3] =	wrdreg s24  }
0xbf: {  	[dreg:$0x4] =	wrdreg $0xA  }
0xc0: {  	_ =	task.clear_ibuf [dreg:s22], $0x5FFFF;
	_ =	strace $0x90000049  }
0xc1: {  	s29 =	simm.s32 $0xA;
	_ =	strace $0x8000004B  }
0xc2: {  	_ =	swait.ge [sflag:s29], $0x1  }
0xc3: {  	[sflag:s29] =	ssyncadd.s32 $0xFFFFFFFF  }
0xc4: {  	_ =	strace $0x9000004B  }
0xc5: {  	_ =	sfence  }
0xc6: {  	s30 =	sld [smem:$0x0];
	_ =	sdelay $0x2  }
0xc7: {  	s31 =	sshll.u32 s1, $0xD;
	s1 =	sshrl.u32 s1, $0x2  }
0xc8: {  	s4 =	sand.u32 $0x4000, s31;
	s1 =	sadd.s32 s1, s30  }
0xc9: {  	s0 =	sor.u32 s4, s0;
	s1 =	sshll.u32 s1, $0x11  }
0xca: {  	s0 =	sor.u32 s1, s0  }
0xcb: {  	s0 =	sadd.s32 $0x8F2B, s0  }
0xcc: {  	[sflag:s0] =	ssyncadd.remote.s32 $0x1  }
0xcd: {  	_ =	sfence.sel $0xFFFF  }
0xce: {  	[dreg:$0x0] =	wrdreg $0xFFFFFFFF;
	(pc) =	sbr.abs _section_cstart, $3  }
0xcf: {  	[dreg:$0x1] =	wrdreg $0xFFFFFFFF  }
0xd0: {  	_ =	task.clear_ibuf [dreg:s22], $0x2FFFF;
	_ =	strace $0x9FFFFFFF  }
0xd1: {  	(tm) =	ssettm $0x7FFFFFFF  }
tec
execute0_lowered:
.L_overlay_start_1:
0x0: {  	(tag) =	ssettag $0x1  }
0x1: {  	s1 =	srdreg.scid;
	s0 =	stileid.u32  }
0x2: {  	s20 =	sand.u32 $0x1, s1;
	s30 =	sshll.u32 s0, $0x1  }
0x3: {  	s12 =	sor.u32 s20, s30  }
0x4: {  	s4 =	smul.u32 $0x7D0, s12  }
0x5: {  	s2 =	rddreg [dreg:$0x0]  }
0x6: {  	s10 =	rddreg [dreg:$0x1];
	s3 =	simm.s32 $0x0;
	s4 =	sshrl.u32 s4, $0x3  }
0x7: {  	s5 =	simm.s32 $0x5;
	[smem:$0x7FF] =	sst s3;
	s4 =	sadd.s32 s10, s4  }
0x8: {  	s1 =	rddreg [dreg:$0x2];
	_ =	strace $0x8000004A;
	s4 =	sadd.s32 $0x6340, s4  }
0x9: {  	[tilespmem:s3], [sflag:$0x5] =	stream.linear.gather [hbm4b:s4+s3], $0x7D0, $0x38;
	[tilespmem:$0x19800] =	vst v63  }
0xa: {  	_ =	swait.ge [sflag:s5], $0x7D0  }
0xb: {  	[sflag:s5] =	ssyncset.done $0x0  }
0xc: {  	s6 =	simm.s32 $0x190;
	s7 =	simm.s32 $0x800;
	[sflag:s5] =	ssyncadd.s32 $0xFFFFF830  }
0xd: {  	[tilespmem:s7], [sflag:$0x1] =	stream.indirect.gather [hbm4b:s2+s6], $0x80, s3, s6, $0xb8;
	[tilespmem:$0x19800] =	vst v63  }
0xe: {  	s8 =	simm.s32 $0xD000;
	s9 =	simm.s32 $0x1  }
0xf: {  	[tilespmem:s8], [sflag:$0x2] =	stream.indirect.gather [hbm4b:s2+s6], $0x80, s6, s6, $0xb8;
	[tilespmem:$0x19800] =	vst v63  }
0x10: {  	s11 =	smul.u32 $0x7D00, s12;
	_ =	swait.ge [sflag:s9], $0xC800  }
0x11: {  	s14 =	sadd.s32 $0x108200, s10;
	[sflag:s9] =	ssyncset.done $0x0  }
0x12: {  	s11 =	sadd.s32 s14, s11;
	s10 =	simm.s32 $0x3;
	[sflag:s9] =	ssyncadd.s32 $0xFFFF3800  }
0x13: {  	[hbm4b:s11+s3] =	stream.linear.scatter [tilespmem:s7], [sflag:$0x3], $0xC800, $0x38;
	[tilespmem:$0x19800] =	vst v63  }
0x14: {  	_ =	swait.ge [sflag:s10], $0xC800  }
0x15: {  	s13 =	simm.s32 $0x2;
	[sflag:s10] =	ssyncset.done $0x0  }
0x16: {  	s15 =	smul.u32 $0x3E800, s12;
	s12 =	simm.s32 $0x320;
	[sflag:s10] =	ssyncadd.s32 $0xFFFF3800  }
0x17: {  	[tilespmem:s7], [sflag:$0x1] =	stream.indirect.gather [hbm4b:s2+s6], $0x80, s12, s6, $0xb8;
	[tilespmem:$0x19800] =	vst v63  }
0x18: {  	s15 =	sshrl.u32 s15, $0x3;
	_ =	swait.ge [sflag:s13], $0xC800  }
0x19: {  	s21 =	sadd.s32 s14, s15;
	[sflag:s13] =	ssyncset.done $0x0  }
0x1a: {  	s15 =	simm.s32 $0x4;
	s14 =	sadd.s32 $0x1900, s21;
	[sflag:s13] =	ssyncadd.s32 $0xFFFF3800  }
0x1b: {  	[hbm4b:s14+s3] =	stream.linear.scatter [tilespmem:s8], [sflag:$0x4], $0xC800, $0x38;
	[tilespmem:$0x19800] =	vst v63  }
0x1c: {  	_ =	swait.ge [sflag:s15], $0xC800  }
0x1d: {  	[sflag:s15] =	ssyncset.done $0x0  }
0x1e: {  	s16 =	simm.s32 $0x4B0;
	[sflag:s15] =	ssyncadd.s32 $0xFFFF3800  }
0x1f: {  	[tilespmem:s8], [sflag:$0x2] =	stream.indirect.gather [hbm4b:s2+s6], $0x80, s16, s6, $0xb8;
	[tilespmem:$0x19800] =	vst v63  }
0x20: {  	_ =	swait.ge [sflag:s9], $0xC800  }
0x21: {  	[sflag:s9] =	ssyncset.done $0x0  }
0x22: {  	s17 =	sadd.s32 $0x3200, s21;
	[sflag:s9] =	ssyncadd.s32 $0xFFFF3800  }
0x23: {  	[hbm4b:s17+s3] =	stream.linear.scatter [tilespmem:s7], [sflag:$0x3], $0xC800, $0x38;
	[tilespmem:$0x19800] =	vst v63  }
0x24: {  	_ =	swait.ge [sflag:s10], $0xC800  }
0x25: {  	[sflag:s10] =	ssyncset.done $0x0  }
0x26: {  	s18 =	simm.s32 $0x640;
	[sflag:s10] =	ssyncadd.s32 $0xFFFF3800  }
0x27: {  	[tilespmem:s7], [sflag:$0x1] =	stream.indirect.gather [hbm4b:s2+s6], $0x80, s18, s6, $0xb8;
	[tilespmem:$0x19800] =	vst v63  }
0x28: {  	_ =	swait.ge [sflag:s13], $0xC800  }
0x29: {  	s22 =	ssub.s32 $0x2, s20;
	[sflag:s13] =	ssyncset.done $0x0  }
0x2a: {  	s31 =	sshrl.u32 s22, $0x1;
	s19 =	sadd.s32 $0x4B00, s21;
	[sflag:s13] =	ssyncadd.s32 $0xFFFF3800  }
0x2b: {  	[hbm4b:s19+s3] =	stream.linear.scatter [tilespmem:s8], [sflag:$0x4], $0xC800, $0x38;
	[tilespmem:$0x19800] =	vst v63  }
0x2c: {  	s20 =	sadd.s32 $0x6400, s21;
	s21 =	ssub.s32 s22, s31;
	_ =	swait.ge [sflag:s9], $0xC800  }
0x2d: {  	s21 =	smax.u32 s21, $0x1;
	[sflag:s9] =	ssyncset.done $0x0  }
0x2e: {  	p0 =	sne.s32 s21, $0x1;
	[sflag:s9] =	ssyncadd.s32 $0xFFFF3800  }
0x2f: {  	[hbm4b:s20+s3] =	stream.linear.scatter [tilespmem:s7], [sflag:$0x3], $0xC800, $0x38;
	[tilespmem:$0x19800] =	vst v63  }
.Ltmp0:
0x30: {  	_ =	swait.ge [sflag:s15], $0xC800;
	(pc) =	sbr.rel @!p0 .LBB2_2-.Ltmp0, $4  }
0x31: {  	[sflag:s15] =	ssyncset.done $0x0  }
0x32: {  	[sflag:s15] =	ssyncadd.s32 $0xFFFF3800  }
0x33: {  	_ =	swait.ge [sflag:s10], $0xC800  }
0x34: {  	s21 =	sadd.s32 $0xFFFFFFFF, s21;
	[sflag:s10] =	ssyncset.done $0x0  }
.LBB2_1:
0x35: {  	p0 =	sne.s32 s21, $0x1;
	s21 =	sadd.s32 $0xFFFFFFFF, s21;
	[sflag:s10] =	ssyncadd.s32 $0xFFFF3800  }
0x36: {  	[tilespmem:s3], [sflag:$0x5] =	stream.linear.gather [hbm4b:s4+s3], $0x7D0, $0x38;
	[tilespmem:$0x19800] =	vst v63  }
0x37: {  	_ =	swait.ge [sflag:s5], $0x7D0  }
0x38: {  	[sflag:s5] =	ssyncset.done $0x0  }
0x39: {  	[sflag:s5] =	ssyncadd.s32 $0xFFFFF830  }
0x3a: {  	[tilespmem:s7], [sflag:$0x1] =	stream.indirect.gather [hbm4b:s2+s6], $0x80, s3, s6, $0xb8;
	[tilespmem:$0x19800] =	vst v63  }
0x3b: {  	_ = 	snop  }
0x3c: {  	[tilespmem:s8], [sflag:$0x2] =	stream.indirect.gather [hbm4b:s2+s6], $0x80, s6, s6, $0xb8;
	[tilespmem:$0x19800] =	vst v63  }
0x3d: {  	_ =	swait.ge [sflag:s9], $0xC800  }
0x3e: {  	[sflag:s9] =	ssyncset.done $0x0  }
0x3f: {  	[sflag:s9] =	ssyncadd.s32 $0xFFFF3800  }
0x40: {  	[hbm4b:s11+s3] =	stream.linear.scatter [tilespmem:s7], [sflag:$0x3], $0xC800, $0x38;
	[tilespmem:$0x19800] =	vst v63  }
0x41: {  	_ =	swait.ge [sflag:s10], $0xC800  }
0x42: {  	[sflag:s10] =	ssyncset.done $0x0  }
0x43: {  	[sflag:s10] =	ssyncadd.s32 $0xFFFF3800  }
0x44: {  	[tilespmem:s7], [sflag:$0x1] =	stream.indirect.gather [hbm4b:s2+s6], $0x80, s12, s6, $0xb8;
	[tilespmem:$0x19800] =	vst v63  }
0x45: {  	_ =	swait.ge [sflag:s13], $0xC800  }
0x46: {  	[sflag:s13] =	ssyncset.done $0x0  }
0x47: {  	[sflag:s13] =	ssyncadd.s32 $0xFFFF3800  }
0x48: {  	[hbm4b:s14+s3] =	stream.linear.scatter [tilespmem:s8], [sflag:$0x4], $0xC800, $0x38;
	[tilespmem:$0x19800] =	vst v63  }
0x49: {  	_ =	swait.ge [sflag:s15], $0xC800  }
0x4a: {  	[sflag:s15] =	ssyncset.done $0x0  }
0x4b: {  	[sflag:s15] =	ssyncadd.s32 $0xFFFF3800  }
0x4c: {  	[tilespmem:s8], [sflag:$0x2] =	stream.indirect.gather [hbm4b:s2+s6], $0x80, s16, s6, $0xb8;
	[tilespmem:$0x19800] =	vst v63  }
0x4d: {  	_ =	swait.ge [sflag:s9], $0xC800  }
0x4e: {  	[sflag:s9] =	ssyncset.done $0x0  }
0x4f: {  	[sflag:s9] =	ssyncadd.s32 $0xFFFF3800  }
0x50: {  	[hbm4b:s17+s3] =	stream.linear.scatter [tilespmem:s7], [sflag:$0x3], $0xC800, $0x38;
	[tilespmem:$0x19800] =	vst v63  }
0x51: {  	_ =	swait.ge [sflag:s10], $0xC800  }
0x52: {  	[sflag:s10] =	ssyncset.done $0x0  }
0x53: {  	[sflag:s10] =	ssyncadd.s32 $0xFFFF3800  }
0x54: {  	[tilespmem:s7], [sflag:$0x1] =	stream.indirect.gather [hbm4b:s2+s6], $0x80, s18, s6, $0xb8;
	[tilespmem:$0x19800] =	vst v63  }
0x55: {  	_ =	swait.ge [sflag:s13], $0xC800  }
0x56: {  	[sflag:s13] =	ssyncset.done $0x0  }
0x57: {  	[sflag:s13] =	ssyncadd.s32 $0xFFFF3800  }
0x58: {  	[hbm4b:s19+s3] =	stream.linear.scatter [tilespmem:s8], [sflag:$0x4], $0xC800, $0x38;
	[tilespmem:$0x19800] =	vst v63  }
0x59: {  	_ =	swait.ge [sflag:s9], $0xC800  }
0x5a: {  	[sflag:s9] =	ssyncset.done $0x0  }
0x5b: {  	[sflag:s9] =	ssyncadd.s32 $0xFFFF3800  }
0x5c: {  	[hbm4b:s20+s3] =	stream.linear.scatter [tilespmem:s7], [sflag:$0x3], $0xC800, $0x38;
	[tilespmem:$0x19800] =	vst v63  }
.Ltmp1:
0x5d: {  	_ =	swait.ge [sflag:s15], $0xC800;
	(pc) =	sbr.rel @p0 .LBB2_1-.Ltmp1, $4  }
0x5e: {  	[sflag:s15] =	ssyncset.done $0x0  }
0x5f: {  	[sflag:s15] =	ssyncadd.s32 $0xFFFF3800  }
0x60: {  	_ =	swait.ge [sflag:s10], $0xC800  }
0x61: {  	[sflag:s10] =	ssyncset.done $0x0  }
.LBB2_2:
0x62: {  	[sflag:s10] =	ssyncadd.s32 $0xFFFF3800  }
0x63: {  	_ =	sfence.sel $0x180000  }
0x64: {  	[bflag:$0x0] =	sbarrier.arrive $0xFFFF  }
0x65: {  	p0 =	sne.s32 s0, $0x0;
	_ =	strace $0x9000004A  }
0x66: {  	s0 =	sadd.s32 @!p0 $0x100000, s1;
	[bflag:$0x2] =	sbarrier.arrive $0xFFFF  }
0x67: {  	[sflag:s0] =	ssyncadd.tile.s32 @!p0 $0x1;
	_ =	shalt  }
.Lfunc_end2:
_tile_overlayer_lowered:
.L_overlay_start_2:
0x68: {  	(tag) =	ssettag $0x2  }
0x69: {  	s0 =	rddreg [dreg:$0x0];
	s2 =	stileid.u32  }
0x6a: {  	s1 =	rddreg [dreg:$0x1];
	p0 =	sne.s32 s2, $0x0  }
0x6b: {  	s3 =	rddreg [dreg:$0x2];
	[bflag:$0x3] =	sbarrier.arrive $0xFFFF;
	s2 =	simm.s32 @!p0 $0x1C05  }
0x6c: {  	[timem:s3], [sflag:s2] =	dma.local @!p0 [hbm:s0], s1  }
0x6d: {  	s0 =	simm.s32 @!p0 $0x5  }
0x6e: {  	_ =	swait.ge @!p0 [sflag:s0], s1  }
0x6f: {  	s1 =	ssub.s32 @!p0 $0x0, s1;
	[sflag:s0] =	ssyncset.done @!p0 $0x0  }
0x70: {  	[sflag:s0] =	ssyncadd.s32 @!p0 s1  }
0x71: {  	[bflag:$0x3] =	sbarrier.arrive $0xFFFF  }
0x72: {  	_ =	shalt  }

// kernel: kernel.19.cloned.1.call-start
scs
__scs_entry_jumppad:
0x0: {  	(pc) =	sbr.rel $0x88, $3  }
0x1: {  	(tag) =	ssettag $0x0;
	lr =	simm.s32 $0x1  }
0x2: {  	[smem:$0x3F94] =	sst lr;
	_ =	strace $0xD0000000  }
0x3: {  	_ = 	snop  }
0x4: {  	_ = 	snop  }
0x5: {  	_ = 	snop  }
0x6: {  	_ = 	snop  }
0x7: {  	_ = 	snop  }
__scs_overlays_trampoline_lowered:
0x8: {  	[smem:$0x3FA3] =	sst s0  }
0x9: {  	[smem:$0x3FA4] =	sst s1  }
0xa: {  	[smem:$0x3FA5] =	sst s2  }
0xb: {  	[smem:$0x3FA6] =	sst s3  }
0xc: {  	[smem:$0x3FA7] =	sst s4  }
0xd: {  	[smem:$0x3FA8] =	sst s5  }
0xe: {  	[smem:$0x3FA9] =	sst s6  }
0xf: {  	[smem:$0x3FAA] =	sst s7  }
0x10: {  	[smem:$0x3FAB] =	sst s8  }
0x11: {  	[smem:$0x3FAC] =	sst s9;
	s0 =	simm.s32 @!p0 $0x0  }
0x12: {  	s1 =	sld [smem:$0x3F92];
	s0 =	simm.s32 @p0 $0x1  }
0x13: {  	[smem:$0x3FAD] =	sst s0;
	s0 =	simm.s32 @!p1 $0x0  }
0x14: {  	s2 =	sld [smem:$0x3F91];
	s0 =	simm.s32 @p1 $0x1  }
0x15: {  	[smem:$0x3FAE] =	sst s0;
	s0 =	simm.s32 @!p2 $0x0  }
0x16: {  	s3 =	sld [smem:$0x3FDB];
	s0 =	simm.s32 @p2 $0x1  }
0x17: {  	s4 =	simm.s32 $0x1BF5;
	[smem:$0x3FB0] =	sst s0  }
0x18: {  	s0 =	sld [smem:$0x3F93];
	_ =	swait.ge [sflag:s4], $0x0  }
0x19: {  	s7 =	sld [smem:$0x3F94]  }
0x1a: {  	s8 =	sadd.s32 $0xFFFFE003, lr  }
0x1b: {  	s9 =	sadd.s32 $0xFFFFFEF7, lr;
	s5 =	simm.s32 $0xFFFFFFFF;
	p2 =	slt.u32 s8, $0xFFFFF086  }
0x1c: {  	p1 =	slt.u32 s9, $0xF7A;
	s5 =	simm.s32 @!p2 $0x0  }
0x1d: {  	s5 =	simm.s32 @p1 $0x1;
	p0 =	seq.s32 s7, s2  }
0x1e: {  	s7 =	smul.u32 @!p0 $0xF7A, s2;
	p2 =	seq.s32 @!p0 s5, $0x0  }
0x1f: {  	s9 =	smul.u32 $0xF7A, s1;
	s8 =	simm.s32 @!p0 $0x1BF5;
	p2 =	por !p2, p0  }
0x20: {  	[sflag:s8] =	ssyncset.s32 @!p0 $0xFFFFF086;
	s6 =	sadd.s32 @!p0 s3, s7;
	s7 =	simm.s32 @!p0 $0x108  }
0x21: {  	s3 =	sadd.s32 s3, s9;
	s6 =	sadd.s32 @!p0 $0x88, s6;
	s7 =	simm.s32 @p2 $0x1082  }
0x22: {  	[simem:s7], [sflag:s8] =	dma.local @!p0 [hbm:s6], $0xF7A  }
0x23: {  	s9 =	sor.u32 $0xD0000000, s2;
	s6 =	simm.s32 $0x108;
	_ =	swait.ge @!p0 [sflag:s8], $0x0  }
0x24: {  	s3 =	sadd.s32 $0x88, s3;
	s6 =	simm.s32 @!p1 $0x1082;
	[sflag:s4] =	ssyncset.s32 $0xFFFFF086  }
0x25: {  	[simem:s6], [sflag:s4] =	dma.local [hbm:s3], $0xF7A  }
0x26: {  	[smem:$0x3F94] =	sst s1;
	(tag) =	ssettag s2;
	_ =	strace s9  }
0x27: {  	s1 =	sld [smem:$0x3FA4]  }
0x28: {  	s2 =	sld [smem:$0x3FA5]  }
0x29: {  	s4 =	sld [smem:$0x3FA7]  }
0x2a: {  	p0 =	seq.s32 s5, $0x0;
	s5 =	sld [smem:$0x3FA8]  }
0x2b: {  	s6 =	sld [smem:$0x3FA9]  }
0x2c: {  	s7 =	sld [smem:$0x3FAA]  }
0x2d: {  	s3 =	simm.s32 $0x108;
	s8 =	sld [smem:$0x3FAB]  }
0x2e: {  	s3 =	simm.s32 @!p0 $0x1082;
	s9 =	sld [smem:$0x3FAC]  }
0x2f: {  	lr =	sadd.s32 s0, s3;
	s0 =	sld [smem:$0x3FA3]  }
0x30: {  	s3 =	sld [smem:$0x3FA6]  }
0x31: {  	[smem:$0x3FAF] =	sst s10  }
0x32: {  	s10 =	sld [smem:$0x3FAD];
	_ =	sdelay $0x3  }
0x33: {  	p0 =	seq.s32 s10, $0x1;
	s10 =	sld [smem:$0x3FAF];
	_ =	sdelay $0x3  }
0x34: {  	[smem:$0x3FAF] =	sst s10  }
0x35: {  	s10 =	sld [smem:$0x3FAE];
	_ =	sdelay $0x3  }
0x36: {  	p1 =	seq.s32 s10, $0x1;
	s10 =	sld [smem:$0x3FAF];
	_ =	sdelay $0x3  }
0x37: {  	[smem:$0x3FAF] =	sst s10  }
0x38: {  	s10 =	sld [smem:$0x3FB0]  }
0x39: {  	_ = 	snop;
	(pc) =	sbr.ind lr, $3  }
0x3a: {  	_ = 	snop  }
0x3b: {  	_ = 	snop  }
0x3c: {  	p2 =	seq.s32 s10, $0x1;
	s10 =	sld [smem:$0x3FAF]  }
0x3d: {  	_ =	shalt  }
0x3e: {  	_ =	shalt  }
0x3f: {  	_ =	shalt  }
0x40: {  	_ =	shalt  }
0x41: {  	_ =	shalt  }
0x42: {  	_ =	shalt  }
0x43: {  	_ =	shalt  }
0x44: {  	_ =	shalt  }
0x45: {  	_ =	shalt  }
0x46: {  	_ =	shalt  }
0x47: {  	_ =	shalt  }
0x48: {  	_ =	shalt  }
0x49: {  	_ =	shalt  }
0x4a: {  	_ =	shalt  }
0x4b: {  	_ =	shalt  }
0x4c: {  	_ =	shalt  }
0x4d: {  	_ =	shalt  }
0x4e: {  	_ =	shalt  }
0x4f: {  	_ =	shalt  }
0x50: {  	_ =	shalt  }
0x51: {  	_ =	shalt  }
0x52: {  	_ =	shalt  }
0x53: {  	_ =	shalt  }
0x54: {  	_ =	shalt  }
0x55: {  	_ =	shalt  }
0x56: {  	_ =	shalt  }
0x57: {  	_ =	shalt  }
0x58: {  	_ =	shalt  }
0x59: {  	_ =	shalt  }
0x5a: {  	_ =	shalt  }
0x5b: {  	_ =	shalt  }
0x5c: {  	_ =	shalt  }
0x5d: {  	_ =	shalt  }
0x5e: {  	_ =	shalt  }
0x5f: {  	_ =	shalt  }
0x60: {  	_ =	shalt  }
0x61: {  	_ =	shalt  }
0x62: {  	_ =	shalt  }
0x63: {  	_ =	shalt  }
0x64: {  	_ =	shalt  }
0x65: {  	_ =	shalt  }
0x66: {  	_ =	shalt  }
0x67: {  	_ =	shalt  }
0x68: {  	_ =	shalt  }
0x69: {  	_ =	shalt  }
0x6a: {  	_ =	shalt  }
0x6b: {  	_ =	shalt  }
0x6c: {  	_ =	shalt  }
0x6d: {  	_ =	shalt  }
0x6e: {  	_ =	shalt  }
0x6f: {  	_ =	shalt  }
0x70: {  	_ =	shalt  }
0x71: {  	_ =	shalt  }
0x72: {  	_ =	shalt  }
0x73: {  	_ =	shalt  }
0x74: {  	_ =	shalt  }
0x75: {  	_ =	shalt  }
0x76: {  	_ =	shalt  }
0x77: {  	_ =	shalt  }
0x78: {  	_ =	shalt  }
0x79: {  	_ =	shalt  }
0x7a: {  	_ =	shalt  }
0x7b: {  	_ =	shalt  }
0x7c: {  	_ =	shalt  }
0x7d: {  	_ =	shalt  }
0x7e: {  	_ =	shalt  }
0x7f: {  	_ =	shalt  }
0x80: {  	_ =	shalt  }
0x81: {  	_ =	shalt  }
0x82: {  	_ =	shalt  }
0x83: {  	_ =	shalt  }
0x84: {  	_ =	shalt  }
0x85: {  	_ =	shalt  }
0x86: {  	_ =	shalt  }
0x87: {  	_ =	shalt  }
.Lfunc_end0:
.L_simem_size_0:
called_computation.2_lowered:
.L_overlay_start_0:
0x88: {  	s2 =	sld [smem:$0x3FD9]  }
0x89: {  	s3 =	sld [smem:$0x3FFE];
	_ =	sdelay $0x1  }
0x8a: {  	s1 =	srdreg.scid  }
0x8b: {  	s0 =	sand.u32 $0x1, s1  }
0x8c: {  	s17 =	sshll.u32 s0, $0xA;
	s2 =	sadd.s32 s3, s2  }
0x8d: {  	s2 =	sadd.s32 s2, s17  }
0x8e: {  	[smem:$0x3FBB] =	sst s2  }
0x8f: {  	_ = 	snop  }
0x90: {  	s18 =	sld [smem:$0x3FD0];
	(tm) =	ssettm $0x1  }
0x91: {  	s19 =	sld [smem:$0x3FFB];
	_ =	sdelay $0x3  }
0x92: {  	_ =	strace s19  }
0x93: {  	s2 =	sld [smem:$0x3FFC];
	_ =	sdelay $0x3  }
0x94: {  	_ =	strace s2  }
0x95: {  	s2 =	sld [smem:$0x3FFD];
	_ =	sdelay $0x3  }
0x96: {  	_ =	strace s2  }
0x97: {  	_ =	strace $0x8FFFFFFF  }
0x98: {  	s20 =	sld [smem:$0x3FDB];
	_ =	sdelay $0x1  }
0x99: {  	s4 =	simm.s32 $_scs_section_size  }
0x9a: {  	s5 =	simm.s32 $_size__tile_overlayer_lowered;
	s6 =	simm.s32 $_tile_overlayer_lowered  }
0x9b: {  	s7 =	simm.s32 $0x1BFF;
	s21 =	sshll.u32 s6, $0x1;
	s4 =	sadd.s32 s4, s20  }
0x9c: {  	s22 =	simm.s32 $0x0;
	s5 =	sshll.u32 s5, $0x1;
	s6 =	sadd.s32 s21, s4  }
0x9d: {  	[timem:s22], [sflag:s7] =	dma.local [hbm:s6], s5  }
0x9e: {  	_ =	swait.ge [sflag:s7], s5  }
0x9f: {  	s5 =	ssub.s32 $0x0, s5;
	[sflag:s7] =	ssyncset.done $0x0  }
0xa0: {  	[sflag:s7] =	ssyncadd.s32 s5;
	_ =	sdelay $0x1  }
0xa1: {  	s23 =	simm.s32 $0x1B8B  }
0xa2: {  	_ =	swait.ge [sflag:s23], $0x1  }
0xa3: {  	[sflag:s23] =	ssyncset.done $0x0  }
0xa4: {  	[sflag:s23] =	ssyncadd.s32 $0xFFFFFFFF  }
0xa5: {  	s5 =	sld [smem:$0x0]  }
0xa6: {  	s6 =	sand.u32 $0xFFFFFFFE, s1  }
0xa7: {  	p0 =	sne.s32 s1, s6  }
0xa8: {  	s6 =	sshll.u32 @p0 s6, $0xE  }
0xa9: {  	s6 =	sadd.s32 @p0 $0x11B8D, s6;
	s7 =	sshll.u32 @p0 s5, $0x11  }
0xaa: {  	s6 =	sor.u32 @p0 s7, s6  }
0xab: {  	[sflag:s6] =	ssyncadd.remote.s32 @p0 $0x1;
	_ =	sdelay $0x1  }
0xac: {  	s6 =	simm.s32 @p0 $0x1B8D  }
0xad: {  	_ =	swait.eq @p0 [sflag:s6], $0x1  }
0xae: {  	[sflag:s6] =	ssyncadd.s32 @p0 $0xFFFFFFFF  }
0xaf: {  	s7 =	sshll.u32 @!p0 s1, $0xE  }
0xb0: {  	s7 =	sor.u32 @!p0 $0x4000, s7;
	s6 =	simm.s32 @!p0 $0x1B8D  }
0xb1: {  	s5 =	sshll.u32 @!p0 s5, $0x11;
	s7 =	sadd.s32 @!p0 $0x11B8D, s7;
	_ =	swait.eq @!p0 [sflag:s6], $0x1  }
0xb2: {  	s5 =	sor.u32 @!p0 s5, s7;
	[sflag:s6] =	ssyncadd.s32 @!p0 $0xFFFFFFFF  }
0xb3: {  	s25 =	simm.s32 $0x1B8E;
	s24 =	sld [smem:$0x3FFE];
	[sflag:s5] =	ssyncadd.remote.s32 @!p0 $0x1  }
0xb4: {  	s26 =	simm.s32 $execute0_lowered;
	[smem:$0x3FD2] =	sst s25  }
0xb5: {  	s6 =	sshll.u32 s26, $0x1;
	_ =	strace $0x8000004C;
	[dreg:$0x1] =	wrdreg $0xFFFFFFFF  }
0xb6: {  	s28 =	simm.s32 $_size_execute0_lowered;
	s4 =	sadd.s32 s4, s6;
	[dreg:$0x0] =	wrdreg $0x0  }
0xb7: {  	s6 =	sshll.u32 s28, $0x1;
	[dreg:$0x2] =	wrdreg s4  }
0xb8: {  	[dreg:$0x3] =	wrdreg s6  }
0xb9: {  	[dreg:$0x4] =	wrdreg $0xC0  }
0xba: {  	_ =	task [dreg:s22], $0x5FFFF  }
0xbb: {  	[dreg:$0x1] =	wrdreg $0xFFFFFFFF  }
0xbc: {  	[dreg:$0x0] =	wrdreg $0x60  }
0xbd: {  	[dreg:$0x2] =	wrdreg s18  }
0xbe: {  	[dreg:$0x3] =	wrdreg s24  }
0xbf: {  	[dreg:$0x4] =	wrdreg $0xB  }
0xc0: {  	_ =	task.clear_ibuf [dreg:s22], $0x5FFFF;
	_ =	strace $0x9000004C  }
0xc1: {  	s29 =	simm.s32 $0xB;
	_ =	strace $0x8000004E  }
0xc2: {  	_ =	swait.ge [sflag:s29], $0x1  }
0xc3: {  	[sflag:s29] =	ssyncadd.s32 $0xFFFFFFFF  }
0xc4: {  	_ =	strace $0x9000004E  }
0xc5: {  	_ =	sfence  }
0xc6: {  	s30 =	sld [smem:$0x0];
	_ =	sdelay $0x2  }
0xc7: {  	s31 =	sshll.u32 s1, $0xD;
	s1 =	sshrl.u32 s1, $0x2  }
0xc8: {  	s4 =	sand.u32 $0x4000, s31;
	s1 =	sadd.s32 s1, s30  }
0xc9: {  	s0 =	sor.u32 s4, s0;
	s1 =	sshll.u32 s1, $0x11  }
0xca: {  	s0 =	sor.u32 s1, s0  }
0xcb: {  	s0 =	sadd.s32 $0x8F2B, s0  }
0xcc: {  	[sflag:s0] =	ssyncadd.remote.s32 $0x1  }
0xcd: {  	_ =	sfence.sel $0xFFFF  }
0xce: {  	[dreg:$0x0] =	wrdreg $0xFFFFFFFF;
	(pc) =	sbr.abs _section_cstart, $3  }
0xcf: {  	[dreg:$0x1] =	wrdreg $0xFFFFFFFF  }
0xd0: {  	_ =	task.clear_ibuf [dreg:s22], $0x2FFFF;
	_ =	strace $0x9FFFFFFF  }
0xd1: {  	(tm) =	ssettm $0x7FFFFFFF  }
tec
execute0_lowered:
.L_overlay_start_1:
0x0: {  	(tag) =	ssettag $0x1  }
0x1: {  	s1 =	srdreg.scid;
	s0 =	stileid.u32  }
0x2: {  	s20 =	sand.u32 $0x1, s1;
	s30 =	sshll.u32 s0, $0x1  }
0x3: {  	s12 =	sor.u32 s20, s30  }
0x4: {  	s4 =	smul.u32 $0x7D0, s12  }
0x5: {  	s2 =	rddreg [dreg:$0x0]  }
0x6: {  	s10 =	rddreg [dreg:$0x1];
	s3 =	simm.s32 $0x0;
	s4 =	sshrl.u32 s4, $0x3  }
0x7: {  	s5 =	simm.s32 $0x5;
	[smem:$0x7FF] =	sst s3;
	s4 =	sadd.s32 s10, s4  }
0x8: {  	s1 =	rddreg [dreg:$0x2];
	_ =	strace $0x8000004D;
	s4 =	sadd.s32 $0x8280, s4  }
0x9: {  	[tilespmem:s3], [sflag:$0x5] =	stream.linear.gather [hbm4b:s4+s3], $0x7D0, $0x38;
	[tilespmem:$0x19800] =	vst v63  }
0xa: {  	_ =	swait.ge [sflag:s5], $0x7D0  }
0xb: {  	[sflag:s5] =	ssyncset.done $0x0  }
0xc: {  	s6 =	simm.s32 $0x190;
	s7 =	simm.s32 $0x800;
	[sflag:s5] =	ssyncadd.s32 $0xFFFFF830  }
0xd: {  	[tilespmem:s7], [sflag:$0x1] =	stream.indirect.gather [hbm4b:s2+s6], $0x80, s3, s6, $0xb8;
	[tilespmem:$0x19800] =	vst v63  }
0xe: {  	s8 =	simm.s32 $0xD000;
	s9 =	simm.s32 $0x1  }
0xf: {  	[tilespmem:s8], [sflag:$0x2] =	stream.indirect.gather [hbm4b:s2+s6], $0x80, s6, s6, $0xb8;
	[tilespmem:$0x19800] =	vst v63  }
0x10: {  	s11 =	smul.u32 $0x7D00, s12;
	_ =	swait.ge [sflag:s9], $0xC800  }
0x11: {  	s14 =	sadd.s32 $0x202200, s10;
	[sflag:s9] =	ssyncset.done $0x0  }
0x12: {  	s11 =	sadd.s32 s14, s11;
	s10 =	simm.s32 $0x3;
	[sflag:s9] =	ssyncadd.s32 $0xFFFF3800  }
0x13: {  	[hbm4b:s11+s3] =	stream.linear.scatter [tilespmem:s7], [sflag:$0x3], $0xC800, $0x38;
	[tilespmem:$0x19800] =	vst v63  }
0x14: {  	_ =	swait.ge [sflag:s10], $0xC800  }
0x15: {  	s13 =	simm.s32 $0x2;
	[sflag:s10] =	ssyncset.done $0x0  }
0x16: {  	s15 =	smul.u32 $0x3E800, s12;
	s12 =	simm.s32 $0x320;
	[sflag:s10] =	ssyncadd.s32 $0xFFFF3800  }
0x17: {  	[tilespmem:s7], [sflag:$0x1] =	stream.indirect.gather [hbm4b:s2+s6], $0x80, s12, s6, $0xb8;
	[tilespmem:$0x19800] =	vst v63  }
0x18: {  	s15 =	sshrl.u32 s15, $0x3;
	_ =	swait.ge [sflag:s13], $0xC800  }
0x19: {  	s21 =	sadd.s32 s14, s15;
	[sflag:s13] =	ssyncset.done $0x0  }
0x1a: {  	s15 =	simm.s32 $0x4;
	s14 =	sadd.s32 $0x1900, s21;
	[sflag:s13] =	ssyncadd.s32 $0xFFFF3800  }
0x1b: {  	[hbm4b:s14+s3] =	stream.linear.scatter [tilespmem:s8], [sflag:$0x4], $0xC800, $0x38;
	[tilespmem:$0x19800] =	vst v63  }
0x1c: {  	_ =	swait.ge [sflag:s15], $0xC800  }
0x1d: {  	[sflag:s15] =	ssyncset.done $0x0  }
0x1e: {  	s16 =	simm.s32 $0x4B0;
	[sflag:s15] =	ssyncadd.s32 $0xFFFF3800  }
0x1f: {  	[tilespmem:s8], [sflag:$0x2] =	stream.indirect.gather [hbm4b:s2+s6], $0x80, s16, s6, $0xb8;
	[tilespmem:$0x19800] =	vst v63  }
0x20: {  	_ =	swait.ge [sflag:s9], $0xC800  }
0x21: {  	[sflag:s9] =	ssyncset.done $0x0  }
0x22: {  	s17 =	sadd.s32 $0x3200, s21;
	[sflag:s9] =	ssyncadd.s32 $0xFFFF3800  }
0x23: {  	[hbm4b:s17+s3] =	stream.linear.scatter [tilespmem:s7], [sflag:$0x3], $0xC800, $0x38;
	[tilespmem:$0x19800] =	vst v63  }
0x24: {  	_ =	swait.ge [sflag:s10], $0xC800  }
0x25: {  	[sflag:s10] =	ssyncset.done $0x0  }
0x26: {  	s18 =	simm.s32 $0x640;
	[sflag:s10] =	ssyncadd.s32 $0xFFFF3800  }
0x27: {  	[tilespmem:s7], [sflag:$0x1] =	stream.indirect.gather [hbm4b:s2+s6], $0x80, s18, s6, $0xb8;
	[tilespmem:$0x19800] =	vst v63  }
0x28: {  	_ =	swait.ge [sflag:s13], $0xC800  }
0x29: {  	s22 =	ssub.s32 $0x2, s20;
	[sflag:s13] =	ssyncset.done $0x0  }
0x2a: {  	s31 =	sshrl.u32 s22, $0x1;
	s19 =	sadd.s32 $0x4B00, s21;
	[sflag:s13] =	ssyncadd.s32 $0xFFFF3800  }
0x2b: {  	[hbm4b:s19+s3] =	stream.linear.scatter [tilespmem:s8], [sflag:$0x4], $0xC800, $0x38;
	[tilespmem:$0x19800] =	vst v63  }
0x2c: {  	s20 =	sadd.s32 $0x6400, s21;
	s21 =	ssub.s32 s22, s31;
	_ =	swait.ge [sflag:s9], $0xC800  }
0x2d: {  	s21 =	smax.u32 s21, $0x1;
	[sflag:s9] =	ssyncset.done $0x0  }
0x2e: {  	p0 =	sne.s32 s21, $0x1;
	[sflag:s9] =	ssyncadd.s32 $0xFFFF3800  }
0x2f: {  	[hbm4b:s20+s3] =	stream.linear.scatter [tilespmem:s7], [sflag:$0x3], $0xC800, $0x38;
	[tilespmem:$0x19800] =	vst v63  }
.Ltmp0:
0x30: {  	_ =	swait.ge [sflag:s15], $0xC800;
	(pc) =	sbr.rel @!p0 .LBB2_2-.Ltmp0, $4  }
0x31: {  	[sflag:s15] =	ssyncset.done $0x0  }
0x32: {  	[sflag:s15] =	ssyncadd.s32 $0xFFFF3800  }
0x33: {  	_ =	swait.ge [sflag:s10], $0xC800  }
0x34: {  	s21 =	sadd.s32 $0xFFFFFFFF, s21;
	[sflag:s10] =	ssyncset.done $0x0  }
.LBB2_1:
0x35: {  	p0 =	sne.s32 s21, $0x1;
	s21 =	sadd.s32 $0xFFFFFFFF, s21;
	[sflag:s10] =	ssyncadd.s32 $0xFFFF3800  }
0x36: {  	[tilespmem:s3], [sflag:$0x5] =	stream.linear.gather [hbm4b:s4+s3], $0x7D0, $0x38;
	[tilespmem:$0x19800] =	vst v63  }
0x37: {  	_ =	swait.ge [sflag:s5], $0x7D0  }
0x38: {  	[sflag:s5] =	ssyncset.done $0x0  }
0x39: {  	[sflag:s5] =	ssyncadd.s32 $0xFFFFF830  }
0x3a: {  	[tilespmem:s7], [sflag:$0x1] =	stream.indirect.gather [hbm4b:s2+s6], $0x80, s3, s6, $0xb8;
	[tilespmem:$0x19800] =	vst v63  }
0x3b: {  	_ = 	snop  }
0x3c: {  	[tilespmem:s8], [sflag:$0x2] =	stream.indirect.gather [hbm4b:s2+s6], $0x80, s6, s6, $0xb8;
	[tilespmem:$0x19800] =	vst v63  }
0x3d: {  	_ =	swait.ge [sflag:s9], $0xC800  }
0x3e: {  	[sflag:s9] =	ssyncset.done $0x0  }
0x3f: {  	[sflag:s9] =	ssyncadd.s32 $0xFFFF3800  }
0x40: {  	[hbm4b:s11+s3] =	stream.linear.scatter [tilespmem:s7], [sflag:$0x3], $0xC800, $0x38;
	[tilespmem:$0x19800] =	vst v63  }
0x41: {  	_ =	swait.ge [sflag:s10], $0xC800  }
0x42: {  	[sflag:s10] =	ssyncset.done $0x0  }
0x43: {  	[sflag:s10] =	ssyncadd.s32 $0xFFFF3800  }
0x44: {  	[tilespmem:s7], [sflag:$0x1] =	stream.indirect.gather [hbm4b:s2+s6], $0x80, s12, s6, $0xb8;
	[tilespmem:$0x19800] =	vst v63  }
0x45: {  	_ =	swait.ge [sflag:s13], $0xC800  }
0x46: {  	[sflag:s13] =	ssyncset.done $0x0  }
0x47: {  	[sflag:s13] =	ssyncadd.s32 $0xFFFF3800  }
0x48: {  	[hbm4b:s14+s3] =	stream.linear.scatter [tilespmem:s8], [sflag:$0x4], $0xC800, $0x38;
	[tilespmem:$0x19800] =	vst v63  }
0x49: {  	_ =	swait.ge [sflag:s15], $0xC800  }
0x4a: {  	[sflag:s15] =	ssyncset.done $0x0  }
0x4b: {  	[sflag:s15] =	ssyncadd.s32 $0xFFFF3800  }
0x4c: {  	[tilespmem:s8], [sflag:$0x2] =	stream.indirect.gather [hbm4b:s2+s6], $0x80, s16, s6, $0xb8;
	[tilespmem:$0x19800] =	vst v63  }
0x4d: {  	_ =	swait.ge [sflag:s9], $0xC800  }
0x4e: {  	[sflag:s9] =	ssyncset.done $0x0  }
0x4f: {  	[sflag:s9] =	ssyncadd.s32 $0xFFFF3800  }
0x50: {  	[hbm4b:s17+s3] =	stream.linear.scatter [tilespmem:s7], [sflag:$0x3], $0xC800, $0x38;
	[tilespmem:$0x19800] =	vst v63  }
0x51: {  	_ =	swait.ge [sflag:s10], $0xC800  }
0x52: {  	[sflag:s10] =	ssyncset.done $0x0  }
0x53: {  	[sflag:s10] =	ssyncadd.s32 $0xFFFF3800  }
0x54: {  	[tilespmem:s7], [sflag:$0x1] =	stream.indirect.gather [hbm4b:s2+s6], $0x80, s18, s6, $0xb8;
	[tilespmem:$0x19800] =	vst v63  }
0x55: {  	_ =	swait.ge [sflag:s13], $0xC800  }
0x56: {  	[sflag:s13] =	ssyncset.done $0x0  }
0x57: {  	[sflag:s13] =	ssyncadd.s32 $0xFFFF3800  }
0x58: {  	[hbm4b:s19+s3] =	stream.linear.scatter [tilespmem:s8], [sflag:$0x4], $0xC800, $0x38;
	[tilespmem:$0x19800] =	vst v63  }
0x59: {  	_ =	swait.ge [sflag:s9], $0xC800  }
0x5a: {  	[sflag:s9] =	ssyncset.done $0x0  }
0x5b: {  	[sflag:s9] =	ssyncadd.s32 $0xFFFF3800  }
0x5c: {  	[hbm4b:s20+s3] =	stream.linear.scatter [tilespmem:s7], [sflag:$0x3], $0xC800, $0x38;
	[tilespmem:$0x19800] =	vst v63  }
.Ltmp1:
0x5d: {  	_ =	swait.ge [sflag:s15], $0xC800;
	(pc) =	sbr.rel @p0 .LBB2_1-.Ltmp1, $4  }
0x5e: {  	[sflag:s15] =	ssyncset.done $0x0  }
0x5f: {  	[sflag:s15] =	ssyncadd.s32 $0xFFFF3800  }
0x60: {  	_ =	swait.ge [sflag:s10], $0xC800  }
0x61: {  	[sflag:s10] =	ssyncset.done $0x0  }
.LBB2_2:
0x62: {  	[sflag:s10] =	ssyncadd.s32 $0xFFFF3800  }
0x63: {  	_ =	sfence.sel $0x180000  }
0x64: {  	[bflag:$0x0] =	sbarrier.arrive $0xFFFF  }
0x65: {  	p0 =	sne.s32 s0, $0x0;
	_ =	strace $0x9000004D  }
0x66: {  	s0 =	sadd.s32 @!p0 $0x100000, s1;
	[bflag:$0x2] =	sbarrier.arrive $0xFFFF  }
0x67: {  	[sflag:s0] =	ssyncadd.tile.s32 @!p0 $0x1;
	_ =	shalt  }
.Lfunc_end2:
_tile_overlayer_lowered:
.L_overlay_start_2:
0x68: {  	(tag) =	ssettag $0x2  }
0x69: {  	s0 =	rddreg [dreg:$0x0];
	s2 =	stileid.u32  }
0x6a: {  	s1 =	rddreg [dreg:$0x1];
	p0 =	sne.s32 s2, $0x0  }
0x6b: {  	s3 =	rddreg [dreg:$0x2];
	[bflag:$0x3] =	sbarrier.arrive $0xFFFF;
	s2 =	simm.s32 @!p0 $0x1C05  }
0x6c: {  	[timem:s3], [sflag:s2] =	dma.local @!p0 [hbm:s0], s1  }
0x6d: {  	s0 =	simm.s32 @!p0 $0x5  }
0x6e: {  	_ =	swait.ge @!p0 [sflag:s0], s1  }
0x6f: {  	s1 =	ssub.s32 @!p0 $0x0, s1;
	[sflag:s0] =	ssyncset.done @!p0 $0x0  }
0x70: {  	[sflag:s0] =	ssyncadd.s32 @!p0 s1  }
0x71: {  	[bflag:$0x3] =	sbarrier.arrive $0xFFFF  }
0x72: {  	_ =	shalt  }

// kernel: kernel.22.cloned.1.call-start
scs
__scs_entry_jumppad:
0x0: {  	(pc) =	sbr.rel $0x88, $3  }
0x1: {  	(tag) =	ssettag $0x0;
	lr =	simm.s32 $0x1  }
0x2: {  	[smem:$0x3F94] =	sst lr;
	_ =	strace $0xD0000000  }
0x3: {  	_ = 	snop  }
0x4: {  	_ = 	snop  }
0x5: {  	_ = 	snop  }
0x6: {  	_ = 	snop  }
0x7: {  	_ = 	snop  }
__scs_overlays_trampoline_lowered:
0x8: {  	[smem:$0x3FA3] =	sst s0  }
0x9: {  	[smem:$0x3FA4] =	sst s1  }
0xa: {  	[smem:$0x3FA5] =	sst s2  }
0xb: {  	[smem:$0x3FA6] =	sst s3  }
0xc: {  	[smem:$0x3FA7] =	sst s4  }
0xd: {  	[smem:$0x3FA8] =	sst s5  }
0xe: {  	[smem:$0x3FA9] =	sst s6  }
0xf: {  	[smem:$0x3FAA] =	sst s7  }
0x10: {  	[smem:$0x3FAB] =	sst s8  }
0x11: {  	[smem:$0x3FAC] =	sst s9;
	s0 =	simm.s32 @!p0 $0x0  }
0x12: {  	s1 =	sld [smem:$0x3F92];
	s0 =	simm.s32 @p0 $0x1  }
0x13: {  	[smem:$0x3FAD] =	sst s0;
	s0 =	simm.s32 @!p1 $0x0  }
0x14: {  	s2 =	sld [smem:$0x3F91];
	s0 =	simm.s32 @p1 $0x1  }
0x15: {  	[smem:$0x3FAE] =	sst s0;
	s0 =	simm.s32 @!p2 $0x0  }
0x16: {  	s3 =	sld [smem:$0x3FDB];
	s0 =	simm.s32 @p2 $0x1  }
0x17: {  	s4 =	simm.s32 $0x1BF5;
	[smem:$0x3FB0] =	sst s0  }
0x18: {  	s0 =	sld [smem:$0x3F93];
	_ =	swait.ge [sflag:s4], $0x0  }
0x19: {  	s7 =	sld [smem:$0x3F94]  }
0x1a: {  	s8 =	sadd.s32 $0xFFFFE003, lr  }
0x1b: {  	s9 =	sadd.s32 $0xFFFFFEF7, lr;
	s5 =	simm.s32 $0xFFFFFFFF;
	p2 =	slt.u32 s8, $0xFFFFF086  }
0x1c: {  	p1 =	slt.u32 s9, $0xF7A;
	s5 =	simm.s32 @!p2 $0x0  }
0x1d: {  	s5 =	simm.s32 @p1 $0x1;
	p0 =	seq.s32 s7, s2  }
0x1e: {  	s7 =	smul.u32 @!p0 $0xF7A, s2;
	p2 =	seq.s32 @!p0 s5, $0x0  }
0x1f: {  	s9 =	smul.u32 $0xF7A, s1;
	s8 =	simm.s32 @!p0 $0x1BF5;
	p2 =	por !p2, p0  }
0x20: {  	[sflag:s8] =	ssyncset.s32 @!p0 $0xFFFFF086;
	s6 =	sadd.s32 @!p0 s3, s7;
	s7 =	simm.s32 @!p0 $0x108  }
0x21: {  	s3 =	sadd.s32 s3, s9;
	s6 =	sadd.s32 @!p0 $0x88, s6;
	s7 =	simm.s32 @p2 $0x1082  }
0x22: {  	[simem:s7], [sflag:s8] =	dma.local @!p0 [hbm:s6], $0xF7A  }
0x23: {  	s9 =	sor.u32 $0xD0000000, s2;
	s6 =	simm.s32 $0x108;
	_ =	swait.ge @!p0 [sflag:s8], $0x0  }
0x24: {  	s3 =	sadd.s32 $0x88, s3;
	s6 =	simm.s32 @!p1 $0x1082;
	[sflag:s4] =	ssyncset.s32 $0xFFFFF086  }
0x25: {  	[simem:s6], [sflag:s4] =	dma.local [hbm:s3], $0xF7A  }
0x26: {  	[smem:$0x3F94] =	sst s1;
	(tag) =	ssettag s2;
	_ =	strace s9  }
0x27: {  	s1 =	sld [smem:$0x3FA4]  }
0x28: {  	s2 =	sld [smem:$0x3FA5]  }
0x29: {  	s4 =	sld [smem:$0x3FA7]  }
0x2a: {  	p0 =	seq.s32 s5, $0x0;
	s5 =	sld [smem:$0x3FA8]  }
0x2b: {  	s6 =	sld [smem:$0x3FA9]  }
0x2c: {  	s7 =	sld [smem:$0x3FAA]  }
0x2d: {  	s3 =	simm.s32 $0x108;
	s8 =	sld [smem:$0x3FAB]  }
0x2e: {  	s3 =	simm.s32 @!p0 $0x1082;
	s9 =	sld [smem:$0x3FAC]  }
0x2f: {  	lr =	sadd.s32 s0, s3;
	s0 =	sld [smem:$0x3FA3]  }
0x30: {  	s3 =	sld [smem:$0x3FA6]  }
0x31: {  	[smem:$0x3FAF] =	sst s10  }
0x32: {  	s10 =	sld [smem:$0x3FAD];
	_ =	sdelay $0x3  }
0x33: {  	p0 =	seq.s32 s10, $0x1;
	s10 =	sld [smem:$0x3FAF];
	_ =	sdelay $0x3  }
0x34: {  	[smem:$0x3FAF] =	sst s10  }
0x35: {  	s10 =	sld [smem:$0x3FAE];
	_ =	sdelay $0x3  }
0x36: {  	p1 =	seq.s32 s10, $0x1;
	s10 =	sld [smem:$0x3FAF];
	_ =	sdelay $0x3  }
0x37: {  	[smem:$0x3FAF] =	sst s10  }
0x38: {  	s10 =	sld [smem:$0x3FB0]  }
0x39: {  	_ = 	snop;
	(pc) =	sbr.ind lr, $3  }
0x3a: {  	_ = 	snop  }
0x3b: {  	_ = 	snop  }
0x3c: {  	p2 =	seq.s32 s10, $0x1;
	s10 =	sld [smem:$0x3FAF]  }
0x3d: {  	_ =	shalt  }
0x3e: {  	_ =	shalt  }
0x3f: {  	_ =	shalt  }
0x40: {  	_ =	shalt  }
0x41: {  	_ =	shalt  }
0x42: {  	_ =	shalt  }
0x43: {  	_ =	shalt  }
0x44: {  	_ =	shalt  }
0x45: {  	_ =	shalt  }
0x46: {  	_ =	shalt  }
0x47: {  	_ =	shalt  }
0x48: {  	_ =	shalt  }
0x49: {  	_ =	shalt  }
0x4a: {  	_ =	shalt  }
0x4b: {  	_ =	shalt  }
0x4c: {  	_ =	shalt  }
0x4d: {  	_ =	shalt  }
0x4e: {  	_ =	shalt  }
0x4f: {  	_ =	shalt  }
0x50: {  	_ =	shalt  }
0x51: {  	_ =	shalt  }
0x52: {  	_ =	shalt  }
0x53: {  	_ =	shalt  }
0x54: {  	_ =	shalt  }
0x55: {  	_ =	shalt  }
0x56: {  	_ =	shalt  }
0x57: {  	_ =	shalt  }
0x58: {  	_ =	shalt  }
0x59: {  	_ =	shalt  }
0x5a: {  	_ =	shalt  }
0x5b: {  	_ =	shalt  }
0x5c: {  	_ =	shalt  }
0x5d: {  	_ =	shalt  }
0x5e: {  	_ =	shalt  }
0x5f: {  	_ =	shalt  }
0x60: {  	_ =	shalt  }
0x61: {  	_ =	shalt  }
0x62: {  	_ =	shalt  }
0x63: {  	_ =	shalt  }
0x64: {  	_ =	shalt  }
0x65: {  	_ =	shalt  }
0x66: {  	_ =	shalt  }
0x67: {  	_ =	shalt  }
0x68: {  	_ =	shalt  }
0x69: {  	_ =	shalt  }
0x6a: {  	_ =	shalt  }
0x6b: {  	_ =	shalt  }
0x6c: {  	_ =	shalt  }
0x6d: {  	_ =	shalt  }
0x6e: {  	_ =	shalt  }
0x6f: {  	_ =	shalt  }
0x70: {  	_ =	shalt  }
0x71: {  	_ =	shalt  }
0x72: {  	_ =	shalt  }
0x73: {  	_ =	shalt  }
0x74: {  	_ =	shalt  }
0x75: {  	_ =	shalt  }
0x76: {  	_ =	shalt  }
0x77: {  	_ =	shalt  }
0x78: {  	_ =	shalt  }
0x79: {  	_ =	shalt  }
0x7a: {  	_ =	shalt  }
0x7b: {  	_ =	shalt  }
0x7c: {  	_ =	shalt  }
0x7d: {  	_ =	shalt  }
0x7e: {  	_ =	shalt  }
0x7f: {  	_ =	shalt  }
0x80: {  	_ =	shalt  }
0x81: {  	_ =	shalt  }
0x82: {  	_ =	shalt  }
0x83: {  	_ =	shalt  }
0x84: {  	_ =	shalt  }
0x85: {  	_ =	shalt  }
0x86: {  	_ =	shalt  }
0x87: {  	_ =	shalt  }
.Lfunc_end0:
.L_simem_size_0:
called_computation.3_lowered:
.L_overlay_start_0:
0x88: {  	s2 =	sld [smem:$0x3FD9]  }
0x89: {  	s3 =	sld [smem:$0x3FFE];
	_ =	sdelay $0x1  }
0x8a: {  	s1 =	srdreg.scid  }
0x8b: {  	s0 =	sand.u32 $0x1, s1  }
0x8c: {  	s17 =	sshll.u32 s0, $0xA;
	s2 =	sadd.s32 s3, s2  }
0x8d: {  	s2 =	sadd.s32 s2, s17  }
0x8e: {  	[smem:$0x3FBB] =	sst s2  }
0x8f: {  	_ = 	snop  }
0x90: {  	s18 =	sld [smem:$0x3FD0];
	(tm) =	ssettm $0x1  }
0x91: {  	s19 =	sld [smem:$0x3FFB];
	_ =	sdelay $0x3  }
0x92: {  	_ =	strace s19  }
0x93: {  	s2 =	sld [smem:$0x3FFC];
	_ =	sdelay $0x3  }
0x94: {  	_ =	strace s2  }
0x95: {  	s2 =	sld [smem:$0x3FFD];
	_ =	sdelay $0x3  }
0x96: {  	_ =	strace s2  }
0x97: {  	_ =	strace $0x8FFFFFFF  }
0x98: {  	s20 =	sld [smem:$0x3FDB];
	_ =	sdelay $0x1  }
0x99: {  	s4 =	simm.s32 $_scs_section_size  }
0x9a: {  	s5 =	simm.s32 $_size__tile_overlayer_lowered;
	s6 =	simm.s32 $_tile_overlayer_lowered  }
0x9b: {  	s7 =	simm.s32 $0x1BFF;
	s21 =	sshll.u32 s6, $0x1;
	s4 =	sadd.s32 s4, s20  }
0x9c: {  	s22 =	simm.s32 $0x0;
	s5 =	sshll.u32 s5, $0x1;
	s6 =	sadd.s32 s21, s4  }
0x9d: {  	[timem:s22], [sflag:s7] =	dma.local [hbm:s6], s5  }
0x9e: {  	_ =	swait.ge [sflag:s7], s5  }
0x9f: {  	s5 =	ssub.s32 $0x0, s5;
	[sflag:s7] =	ssyncset.done $0x0  }
0xa0: {  	[sflag:s7] =	ssyncadd.s32 s5;
	_ =	sdelay $0x1  }
0xa1: {  	s23 =	simm.s32 $0x1B8B  }
0xa2: {  	_ =	swait.ge [sflag:s23], $0x1  }
0xa3: {  	[sflag:s23] =	ssyncset.done $0x0  }
0xa4: {  	[sflag:s23] =	ssyncadd.s32 $0xFFFFFFFF  }
0xa5: {  	s5 =	sld [smem:$0x0]  }
0xa6: {  	s6 =	sand.u32 $0xFFFFFFFE, s1  }
0xa7: {  	p0 =	sne.s32 s1, s6  }
0xa8: {  	s6 =	sshll.u32 @p0 s6, $0xE  }
0xa9: {  	s6 =	sadd.s32 @p0 $0x11B8D, s6;
	s7 =	sshll.u32 @p0 s5, $0x11  }
0xaa: {  	s6 =	sor.u32 @p0 s7, s6  }
0xab: {  	[sflag:s6] =	ssyncadd.remote.s32 @p0 $0x1;
	_ =	sdelay $0x1  }
0xac: {  	s6 =	simm.s32 @p0 $0x1B8D  }
0xad: {  	_ =	swait.eq @p0 [sflag:s6], $0x1  }
0xae: {  	[sflag:s6] =	ssyncadd.s32 @p0 $0xFFFFFFFF  }
0xaf: {  	s7 =	sshll.u32 @!p0 s1, $0xE  }
0xb0: {  	s7 =	sor.u32 @!p0 $0x4000, s7;
	s6 =	simm.s32 @!p0 $0x1B8D  }
0xb1: {  	s5 =	sshll.u32 @!p0 s5, $0x11;
	s7 =	sadd.s32 @!p0 $0x11B8D, s7;
	_ =	swait.eq @!p0 [sflag:s6], $0x1  }
0xb2: {  	s5 =	sor.u32 @!p0 s5, s7;
	[sflag:s6] =	ssyncadd.s32 @!p0 $0xFFFFFFFF  }
0xb3: {  	s25 =	simm.s32 $0x1B8E;
	s24 =	sld [smem:$0x3FFE];
	[sflag:s5] =	ssyncadd.remote.s32 @!p0 $0x1  }
0xb4: {  	s26 =	simm.s32 $execute0_lowered;
	[smem:$0x3FD2] =	sst s25  }
0xb5: {  	s6 =	sshll.u32 s26, $0x1;
	_ =	strace $0x8000004F;
	[dreg:$0x1] =	wrdreg $0xFFFFFFFF  }
0xb6: {  	s28 =	simm.s32 $_size_execute0_lowered;
	s4 =	sadd.s32 s4, s6;
	[dreg:$0x0] =	wrdreg $0x0  }
0xb7: {  	s6 =	sshll.u32 s28, $0x1;
	[dreg:$0x2] =	wrdreg s4  }
0xb8: {  	[dreg:$0x3] =	wrdreg s6  }
0xb9: {  	[dreg:$0x4] =	wrdreg $0xC0  }
0xba: {  	_ =	task [dreg:s22], $0x5FFFF  }
0xbb: {  	[dreg:$0x1] =	wrdreg $0xFFFFFFFF  }
0xbc: {  	[dreg:$0x0] =	wrdreg $0x60  }
0xbd: {  	[dreg:$0x2] =	wrdreg s18  }
0xbe: {  	[dreg:$0x3] =	wrdreg s24  }
0xbf: {  	[dreg:$0x4] =	wrdreg $0xC  }
0xc0: {  	_ =	task.clear_ibuf [dreg:s22], $0x5FFFF;
	_ =	strace $0x9000004F  }
0xc1: {  	s29 =	simm.s32 $0xC;
	_ =	strace $0x80000051  }
0xc2: {  	_ =	swait.ge [sflag:s29], $0x1  }
0xc3: {  	[sflag:s29] =	ssyncadd.s32 $0xFFFFFFFF  }
0xc4: {  	_ =	strace $0x90000051  }
0xc5: {  	_ =	sfence  }
0xc6: {  	s30 =	sld [smem:$0x0];
	_ =	sdelay $0x2  }
0xc7: {  	s31 =	sshll.u32 s1, $0xD;
	s1 =	sshrl.u32 s1, $0x2  }
0xc8: {  	s4 =	sand.u32 $0x4000, s31;
	s1 =	sadd.s32 s1, s30  }
0xc9: {  	s0 =	sor.u32 s4, s0;
	s1 =	sshll.u32 s1, $0x11  }
0xca: {  	s0 =	sor.u32 s1, s0  }
0xcb: {  	s0 =	sadd.s32 $0x8F2B, s0  }
0xcc: {  	[sflag:s0] =	ssyncadd.remote.s32 $0x1  }
0xcd: {  	_ =	sfence.sel $0xFFFF  }
0xce: {  	[dreg:$0x0] =	wrdreg $0xFFFFFFFF;
	(pc) =	sbr.abs _section_cstart, $3  }
0xcf: {  	[dreg:$0x1] =	wrdreg $0xFFFFFFFF  }
0xd0: {  	_ =	task.clear_ibuf [dreg:s22], $0x2FFFF;
	_ =	strace $0x9FFFFFFF  }
0xd1: {  	(tm) =	ssettm $0x7FFFFFFF  }
tec
execute0_lowered:
.L_overlay_start_1:
0x0: {  	(tag) =	ssettag $0x1  }
0x1: {  	s1 =	srdreg.scid;
	s0 =	stileid.u32  }
0x2: {  	s20 =	sand.u32 $0x1, s1;
	s30 =	sshll.u32 s0, $0x1  }
0x3: {  	s12 =	sor.u32 s20, s30  }
0x4: {  	s4 =	smul.u32 $0x7D0, s12  }
0x5: {  	s2 =	rddreg [dreg:$0x0]  }
0x6: {  	s10 =	rddreg [dreg:$0x1];
	s3 =	simm.s32 $0x0;
	s4 =	sshrl.u32 s4, $0x3  }
0x7: {  	s5 =	simm.s32 $0x5;
	[smem:$0x7FF] =	sst s3;
	s4 =	sadd.s32 s10, s4  }
0x8: {  	s1 =	rddreg [dreg:$0x2];
	_ =	strace $0x80000050;
	s4 =	sadd.s32 $0xA1C0, s4  }
0x9: {  	[tilespmem:s3], [sflag:$0x5] =	stream.linear.gather [hbm4b:s4+s3], $0x7D0, $0x38;
	[tilespmem:$0x19800] =	vst v63  }
0xa: {  	_ =	swait.ge [sflag:s5], $0x7D0  }
0xb: {  	[sflag:s5] =	ssyncset.done $0x0  }
0xc: {  	s6 =	simm.s32 $0x190;
	s7 =	simm.s32 $0x800;
	[sflag:s5] =	ssyncadd.s32 $0xFFFFF830  }
0xd: {  	[tilespmem:s7], [sflag:$0x1] =	stream.indirect.gather [hbm4b:s2+s6], $0x80, s3, s6, $0xb8;
	[tilespmem:$0x19800] =	vst v63  }
0xe: {  	s8 =	simm.s32 $0xD000;
	s9 =	simm.s32 $0x1  }
0xf: {  	[tilespmem:s8], [sflag:$0x2] =	stream.indirect.gather [hbm4b:s2+s6], $0x80, s6, s6, $0xb8;
	[tilespmem:$0x19800] =	vst v63  }
0x10: {  	s11 =	smul.u32 $0x7D00, s12;
	_ =	swait.ge [sflag:s9], $0xC800  }
0x11: {  	s14 =	sadd.s32 $0x2FC200, s10;
	[sflag:s9] =	ssyncset.done $0x0  }
0x12: {  	s11 =	sadd.s32 s14, s11;
	s10 =	simm.s32 $0x3;
	[sflag:s9] =	ssyncadd.s32 $0xFFFF3800  }
0x13: {  	[hbm4b:s11+s3] =	stream.linear.scatter [tilespmem:s7], [sflag:$0x3], $0xC800, $0x38;
	[tilespmem:$0x19800] =	vst v63  }
0x14: {  	_ =	swait.ge [sflag:s10], $0xC800  }
0x15: {  	s13 =	simm.s32 $0x2;
	[sflag:s10] =	ssyncset.done $0x0  }
0x16: {  	s15 =	smul.u32 $0x3E800, s12;
	s12 =	simm.s32 $0x320;
	[sflag:s10] =	ssyncadd.s32 $0xFFFF3800  }
0x17: {  	[tilespmem:s7], [sflag:$0x1] =	stream.indirect.gather [hbm4b:s2+s6], $0x80, s12, s6, $0xb8;
	[tilespmem:$0x19800] =	vst v63  }
0x18: {  	s15 =	sshrl.u32 s15, $0x3;
	_ =	swait.ge [sflag:s13], $0xC800  }
0x19: {  	s21 =	sadd.s32 s14, s15;
	[sflag:s13] =	ssyncset.done $0x0  }
0x1a: {  	s15 =	simm.s32 $0x4;
	s14 =	sadd.s32 $0x1900, s21;
	[sflag:s13] =	ssyncadd.s32 $0xFFFF3800  }
0x1b: {  	[hbm4b:s14+s3] =	stream.linear.scatter [tilespmem:s8], [sflag:$0x4], $0xC800, $0x38;
	[tilespmem:$0x19800] =	vst v63  }
0x1c: {  	_ =	swait.ge [sflag:s15], $0xC800  }
0x1d: {  	[sflag:s15] =	ssyncset.done $0x0  }
0x1e: {  	s16 =	simm.s32 $0x4B0;
	[sflag:s15] =	ssyncadd.s32 $0xFFFF3800  }
0x1f: {  	[tilespmem:s8], [sflag:$0x2] =	stream.indirect.gather [hbm4b:s2+s6], $0x80, s16, s6, $0xb8;
	[tilespmem:$0x19800] =	vst v63  }
0x20: {  	_ =	swait.ge [sflag:s9], $0xC800  }
0x21: {  	[sflag:s9] =	ssyncset.done $0x0  }
0x22: {  	s17 =	sadd.s32 $0x3200, s21;
	[sflag:s9] =	ssyncadd.s32 $0xFFFF3800  }
0x23: {  	[hbm4b:s17+s3] =	stream.linear.scatter [tilespmem:s7], [sflag:$0x3], $0xC800, $0x38;
	[tilespmem:$0x19800] =	vst v63  }
0x24: {  	_ =	swait.ge [sflag:s10], $0xC800  }
0x25: {  	[sflag:s10] =	ssyncset.done $0x0  }
0x26: {  	s18 =	simm.s32 $0x640;
	[sflag:s10] =	ssyncadd.s32 $0xFFFF3800  }
0x27: {  	[tilespmem:s7], [sflag:$0x1] =	stream.indirect.gather [hbm4b:s2+s6], $0x80, s18, s6, $0xb8;
	[tilespmem:$0x19800] =	vst v63  }
0x28: {  	_ =	swait.ge [sflag:s13], $0xC800  }
0x29: {  	s22 =	ssub.s32 $0x2, s20;
	[sflag:s13] =	ssyncset.done $0x0  }
0x2a: {  	s31 =	sshrl.u32 s22, $0x1;
	s19 =	sadd.s32 $0x4B00, s21;
	[sflag:s13] =	ssyncadd.s32 $0xFFFF3800  }
0x2b: {  	[hbm4b:s19+s3] =	stream.linear.scatter [tilespmem:s8], [sflag:$0x4], $0xC800, $0x38;
	[tilespmem:$0x19800] =	vst v63  }
0x2c: {  	s20 =	sadd.s32 $0x6400, s21;
	s21 =	ssub.s32 s22, s31;
	_ =	swait.ge [sflag:s9], $0xC800  }
0x2d: {  	s21 =	smax.u32 s21, $0x1;
	[sflag:s9] =	ssyncset.done $0x0  }
0x2e: {  	p0 =	sne.s32 s21, $0x1;
	[sflag:s9] =	ssyncadd.s32 $0xFFFF3800  }
0x2f: {  	[hbm4b:s20+s3] =	stream.linear.scatter [tilespmem:s7], [sflag:$0x3], $0xC800, $0x38;
	[tilespmem:$0x19800] =	vst v63  }
.Ltmp0:
0x30: {  	_ =	swait.ge [sflag:s15], $0xC800;
	(pc) =	sbr.rel @!p0 .LBB2_2-.Ltmp0, $4  }
0x31: {  	[sflag:s15] =	ssyncset.done $0x0  }
0x32: {  	[sflag:s15] =	ssyncadd.s32 $0xFFFF3800  }
0x33: {  	_ =	swait.ge [sflag:s10], $0xC800  }
0x34: {  	s21 =	sadd.s32 $0xFFFFFFFF, s21;
	[sflag:s10] =	ssyncset.done $0x0  }
.LBB2_1:
0x35: {  	p0 =	sne.s32 s21, $0x1;
	s21 =	sadd.s32 $0xFFFFFFFF, s21;
	[sflag:s10] =	ssyncadd.s32 $0xFFFF3800  }
0x36: {  	[tilespmem:s3], [sflag:$0x5] =	stream.linear.gather [hbm4b:s4+s3], $0x7D0, $0x38;
	[tilespmem:$0x19800] =	vst v63  }
0x37: {  	_ =	swait.ge [sflag:s5], $0x7D0  }
0x38: {  	[sflag:s5] =	ssyncset.done $0x0  }
0x39: {  	[sflag:s5] =	ssyncadd.s32 $0xFFFFF830  }
0x3a: {  	[tilespmem:s7], [sflag:$0x1] =	stream.indirect.gather [hbm4b:s2+s6], $0x80, s3, s6, $0xb8;
	[tilespmem:$0x19800] =	vst v63  }
0x3b: {  	_ = 	snop  }
0x3c: {  	[tilespmem:s8], [sflag:$0x2] =	stream.indirect.gather [hbm4b:s2+s6], $0x80, s6, s6, $0xb8;
	[tilespmem:$0x19800] =	vst v63  }
0x3d: {  	_ =	swait.ge [sflag:s9], $0xC800  }
0x3e: {  	[sflag:s9] =	ssyncset.done $0x0  }
0x3f: {  	[sflag:s9] =	ssyncadd.s32 $0xFFFF3800  }
0x40: {  	[hbm4b:s11+s3] =	stream.linear.scatter [tilespmem:s7], [sflag:$0x3], $0xC800, $0x38;
	[tilespmem:$0x19800] =	vst v63  }
0x41: {  	_ =	swait.ge [sflag:s10], $0xC800  }
0x42: {  	[sflag:s10] =	ssyncset.done $0x0  }
0x43: {  	[sflag:s10] =	ssyncadd.s32 $0xFFFF3800  }
0x44: {  	[tilespmem:s7], [sflag:$0x1] =	stream.indirect.gather [hbm4b:s2+s6], $0x80, s12, s6, $0xb8;
	[tilespmem:$0x19800] =	vst v63  }
0x45: {  	_ =	swait.ge [sflag:s13], $0xC800  }
0x46: {  	[sflag:s13] =	ssyncset.done $0x0  }
0x47: {  	[sflag:s13] =	ssyncadd.s32 $0xFFFF3800  }
0x48: {  	[hbm4b:s14+s3] =	stream.linear.scatter [tilespmem:s8], [sflag:$0x4], $0xC800, $0x38;
	[tilespmem:$0x19800] =	vst v63  }
0x49: {  	_ =	swait.ge [sflag:s15], $0xC800  }
0x4a: {  	[sflag:s15] =	ssyncset.done $0x0  }
0x4b: {  	[sflag:s15] =	ssyncadd.s32 $0xFFFF3800  }
0x4c: {  	[tilespmem:s8], [sflag:$0x2] =	stream.indirect.gather [hbm4b:s2+s6], $0x80, s16, s6, $0xb8;
	[tilespmem:$0x19800] =	vst v63  }
0x4d: {  	_ =	swait.ge [sflag:s9], $0xC800  }
0x4e: {  	[sflag:s9] =	ssyncset.done $0x0  }
0x4f: {  	[sflag:s9] =	ssyncadd.s32 $0xFFFF3800  }
0x50: {  	[hbm4b:s17+s3] =	stream.linear.scatter [tilespmem:s7], [sflag:$0x3], $0xC800, $0x38;
	[tilespmem:$0x19800] =	vst v63  }
0x51: {  	_ =	swait.ge [sflag:s10], $0xC800  }
0x52: {  	[sflag:s10] =	ssyncset.done $0x0  }
0x53: {  	[sflag:s10] =	ssyncadd.s32 $0xFFFF3800  }
0x54: {  	[tilespmem:s7], [sflag:$0x1] =	stream.indirect.gather [hbm4b:s2+s6], $0x80, s18, s6, $0xb8;
	[tilespmem:$0x19800] =	vst v63  }
0x55: {  	_ =	swait.ge [sflag:s13], $0xC800  }
0x56: {  	[sflag:s13] =	ssyncset.done $0x0  }
0x57: {  	[sflag:s13] =	ssyncadd.s32 $0xFFFF3800  }
0x58: {  	[hbm4b:s19+s3] =	stream.linear.scatter [tilespmem:s8], [sflag:$0x4], $0xC800, $0x38;
	[tilespmem:$0x19800] =	vst v63  }
0x59: {  	_ =	swait.ge [sflag:s9], $0xC800  }
0x5a: {  	[sflag:s9] =	ssyncset.done $0x0  }
0x5b: {  	[sflag:s9] =	ssyncadd.s32 $0xFFFF3800  }
0x5c: {  	[hbm4b:s20+s3] =	stream.linear.scatter [tilespmem:s7], [sflag:$0x3], $0xC800, $0x38;
	[tilespmem:$0x19800] =	vst v63  }
.Ltmp1:
0x5d: {  	_ =	swait.ge [sflag:s15], $0xC800;
	(pc) =	sbr.rel @p0 .LBB2_1-.Ltmp1, $4  }
0x5e: {  	[sflag:s15] =	ssyncset.done $0x0  }
0x5f: {  	[sflag:s15] =	ssyncadd.s32 $0xFFFF3800  }
0x60: {  	_ =	swait.ge [sflag:s10], $0xC800  }
0x61: {  	[sflag:s10] =	ssyncset.done $0x0  }
.LBB2_2:
0x62: {  	[sflag:s10] =	ssyncadd.s32 $0xFFFF3800  }
0x63: {  	_ =	sfence.sel $0x180000  }
0x64: {  	[bflag:$0x0] =	sbarrier.arrive $0xFFFF  }
0x65: {  	p0 =	sne.s32 s0, $0x0;
	_ =	strace $0x90000050  }
0x66: {  	s0 =	sadd.s32 @!p0 $0x100000, s1;
	[bflag:$0x2] =	sbarrier.arrive $0xFFFF  }
0x67: {  	[sflag:s0] =	ssyncadd.tile.s32 @!p0 $0x1;
	_ =	shalt  }
.Lfunc_end2:
_tile_overlayer_lowered:
.L_overlay_start_2:
0x68: {  	(tag) =	ssettag $0x2  }
0x69: {  	s0 =	rddreg [dreg:$0x0];
	s2 =	stileid.u32  }
0x6a: {  	s1 =	rddreg [dreg:$0x1];
	p0 =	sne.s32 s2, $0x0  }
0x6b: {  	s3 =	rddreg [dreg:$0x2];
	[bflag:$0x3] =	sbarrier.arrive $0xFFFF;
	s2 =	simm.s32 @!p0 $0x1C05  }
0x6c: {  	[timem:s3], [sflag:s2] =	dma.local @!p0 [hbm:s0], s1  }
0x6d: {  	s0 =	simm.s32 @!p0 $0x5  }
0x6e: {  	_ =	swait.ge @!p0 [sflag:s0], s1  }
0x6f: {  	s1 =	ssub.s32 @!p0 $0x0, s1;
	[sflag:s0] =	ssyncset.done @!p0 $0x0  }
0x70: {  	[sflag:s0] =	ssyncadd.s32 @!p0 s1  }
0x71: {  	[bflag:$0x3] =	sbarrier.arrive $0xFFFF  }
0x72: {  	_ =	shalt  }

// kernel: kernel.25.cloned.1.call-start
scs
__scs_entry_jumppad:
0x0: {  	(pc) =	sbr.rel $0x88, $3  }
0x1: {  	(tag) =	ssettag $0x0;
	lr =	simm.s32 $0x1  }
0x2: {  	[smem:$0x3F94] =	sst lr;
	_ =	strace $0xD0000000  }
0x3: {  	_ = 	snop  }
0x4: {  	_ = 	snop  }
0x5: {  	_ = 	snop  }
0x6: {  	_ = 	snop  }
0x7: {  	_ = 	snop  }
__scs_overlays_trampoline_lowered:
0x8: {  	[smem:$0x3FA3] =	sst s0  }
0x9: {  	[smem:$0x3FA4] =	sst s1  }
0xa: {  	[smem:$0x3FA5] =	sst s2  }
0xb: {  	[smem:$0x3FA6] =	sst s3  }
0xc: {  	[smem:$0x3FA7] =	sst s4  }
0xd: {  	[smem:$0x3FA8] =	sst s5  }
0xe: {  	[smem:$0x3FA9] =	sst s6  }
0xf: {  	[smem:$0x3FAA] =	sst s7  }
0x10: {  	[smem:$0x3FAB] =	sst s8  }
0x11: {  	[smem:$0x3FAC] =	sst s9;
	s0 =	simm.s32 @!p0 $0x0  }
0x12: {  	s1 =	sld [smem:$0x3F92];
	s0 =	simm.s32 @p0 $0x1  }
0x13: {  	[smem:$0x3FAD] =	sst s0;
	s0 =	simm.s32 @!p1 $0x0  }
0x14: {  	s2 =	sld [smem:$0x3F91];
	s0 =	simm.s32 @p1 $0x1  }
0x15: {  	[smem:$0x3FAE] =	sst s0;
	s0 =	simm.s32 @!p2 $0x0  }
0x16: {  	s3 =	sld [smem:$0x3FDB];
	s0 =	simm.s32 @p2 $0x1  }
0x17: {  	s4 =	simm.s32 $0x1BF5;
	[smem:$0x3FB0] =	sst s0  }
0x18: {  	s0 =	sld [smem:$0x3F93];
	_ =	swait.ge [sflag:s4], $0x0  }
0x19: {  	s7 =	sld [smem:$0x3F94]  }
0x1a: {  	s8 =	sadd.s32 $0xFFFFE003, lr  }
0x1b: {  	s9 =	sadd.s32 $0xFFFFFEF7, lr;
	s5 =	simm.s32 $0xFFFFFFFF;
	p2 =	slt.u32 s8, $0xFFFFF086  }
0x1c: {  	p1 =	slt.u32 s9, $0xF7A;
	s5 =	simm.s32 @!p2 $0x0  }
0x1d: {  	s5 =	simm.s32 @p1 $0x1;
	p0 =	seq.s32 s7, s2  }
0x1e: {  	s7 =	smul.u32 @!p0 $0xF7A, s2;
	p2 =	seq.s32 @!p0 s5, $0x0  }
0x1f: {  	s9 =	smul.u32 $0xF7A, s1;
	s8 =	simm.s32 @!p0 $0x1BF5;
	p2 =	por !p2, p0  }
0x20: {  	[sflag:s8] =	ssyncset.s32 @!p0 $0xFFFFF086;
	s6 =	sadd.s32 @!p0 s3, s7;
	s7 =	simm.s32 @!p0 $0x108  }
0x21: {  	s3 =	sadd.s32 s3, s9;
	s6 =	sadd.s32 @!p0 $0x88, s6;
	s7 =	simm.s32 @p2 $0x1082  }
0x22: {  	[simem:s7], [sflag:s8] =	dma.local @!p0 [hbm:s6], $0xF7A  }
0x23: {  	s9 =	sor.u32 $0xD0000000, s2;
	s6 =	simm.s32 $0x108;
	_ =	swait.ge @!p0 [sflag:s8], $0x0  }
0x24: {  	s3 =	sadd.s32 $0x88, s3;
	s6 =	simm.s32 @!p1 $0x1082;
	[sflag:s4] =	ssyncset.s32 $0xFFFFF086  }
0x25: {  	[simem:s6], [sflag:s4] =	dma.local [hbm:s3], $0xF7A  }
0x26: {  	[smem:$0x3F94] =	sst s1;
	(tag) =	ssettag s2;
	_ =	strace s9  }
0x27: {  	s1 =	sld [smem:$0x3FA4]  }
0x28: {  	s2 =	sld [smem:$0x3FA5]  }
0x29: {  	s4 =	sld [smem:$0x3FA7]  }
0x2a: {  	p0 =	seq.s32 s5, $0x0;
	s5 =	sld [smem:$0x3FA8]  }
0x2b: {  	s6 =	sld [smem:$0x3FA9]  }
0x2c: {  	s7 =	sld [smem:$0x3FAA]  }
0x2d: {  	s3 =	simm.s32 $0x108;
	s8 =	sld [smem:$0x3FAB]  }
0x2e: {  	s3 =	simm.s32 @!p0 $0x1082;
	s9 =	sld [smem:$0x3FAC]  }
0x2f: {  	lr =	sadd.s32 s0, s3;
	s0 =	sld [smem:$0x3FA3]  }
0x30: {  	s3 =	sld [smem:$0x3FA6]  }
0x31: {  	[smem:$0x3FAF] =	sst s10  }
0x32: {  	s10 =	sld [smem:$0x3FAD];
	_ =	sdelay $0x3  }
0x33: {  	p0 =	seq.s32 s10, $0x1;
	s10 =	sld [smem:$0x3FAF];
	_ =	sdelay $0x3  }
0x34: {  	[smem:$0x3FAF] =	sst s10  }
0x35: {  	s10 =	sld [smem:$0x3FAE];
	_ =	sdelay $0x3  }
0x36: {  	p1 =	seq.s32 s10, $0x1;
	s10 =	sld [smem:$0x3FAF];
	_ =	sdelay $0x3  }
0x37: {  	[smem:$0x3FAF] =	sst s10  }
0x38: {  	s10 =	sld [smem:$0x3FB0]  }
0x39: {  	_ = 	snop;
	(pc) =	sbr.ind lr, $3  }
0x3a: {  	_ = 	snop  }
0x3b: {  	_ = 	snop  }
0x3c: {  	p2 =	seq.s32 s10, $0x1;
	s10 =	sld [smem:$0x3FAF]  }
0x3d: {  	_ =	shalt  }
0x3e: {  	_ =	shalt  }
0x3f: {  	_ =	shalt  }
0x40: {  	_ =	shalt  }
0x41: {  	_ =	shalt  }
0x42: {  	_ =	shalt  }
0x43: {  	_ =	shalt  }
0x44: {  	_ =	shalt  }
0x45: {  	_ =	shalt  }
0x46: {  	_ =	shalt  }
0x47: {  	_ =	shalt  }
0x48: {  	_ =	shalt  }
0x49: {  	_ =	shalt  }
0x4a: {  	_ =	shalt  }
0x4b: {  	_ =	shalt  }
0x4c: {  	_ =	shalt  }
0x4d: {  	_ =	shalt  }
0x4e: {  	_ =	shalt  }
0x4f: {  	_ =	shalt  }
0x50: {  	_ =	shalt  }
0x51: {  	_ =	shalt  }
0x52: {  	_ =	shalt  }
0x53: {  	_ =	shalt  }
0x54: {  	_ =	shalt  }
0x55: {  	_ =	shalt  }
0x56: {  	_ =	shalt  }
0x57: {  	_ =	shalt  }
0x58: {  	_ =	shalt  }
0x59: {  	_ =	shalt  }
0x5a: {  	_ =	shalt  }
0x5b: {  	_ =	shalt  }
0x5c: {  	_ =	shalt  }
0x5d: {  	_ =	shalt  }
0x5e: {  	_ =	shalt  }
0x5f: {  	_ =	shalt  }
0x60: {  	_ =	shalt  }
0x61: {  	_ =	shalt  }
0x62: {  	_ =	shalt  }
0x63: {  	_ =	shalt  }
0x64: {  	_ =	shalt  }
0x65: {  	_ =	shalt  }
0x66: {  	_ =	shalt  }
0x67: {  	_ =	shalt  }
0x68: {  	_ =	shalt  }
0x69: {  	_ =	shalt  }
0x6a: {  	_ =	shalt  }
0x6b: {  	_ =	shalt  }
0x6c: {  	_ =	shalt  }
0x6d: {  	_ =	shalt  }
0x6e: {  	_ =	shalt  }
0x6f: {  	_ =	shalt  }
0x70: {  	_ =	shalt  }
0x71: {  	_ =	shalt  }
0x72: {  	_ =	shalt  }
0x73: {  	_ =	shalt  }
0x74: {  	_ =	shalt  }
0x75: {  	_ =	shalt  }
0x76: {  	_ =	shalt  }
0x77: {  	_ =	shalt  }
0x78: {  	_ =	shalt  }
0x79: {  	_ =	shalt  }
0x7a: {  	_ =	shalt  }
0x7b: {  	_ =	shalt  }
0x7c: {  	_ =	shalt  }
0x7d: {  	_ =	shalt  }
0x7e: {  	_ =	shalt  }
0x7f: {  	_ =	shalt  }
0x80: {  	_ =	shalt  }
0x81: {  	_ =	shalt  }
0x82: {  	_ =	shalt  }
0x83: {  	_ =	shalt  }
0x84: {  	_ =	shalt  }
0x85: {  	_ =	shalt  }
0x86: {  	_ =	shalt  }
0x87: {  	_ =	shalt  }
.Lfunc_end0:
.L_simem_size_0:
called_computation.4_lowered:
.L_overlay_start_0:
0x88: {  	s2 =	sld [smem:$0x3FD9]  }
0x89: {  	s3 =	sld [smem:$0x3FFE];
	_ =	sdelay $0x1  }
0x8a: {  	s1 =	srdreg.scid  }
0x8b: {  	s0 =	sand.u32 $0x1, s1  }
0x8c: {  	s17 =	sshll.u32 s0, $0xA;
	s2 =	sadd.s32 s3, s2  }
0x8d: {  	s2 =	sadd.s32 s2, s17  }
0x8e: {  	[smem:$0x3FBB] =	sst s2  }
0x8f: {  	_ = 	snop  }
0x90: {  	s18 =	sld [smem:$0x3FD0];
	(tm) =	ssettm $0x1  }
0x91: {  	s19 =	sld [smem:$0x3FFB];
	_ =	sdelay $0x3  }
0x92: {  	_ =	strace s19  }
0x93: {  	s2 =	sld [smem:$0x3FFC];
	_ =	sdelay $0x3  }
0x94: {  	_ =	strace s2  }
0x95: {  	s2 =	sld [smem:$0x3FFD];
	_ =	sdelay $0x3  }
0x96: {  	_ =	strace s2  }
0x97: {  	_ =	strace $0x8FFFFFFF  }
0x98: {  	s20 =	sld [smem:$0x3FDB];
	_ =	sdelay $0x1  }
0x99: {  	s4 =	simm.s32 $_scs_section_size  }
0x9a: {  	s5 =	simm.s32 $_size__tile_overlayer_lowered;
	s6 =	simm.s32 $_tile_overlayer_lowered  }
0x9b: {  	s7 =	simm.s32 $0x1BFF;
	s21 =	sshll.u32 s6, $0x1;
	s4 =	sadd.s32 s4, s20  }
0x9c: {  	s22 =	simm.s32 $0x0;
	s5 =	sshll.u32 s5, $0x1;
	s6 =	sadd.s32 s21, s4  }
0x9d: {  	[timem:s22], [sflag:s7] =	dma.local [hbm:s6], s5  }
0x9e: {  	_ =	swait.ge [sflag:s7], s5  }
0x9f: {  	s5 =	ssub.s32 $0x0, s5;
	[sflag:s7] =	ssyncset.done $0x0  }
0xa0: {  	[sflag:s7] =	ssyncadd.s32 s5;
	_ =	sdelay $0x1  }
0xa1: {  	s23 =	simm.s32 $0x1B8B  }
0xa2: {  	_ =	swait.ge [sflag:s23], $0x1  }
0xa3: {  	[sflag:s23] =	ssyncset.done $0x0  }
0xa4: {  	[sflag:s23] =	ssyncadd.s32 $0xFFFFFFFF  }
0xa5: {  	s5 =	sld [smem:$0x0]  }
0xa6: {  	s6 =	sand.u32 $0xFFFFFFFE, s1  }
0xa7: {  	p0 =	sne.s32 s1, s6  }
0xa8: {  	s6 =	sshll.u32 @p0 s6, $0xE  }
0xa9: {  	s6 =	sadd.s32 @p0 $0x11B8D, s6;
	s7 =	sshll.u32 @p0 s5, $0x11  }
0xaa: {  	s6 =	sor.u32 @p0 s7, s6  }
0xab: {  	[sflag:s6] =	ssyncadd.remote.s32 @p0 $0x1;
	_ =	sdelay $0x1  }
0xac: {  	s6 =	simm.s32 @p0 $0x1B8D  }
0xad: {  	_ =	swait.eq @p0 [sflag:s6], $0x1  }
0xae: {  	[sflag:s6] =	ssyncadd.s32 @p0 $0xFFFFFFFF  }
0xaf: {  	s7 =	sshll.u32 @!p0 s1, $0xE  }
0xb0: {  	s7 =	sor.u32 @!p0 $0x4000, s7;
	s6 =	simm.s32 @!p0 $0x1B8D  }
0xb1: {  	s5 =	sshll.u32 @!p0 s5, $0x11;
	s7 =	sadd.s32 @!p0 $0x11B8D, s7;
	_ =	swait.eq @!p0 [sflag:s6], $0x1  }
0xb2: {  	s5 =	sor.u32 @!p0 s5, s7;
	[sflag:s6] =	ssyncadd.s32 @!p0 $0xFFFFFFFF  }
0xb3: {  	s25 =	simm.s32 $0x1B8E;
	s24 =	sld [smem:$0x3FFE];
	[sflag:s5] =	ssyncadd.remote.s32 @!p0 $0x1  }
0xb4: {  	s26 =	simm.s32 $execute0_lowered;
	[smem:$0x3FD2] =	sst s25  }
0xb5: {  	s6 =	sshll.u32 s26, $0x1;
	_ =	strace $0x80000052;
	[dreg:$0x1] =	wrdreg $0xFFFFFFFF  }
0xb6: {  	s28 =	simm.s32 $_size_execute0_lowered;
	s4 =	sadd.s32 s4, s6;
	[dreg:$0x0] =	wrdreg $0x0  }
0xb7: {  	s6 =	sshll.u32 s28, $0x1;
	[dreg:$0x2] =	wrdreg s4  }
0xb8: {  	[dreg:$0x3] =	wrdreg s6  }
0xb9: {  	[dreg:$0x4] =	wrdreg $0xC0  }
0xba: {  	_ =	task [dreg:s22], $0x5FFFF  }
0xbb: {  	[dreg:$0x1] =	wrdreg $0xFFFFFFFF  }
0xbc: {  	[dreg:$0x0] =	wrdreg $0x60  }
0xbd: {  	[dreg:$0x2] =	wrdreg s18  }
0xbe: {  	[dreg:$0x3] =	wrdreg s24  }
0xbf: {  	[dreg:$0x4] =	wrdreg $0xD  }
0xc0: {  	_ =	task.clear_ibuf [dreg:s22], $0x5FFFF;
	_ =	strace $0x90000052  }
0xc1: {  	s29 =	simm.s32 $0xD;
	_ =	strace $0x80000054  }
0xc2: {  	_ =	swait.ge [sflag:s29], $0x1  }
0xc3: {  	[sflag:s29] =	ssyncadd.s32 $0xFFFFFFFF  }
0xc4: {  	_ =	strace $0x90000054  }
0xc5: {  	_ =	sfence  }
0xc6: {  	s30 =	sld [smem:$0x0];
	_ =	sdelay $0x2  }
0xc7: {  	s31 =	sshll.u32 s1, $0xD;
	s1 =	sshrl.u32 s1, $0x2  }
0xc8: {  	s4 =	sand.u32 $0x4000, s31;
	s1 =	sadd.s32 s1, s30  }
0xc9: {  	s0 =	sor.u32 s4, s0;
	s1 =	sshll.u32 s1, $0x11  }
0xca: {  	s0 =	sor.u32 s1, s0  }
0xcb: {  	s0 =	sadd.s32 $0x8F2B, s0  }
0xcc: {  	[sflag:s0] =	ssyncadd.remote.s32 $0x1  }
0xcd: {  	_ =	sfence.sel $0xFFFF  }
0xce: {  	[dreg:$0x0] =	wrdreg $0xFFFFFFFF;
	(pc) =	sbr.abs _section_cstart, $3  }
0xcf: {  	[dreg:$0x1] =	wrdreg $0xFFFFFFFF  }
0xd0: {  	_ =	task.clear_ibuf [dreg:s22], $0x2FFFF;
	_ =	strace $0x9FFFFFFF  }
0xd1: {  	(tm) =	ssettm $0x7FFFFFFF  }
tec
execute0_lowered:
.L_overlay_start_1:
0x0: {  	(tag) =	ssettag $0x1  }
0x1: {  	s1 =	srdreg.scid;
	s0 =	stileid.u32  }
0x2: {  	s20 =	sand.u32 $0x1, s1;
	s30 =	sshll.u32 s0, $0x1  }
0x3: {  	s12 =	sor.u32 s20, s30  }
0x4: {  	s4 =	smul.u32 $0x7D0, s12  }
0x5: {  	s2 =	rddreg [dreg:$0x0]  }
0x6: {  	s10 =	rddreg [dreg:$0x1];
	s3 =	simm.s32 $0x0;
	s4 =	sshrl.u32 s4, $0x3  }
0x7: {  	s5 =	simm.s32 $0x5;
	[smem:$0x7FF] =	sst s3;
	s4 =	sadd.s32 s10, s4  }
0x8: {  	s1 =	rddreg [dreg:$0x2];
	_ =	strace $0x80000053;
	s4 =	sadd.s32 $0xC100, s4  }
0x9: {  	[tilespmem:s3], [sflag:$0x5] =	stream.linear.gather [hbm4b:s4+s3], $0x7D0, $0x38;
	[tilespmem:$0x19800] =	vst v63  }
0xa: {  	_ =	swait.ge [sflag:s5], $0x7D0  }
0xb: {  	[sflag:s5] =	ssyncset.done $0x0  }
0xc: {  	s6 =	simm.s32 $0x190;
	s7 =	simm.s32 $0x800;
	[sflag:s5] =	ssyncadd.s32 $0xFFFFF830  }
0xd: {  	[tilespmem:s7], [sflag:$0x1] =	stream.indirect.gather [hbm4b:s2+s6], $0x80, s3, s6, $0xb8;
	[tilespmem:$0x19800] =	vst v63  }
0xe: {  	s8 =	simm.s32 $0xD000;
	s9 =	simm.s32 $0x1  }
0xf: {  	[tilespmem:s8], [sflag:$0x2] =	stream.indirect.gather [hbm4b:s2+s6], $0x80, s6, s6, $0xb8;
	[tilespmem:$0x19800] =	vst v63  }
0x10: {  	s11 =	smul.u32 $0x7D00, s12;
	_ =	swait.ge [sflag:s9], $0xC800  }
0x11: {  	s14 =	sadd.s32 $0x3F6200, s10;
	[sflag:s9] =	ssyncset.done $0x0  }
0x12: {  	s11 =	sadd.s32 s14, s11;
	s10 =	simm.s32 $0x3;
	[sflag:s9] =	ssyncadd.s32 $0xFFFF3800  }
0x13: {  	[hbm4b:s11+s3] =	stream.linear.scatter [tilespmem:s7], [sflag:$0x3], $0xC800, $0x38;
	[tilespmem:$0x19800] =	vst v63  }
0x14: {  	_ =	swait.ge [sflag:s10], $0xC800  }
0x15: {  	s13 =	simm.s32 $0x2;
	[sflag:s10] =	ssyncset.done $0x0  }
0x16: {  	s15 =	smul.u32 $0x3E800, s12;
	s12 =	simm.s32 $0x320;
	[sflag:s10] =	ssyncadd.s32 $0xFFFF3800  }
0x17: {  	[tilespmem:s7], [sflag:$0x1] =	stream.indirect.gather [hbm4b:s2+s6], $0x80, s12, s6, $0xb8;
	[tilespmem:$0x19800] =	vst v63  }
0x18: {  	s15 =	sshrl.u32 s15, $0x3;
	_ =	swait.ge [sflag:s13], $0xC800  }
0x19: {  	s21 =	sadd.s32 s14, s15;
	[sflag:s13] =	ssyncset.done $0x0  }
0x1a: {  	s15 =	simm.s32 $0x4;
	s14 =	sadd.s32 $0x1900, s21;
	[sflag:s13] =	ssyncadd.s32 $0xFFFF3800  }
0x1b: {  	[hbm4b:s14+s3] =	stream.linear.scatter [tilespmem:s8], [sflag:$0x4], $0xC800, $0x38;
	[tilespmem:$0x19800] =	vst v63  }
0x1c: {  	_ =	swait.ge [sflag:s15], $0xC800  }
0x1d: {  	[sflag:s15] =	ssyncset.done $0x0  }
0x1e: {  	s16 =	simm.s32 $0x4B0;
	[sflag:s15] =	ssyncadd.s32 $0xFFFF3800  }
0x1f: {  	[tilespmem:s8], [sflag:$0x2] =	stream.indirect.gather [hbm4b:s2+s6], $0x80, s16, s6, $0xb8;
	[tilespmem:$0x19800] =	vst v63  }
0x20: {  	_ =	swait.ge [sflag:s9], $0xC800  }
0x21: {  	[sflag:s9] =	ssyncset.done $0x0  }
0x22: {  	s17 =	sadd.s32 $0x3200, s21;
	[sflag:s9] =	ssyncadd.s32 $0xFFFF3800  }
0x23: {  	[hbm4b:s17+s3] =	stream.linear.scatter [tilespmem:s7], [sflag:$0x3], $0xC800, $0x38;
	[tilespmem:$0x19800] =	vst v63  }
0x24: {  	_ =	swait.ge [sflag:s10], $0xC800  }
0x25: {  	[sflag:s10] =	ssyncset.done $0x0  }
0x26: {  	s18 =	simm.s32 $0x640;
	[sflag:s10] =	ssyncadd.s32 $0xFFFF3800  }
0x27: {  	[tilespmem:s7], [sflag:$0x1] =	stream.indirect.gather [hbm4b:s2+s6], $0x80, s18, s6, $0xb8;
	[tilespmem:$0x19800] =	vst v63  }
0x28: {  	_ =	swait.ge [sflag:s13], $0xC800  }
0x29: {  	s22 =	ssub.s32 $0x2, s20;
	[sflag:s13] =	ssyncset.done $0x0  }
0x2a: {  	s31 =	sshrl.u32 s22, $0x1;
	s19 =	sadd.s32 $0x4B00, s21;
	[sflag:s13] =	ssyncadd.s32 $0xFFFF3800  }
0x2b: {  	[hbm4b:s19+s3] =	stream.linear.scatter [tilespmem:s8], [sflag:$0x4], $0xC800, $0x38;
	[tilespmem:$0x19800] =	vst v63  }
0x2c: {  	s20 =	sadd.s32 $0x6400, s21;
	s21 =	ssub.s32 s22, s31;
	_ =	swait.ge [sflag:s9], $0xC800  }
0x2d: {  	s21 =	smax.u32 s21, $0x1;
	[sflag:s9] =	ssyncset.done $0x0  }
0x2e: {  	p0 =	sne.s32 s21, $0x1;
	[sflag:s9] =	ssyncadd.s32 $0xFFFF3800  }
0x2f: {  	[hbm4b:s20+s3] =	stream.linear.scatter [tilespmem:s7], [sflag:$0x3], $0xC800, $0x38;
	[tilespmem:$0x19800] =	vst v63  }
.Ltmp0:
0x30: {  	_ =	swait.ge [sflag:s15], $0xC800;
	(pc) =	sbr.rel @!p0 .LBB2_2-.Ltmp0, $4  }
0x31: {  	[sflag:s15] =	ssyncset.done $0x0  }
0x32: {  	[sflag:s15] =	ssyncadd.s32 $0xFFFF3800  }
0x33: {  	_ =	swait.ge [sflag:s10], $0xC800  }
0x34: {  	s21 =	sadd.s32 $0xFFFFFFFF, s21;
	[sflag:s10] =	ssyncset.done $0x0  }
.LBB2_1:
0x35: {  	p0 =	sne.s32 s21, $0x1;
	s21 =	sadd.s32 $0xFFFFFFFF, s21;
	[sflag:s10] =	ssyncadd.s32 $0xFFFF3800  }
0x36: {  	[tilespmem:s3], [sflag:$0x5] =	stream.linear.gather [hbm4b:s4+s3], $0x7D0, $0x38;
	[tilespmem:$0x19800] =	vst v63  }
0x37: {  	_ =	swait.ge [sflag:s5], $0x7D0  }
0x38: {  	[sflag:s5] =	ssyncset.done $0x0  }
0x39: {  	[sflag:s5] =	ssyncadd.s32 $0xFFFFF830  }
0x3a: {  	[tilespmem:s7], [sflag:$0x1] =	stream.indirect.gather [hbm4b:s2+s6], $0x80, s3, s6, $0xb8;
	[tilespmem:$0x19800] =	vst v63  }
0x3b: {  	_ = 	snop  }
0x3c: {  	[tilespmem:s8], [sflag:$0x2] =	stream.indirect.gather [hbm4b:s2+s6], $0x80, s6, s6, $0xb8;
	[tilespmem:$0x19800] =	vst v63  }
0x3d: {  	_ =	swait.ge [sflag:s9], $0xC800  }
0x3e: {  	[sflag:s9] =	ssyncset.done $0x0  }
0x3f: {  	[sflag:s9] =	ssyncadd.s32 $0xFFFF3800  }
0x40: {  	[hbm4b:s11+s3] =	stream.linear.scatter [tilespmem:s7], [sflag:$0x3], $0xC800, $0x38;
	[tilespmem:$0x19800] =	vst v63  }
0x41: {  	_ =	swait.ge [sflag:s10], $0xC800  }
0x42: {  	[sflag:s10] =	ssyncset.done $0x0  }
0x43: {  	[sflag:s10] =	ssyncadd.s32 $0xFFFF3800  }
0x44: {  	[tilespmem:s7], [sflag:$0x1] =	stream.indirect.gather [hbm4b:s2+s6], $0x80, s12, s6, $0xb8;
	[tilespmem:$0x19800] =	vst v63  }
0x45: {  	_ =	swait.ge [sflag:s13], $0xC800  }
0x46: {  	[sflag:s13] =	ssyncset.done $0x0  }
0x47: {  	[sflag:s13] =	ssyncadd.s32 $0xFFFF3800  }
0x48: {  	[hbm4b:s14+s3] =	stream.linear.scatter [tilespmem:s8], [sflag:$0x4], $0xC800, $0x38;
	[tilespmem:$0x19800] =	vst v63  }
0x49: {  	_ =	swait.ge [sflag:s15], $0xC800  }
0x4a: {  	[sflag:s15] =	ssyncset.done $0x0  }
0x4b: {  	[sflag:s15] =	ssyncadd.s32 $0xFFFF3800  }
0x4c: {  	[tilespmem:s8], [sflag:$0x2] =	stream.indirect.gather [hbm4b:s2+s6], $0x80, s16, s6, $0xb8;
	[tilespmem:$0x19800] =	vst v63  }
0x4d: {  	_ =	swait.ge [sflag:s9], $0xC800  }
0x4e: {  	[sflag:s9] =	ssyncset.done $0x0  }
0x4f: {  	[sflag:s9] =	ssyncadd.s32 $0xFFFF3800  }
0x50: {  	[hbm4b:s17+s3] =	stream.linear.scatter [tilespmem:s7], [sflag:$0x3], $0xC800, $0x38;
	[tilespmem:$0x19800] =	vst v63  }
0x51: {  	_ =	swait.ge [sflag:s10], $0xC800  }
0x52: {  	[sflag:s10] =	ssyncset.done $0x0  }
0x53: {  	[sflag:s10] =	ssyncadd.s32 $0xFFFF3800  }
0x54: {  	[tilespmem:s7], [sflag:$0x1] =	stream.indirect.gather [hbm4b:s2+s6], $0x80, s18, s6, $0xb8;
	[tilespmem:$0x19800] =	vst v63  }
0x55: {  	_ =	swait.ge [sflag:s13], $0xC800  }
0x56: {  	[sflag:s13] =	ssyncset.done $0x0  }
0x57: {  	[sflag:s13] =	ssyncadd.s32 $0xFFFF3800  }
0x58: {  	[hbm4b:s19+s3] =	stream.linear.scatter [tilespmem:s8], [sflag:$0x4], $0xC800, $0x38;
	[tilespmem:$0x19800] =	vst v63  }
0x59: {  	_ =	swait.ge [sflag:s9], $0xC800  }
0x5a: {  	[sflag:s9] =	ssyncset.done $0x0  }
0x5b: {  	[sflag:s9] =	ssyncadd.s32 $0xFFFF3800  }
0x5c: {  	[hbm4b:s20+s3] =	stream.linear.scatter [tilespmem:s7], [sflag:$0x3], $0xC800, $0x38;
	[tilespmem:$0x19800] =	vst v63  }
.Ltmp1:
0x5d: {  	_ =	swait.ge [sflag:s15], $0xC800;
	(pc) =	sbr.rel @p0 .LBB2_1-.Ltmp1, $4  }
0x5e: {  	[sflag:s15] =	ssyncset.done $0x0  }
0x5f: {  	[sflag:s15] =	ssyncadd.s32 $0xFFFF3800  }
0x60: {  	_ =	swait.ge [sflag:s10], $0xC800  }
0x61: {  	[sflag:s10] =	ssyncset.done $0x0  }
.LBB2_2:
0x62: {  	[sflag:s10] =	ssyncadd.s32 $0xFFFF3800  }
0x63: {  	_ =	sfence.sel $0x180000  }
0x64: {  	[bflag:$0x0] =	sbarrier.arrive $0xFFFF  }
0x65: {  	p0 =	sne.s32 s0, $0x0;
	_ =	strace $0x90000053  }
0x66: {  	s0 =	sadd.s32 @!p0 $0x100000, s1;
	[bflag:$0x2] =	sbarrier.arrive $0xFFFF  }
0x67: {  	[sflag:s0] =	ssyncadd.tile.s32 @!p0 $0x1;
	_ =	shalt  }
.Lfunc_end2:
_tile_overlayer_lowered:
.L_overlay_start_2:
0x68: {  	(tag) =	ssettag $0x2  }
0x69: {  	s0 =	rddreg [dreg:$0x0];
	s2 =	stileid.u32  }
0x6a: {  	s1 =	rddreg [dreg:$0x1];
	p0 =	sne.s32 s2, $0x0  }
0x6b: {  	s3 =	rddreg [dreg:$0x2];
	[bflag:$0x3] =	sbarrier.arrive $0xFFFF;
	s2 =	simm.s32 @!p0 $0x1C05  }
0x6c: {  	[timem:s3], [sflag:s2] =	dma.local @!p0 [hbm:s0], s1  }
0x6d: {  	s0 =	simm.s32 @!p0 $0x5  }
0x6e: {  	_ =	swait.ge @!p0 [sflag:s0], s1  }
0x6f: {  	s1 =	ssub.s32 @!p0 $0x0, s1;
	[sflag:s0] =	ssyncset.done @!p0 $0x0  }
0x70: {  	[sflag:s0] =	ssyncadd.s32 @!p0 s1  }
0x71: {  	[bflag:$0x3] =	sbarrier.arrive $0xFFFF  }
0x72: {  	_ =	shalt  }

</sc_bundles>
